<compile_context>
chip_gen: v7x
topology: tpu7x:2x2x1
jax: 0.10.2.dev20260603
libtpu: 0.0.44.dev20260713+nightly
codegen_flags: <defaults>
</compile_context>

<pallas_src>
import functools

import jax
import jax.numpy as jnp
from jax import lax
from jax.experimental import pallas as pl
from jax.experimental.pallas import tpu as pltpu
from jax.experimental.pallas import tpu_sc as plsc

N = 10000
NPAD = 10240
E = 320000
F = 128
NC, NS = 2, 16
EPS = E // NS
CH = 125
NSEG = 5
SCHUNK = 32
NPAIR = SCHUNK // 2
NH = NPAD // NC
HTRASH = NH
HROWS = 5248
DEGW = 16
DDEPTH = 8

_mesh = plsc.VectorSubcoreMesh(
    core_axis_name="c", subcore_axis_name="s", num_cores=NC, num_subcores=NS
)


def _map_dst(idx_in, idx_out, base, idx_src=None):
    offs = [min(k * 16, CH - 16) for k in range((CH + 15) // 16)]

    def body(j, carry):
        for o in offs:
            v = idx_in[j, pl.ds(o, 16)] - base
            m = (v >= 0) & (v < NH)
            idx_out[j, pl.ds(o, 16)] = jnp.where(m, v, HTRASH + (v & 127))
            if idx_src is not None:
                vs = idx_src[j, pl.ds(o, 16)]
                idx_src[j, pl.ds(o, 16)] = jnp.where(m, vs, 0)
        return carry

    lax.fori_loop(0, SCHUNK, body, 0)


def _fill_rows(ref, nrows, ncols, value):
    vec = jnp.full((16,), value, jnp.float32)

    def body(i, carry):
        for k in range(ncols // 16):
            ref[i, pl.ds(k * 16, 16)] = vec
        return carry

    lax.fori_loop(0, nrows, body, 0)


def _zero_shared(zbuf, sh, s):
    _fill_rows(zbuf, CH, zbuf.shape[1], 0.0)
    base = s * (HROWS // NS)
    pltpu.sync_copy(zbuf.at[pl.ds(0, 120)], sh.at[pl.ds(base, 120)])
    pltpu.sync_copy(zbuf.at[pl.ds(0, 120)], sh.at[pl.ds(base + 120, 120)])
    pltpu.sync_copy(zbuf.at[pl.ds(0, 88)], sh.at[pl.ds(base + 240, 88)])


def _copy_out(buf, sh, out_hbm, c, s):
    for k in range(4):
        r0 = s * 320 + k * 80
        pltpu.sync_copy(sh.at[pl.ds(r0, 80)], buf.at[pl.ds(0, 80)])
        pltpu.sync_copy(buf.at[pl.ds(0, 80)],
                        out_hbm.at[pl.ds(c * NH + r0, 80)])


@functools.partial(
    pl.kernel,
    out_type=jax.ShapeDtypeStruct((NPAD, DEGW), jnp.float32),
    mesh=_mesh,
    scratch_types=[
        pltpu.VMEM((SCHUNK, CH), jnp.int32),
        pltpu.VMEM((SCHUNK, CH), jnp.int32),
        pltpu.VMEM((CH, DEGW), jnp.float32),
        pltpu.VMEM((CH, DEGW), jnp.float32),
        pltpu.VMEM_SHARED((HROWS, DEGW), jnp.float32),
        pltpu.SemaphoreType.DMA,
    ],
)
def _deg_kernel(dst_hbm, out_hbm, idx_d, idx_dm, ones_v, buf, deg_sh, sem):
    c = lax.axis_index("c")
    s = lax.axis_index("s")
    _fill_rows(ones_v, CH, DEGW, 1.0)
    _zero_shared(buf, deg_sh, s)
    plsc.subcore_barrier()

    def seg(g, carry):
        pltpu.sync_copy(dst_hbm.at[s, g], idx_d)
        _map_dst(idx_d, idx_dm, c * NH)

        def body(j, carry2):
            pltpu.async_copy(ones_v, deg_sh.at[idx_dm.at[j]], sem, add=True)

            @pl.when(j >= DDEPTH)
            def _():
                pltpu.make_async_copy(
                    out_hbm.at[idx_dm.at[0]], ones_v, sem).wait()

            return carry2

        lax.fori_loop(0, SCHUNK, body, 0)

        def drain(j, carry2):
            pltpu.make_async_copy(
                out_hbm.at[idx_dm.at[0]], ones_v, sem).wait()
            return carry2

        lax.fori_loop(0, DDEPTH, drain, 0)
        return carry

    lax.fori_loop(0, NSEG, seg, 0)
    plsc.subcore_barrier()
    _copy_out(buf, deg_sh, out_hbm, c, s)


@functools.partial(
    pl.kernel,
    out_type=jax.ShapeDtypeStruct((NPAD, F), jnp.float32),
    mesh=_mesh,
    scratch_types=[
        pltpu.VMEM((SCHUNK, CH), jnp.int32),
        pltpu.VMEM((SCHUNK, CH), jnp.int32),
        pltpu.VMEM((SCHUNK, CH), jnp.int32),
        pltpu.VMEM((CH, F), jnp.float32),
        pltpu.VMEM((CH, F), jnp.float32),
        pltpu.VMEM_SHARED((HROWS, F), jnp.float32),
        pltpu.SemaphoreType.DMA,
        pltpu.SemaphoreType.DMA,
        pltpu.SemaphoreType.DMA,
        pltpu.SemaphoreType.DMA,
    ],
)
def _scatter_kernel(hs_hbm, src_hbm, dst_hbm, out_hbm,
                    idx_s, idx_d, idx_dm, r0, r1, acc_sh,
                    semg0, semg1, sems0, sems1):
    c = lax.axis_index("c")
    s = lax.axis_index("s")
    _zero_shared(r0, acc_sh, s)
    plsc.subcore_barrier()

    def drain(dst, sem):
        pltpu.make_async_copy(hs_hbm.at[idx_s.at[0]], dst, sem).wait()

    def seg(g, carry):
        pltpu.sync_copy(src_hbm.at[s, g], idx_s)
        pltpu.sync_copy(dst_hbm.at[s, g], idx_d)
        _map_dst(idx_d, idx_dm, c * NH)
        pltpu.async_copy(hs_hbm.at[idx_s.at[0]], r0, semg0)

        def pair(i, carry2):
            pltpu.async_copy(hs_hbm.at[idx_s.at[2 * i + 1]], r1, semg1)
            drain(r0, semg0)
            pltpu.async_copy(r0, acc_sh.at[idx_dm.at[2 * i]], sems0,
                             add=True)

            @pl.when(i < NPAIR - 1)
            def _():
                drain(r0, sems0)
                pltpu.async_copy(hs_hbm.at[idx_s.at[2 * i + 2]], r0, semg0)

            drain(r1, semg1)
            pltpu.async_copy(r1, acc_sh.at[idx_dm.at[2 * i + 1]], sems1,
                             add=True)

            @pl.when(i < NPAIR - 1)
            def _():
                drain(r1, sems1)

            return carry2

        lax.fori_loop(0, NPAIR, pair, 0)
        drain(r0, sems0)
        drain(r1, sems1)
        return carry

    lax.fori_loop(0, NSEG, seg, 0)
    plsc.subcore_barrier()
    _copy_out(r0, acc_sh, out_hbm, c, s)



BR = 1024
GRID = NPAD // BR

_DEGP_SPEC = pl.BlockSpec((BR, DEGW), lambda i: (i, 0))
_DIS_SPEC = pl.BlockSpec((BR, 16), lambda i: (i, 0))
_ROW_SPEC = pl.BlockSpec((BR, F), lambda i: (i, 0))
_MAT_SPEC = pl.BlockSpec((F, F), lambda i: (0, 0))
_VEC_SPEC = pl.BlockSpec((1, F), lambda i: (0, 0))


def _tc1_body(degp_ref, x_ref, w1_ref, hs1_ref, dis_ref):
    deg = degp_ref[:, 0] + 1.0
    dis = lax.rsqrt(deg)[:, None]
    h = jnp.dot(x_ref[...], w1_ref[...], preferred_element_type=jnp.float32)
    hs1_ref[...] = dis * h
    dis_ref[...] = jnp.broadcast_to(dis, (BR, 16))


_tc1 = pl.pallas_call(
    _tc1_body,
    grid=(GRID,),
    in_specs=[_DEGP_SPEC, _ROW_SPEC, _MAT_SPEC],
    out_specs=[_ROW_SPEC, _DIS_SPEC],
    out_shape=[jax.ShapeDtypeStruct((N, F), jnp.float32),
               jax.ShapeDtypeStruct((NPAD, 16), jnp.float32)],
)


def _tcmid_body(dis_ref, acc_ref, hs1_ref, b1_ref, w2_ref, hs2_ref):
    dis = dis_ref[:, :1]
    z = jnp.maximum(dis * (acc_ref[...] + hs1_ref[...]) + b1_ref[...], 0.0)
    h2 = jnp.dot(z, w2_ref[...], preferred_element_type=jnp.float32)
    hs2_ref[...] = dis * h2


_tcmid = pl.pallas_call(
    _tcmid_body,
    grid=(GRID,),
    in_specs=[_DIS_SPEC, _ROW_SPEC, _ROW_SPEC, _VEC_SPEC, _MAT_SPEC],
    out_specs=_ROW_SPEC,
    out_shape=jax.ShapeDtypeStruct((N, F), jnp.float32),
)


def _tcf_body(dis_ref, acc_ref, hs2_ref, b2_ref, out_ref):
    out_ref[...] = (dis_ref[:, :1] * (acc_ref[...] + hs2_ref[...])
                    + b2_ref[...])


_tcf = pl.pallas_call(
    _tcf_body,
    grid=(GRID,),
    in_specs=[_DIS_SPEC, _ROW_SPEC, _ROW_SPEC, _VEC_SPEC],
    out_specs=_ROW_SPEC,
    out_shape=jax.ShapeDtypeStruct((N, F), jnp.float32),
)


def kernel(x, edge_index, W1, b1, W2, b2):
    src = edge_index[0].astype(jnp.int32).reshape(NS, NSEG, SCHUNK, CH)
    dst = edge_index[1].astype(jnp.int32).reshape(NS, NSEG, SCHUNK, CH)
    degp = _deg_kernel(dst)
    hs1, dis = _tc1(degp, x, W1)
    acc1 = _scatter_kernel(hs1, src, dst)
    hs2 = _tcmid(dis, acc1, hs1, b1.reshape(1, F), W2)
    acc2 = _scatter_kernel(hs2, src, dst)
    return _tcf(dis, acc2, hs2, b2.reshape(1, F))

# --- scband reference (transcript-rebuilt; emitter-appended) ---
"""Pipeline reference for scband-link-predictor-10428180595499 (READ-ONLY COPY).

The authoritative reference and input builder live on the scoring server;
editing this copy changes nothing except your own understanding.
"""

import jax, jax.numpy as jnp
import numpy as np

N_NODES = 10000
N_EDGES = 320000
IN_CH = 128
HID_CH = 128
OUT_CH = 128


def gcn_conv(x, edge_index, W, b):
    n = x.shape[0]
    # add self-loops (PyG GCNConv default add_self_loops=True)
    loop = jnp.arange(n, dtype=edge_index.dtype)
    src = jnp.concatenate([edge_index[0], loop])
    dst = jnp.concatenate([edge_index[1], loop])
    # symmetric normalization D^{-1/2} A D^{-1/2}
    ones = jnp.ones(src.shape[0], dtype=x.dtype)
    deg = jax.ops.segment_sum(ones, dst, num_segments=n)
    deg_inv_sqrt = jnp.where(deg > 0, 1.0 / jnp.sqrt(deg), 0.0)
    norm = deg_inv_sqrt[src] * deg_inv_sqrt[dst]
    # linear transform then message passing (scatter-add at dst)
    h = x @ W
    msg = norm[:, None] * jnp.take(h, src, axis=0)
    out = jax.ops.segment_sum(msg, dst, num_segments=n)
    return out + b


def setup_inputs(seed: int = 0) -> dict:
    key = jax.random.key(seed)
    k1, k2, k3, k4, k5, k6 = jax.random.split(key, 6)
    x = jax.random.normal(k1, (N_NODES, IN_CH), dtype=jnp.float32)
    edge_index = jax.random.randint(k2, (2, N_EDGES), 0, N_NODES, dtype=jnp.int64)
    # glorot-style init for GCN weights
    W1 = jax.random.normal(k3, (IN_CH, HID_CH), dtype=jnp.float32) * (1.0 / np.sqrt(IN_CH))
    b1 = jnp.zeros((HID_CH,), dtype=jnp.float32)
    W2 = jax.random.normal(k4, (HID_CH, OUT_CH), dtype=jnp.float32) * (1.0 / np.sqrt(HID_CH))
    b2 = jnp.zeros((OUT_CH,), dtype=jnp.float32)
    return {"x": x, "edge_index": edge_index, "W1": W1, "b1": b1, "W2": W2, "b2": b2}


def reference(x, edge_index, W1, b1, W2, b2):
    h = gcn_conv(x, edge_index, W1, b1)
    h = jax.nn.relu(h)
    out = gcn_conv(h, edge_index, W2, b2)
    return out

if __name__ == "__main__":
    import jax
    _d = setup_inputs()
    print(jax.jit(kernel)(*tuple(_d.values())))

</pallas_src>

<mosaic_0001>
#map = affine_map<(d0, d1) -> (0, 0, 0, 0)>
#map1 = affine_map<(d0, d1) -> (0, 0)>
module attributes {stable_mosaic.version = 14 : i64} {
  func.func @_deg_kernel(%arg0: i32, %arg1: i32, %arg2: memref<16x5x32x125xi32, #tpu.memory_space<hbm>>, %arg3: memref<10240x16xf32, #tpu.memory_space<hbm>>, %arg4: memref<32x125xi32, #tpu.memory_space<vmem>>, %arg5: memref<32x125xi32, #tpu.memory_space<vmem>>, %arg6: memref<125x16xf32, #tpu.memory_space<vmem>>, %arg7: memref<125x16xf32, #tpu.memory_space<vmem>>, %arg8: memref<5248x16xf32, #tpu.memory_space<vmem_shared>>, %arg9: memref<!tpu.dma_semaphore, #tpu.memory_space<semaphore_mem>>) attributes {dimension_semantics = [#tpu.dimension_semantics<core_parallel>, #tpu.dimension_semantics<subcore_parallel>], iteration_bounds = array<i64: 2, 16>, scalar_prefetch = 0 : i64, scratch_operands = 6 : i64, tpu.core_type = #tpu.core_type<sc_vector_subcore>, window_params = [{transform_indices = #map}, {transform_indices = #map1}]} {
    %broadcast_in_dim3A = arith.constant 1.000000e+00 : f32
    %broadcast_in_dim3A_0 = vector.broadcast %broadcast_in_dim3A : f32 to vector<16xf32>
    %scan3A = arith.constant 0 : i32
    %scan3A_1 = arith.constant 0 : i32
    %scan3A_2 = arith.constant 125 : i32
    %scan3A_3 = arith.addi %scan3A_1, %scan3A_2 : i32
    %scan3A_4 = arith.constant 1 : i32
    scf.for %scan3A_53 = %scan3A_1 to %scan3A_3 step %scan3A_4  : i32 {
      %swap3A = arith.index_cast %scan3A_53 : i32 to index
      %swap3A_54 = arith.constant 0 : index
      %swap3A_55 = tpu.vector_load %arg6[%swap3A, %swap3A_54] {strides = array<i32>} : memref<125x16xf32, #tpu.memory_space<vmem>>, vector<1x16xf32>,
      %swap3A_56 = vector.shape_cast %swap3A_55 : vector<1x16xf32> to vector<16xf32>
      %swap3A_57 = vector.shape_cast %broadcast_in_dim3A_0 : vector<16xf32> to vector<1x16xf32>
      tpu.vector_store %arg6[%swap3A, %swap3A_54], %swap3A_57 {strides = array<i32>} : memref<125x16xf32, #tpu.memory_space<vmem>>, vector<1x16xf32>,
    }
    %scan3A_5 = arith.constant 125 : i32
    %broadcast_in_dim3A_6 = arith.constant 0.000000e+00 : f32
    %broadcast_in_dim3A_7 = vector.broadcast %broadcast_in_dim3A_6 : f32 to vector<16xf32>
    %scan3A_8 = arith.constant 0 : i32
    %scan3A_9 = arith.constant 0 : i32
    %scan3A_10 = arith.constant 125 : i32
    %scan3A_11 = arith.addi %scan3A_9, %scan3A_10 : i32
    %scan3A_12 = arith.constant 1 : i32
    scf.for %scan3A_53 = %scan3A_9 to %scan3A_11 step %scan3A_12  : i32 {
      %swap3A = arith.index_cast %scan3A_53 : i32 to index
      %swap3A_54 = arith.constant 0 : index
      %swap3A_55 = tpu.vector_load %arg7[%swap3A, %swap3A_54] {strides = array<i32>} : memref<125x16xf32, #tpu.memory_space<vmem>>, vector<1x16xf32>,
      %swap3A_56 = vector.shape_cast %swap3A_55 : vector<1x16xf32> to vector<16xf32>
      %swap3A_57 = vector.shape_cast %broadcast_in_dim3A_7 : vector<16xf32> to vector<1x16xf32>
      tpu.vector_store %arg7[%swap3A, %swap3A_54], %swap3A_57 {strides = array<i32>} : memref<125x16xf32, #tpu.memory_space<vmem>>, vector<1x16xf32>,
    }
    %scan3A_13 = arith.constant 125 : i32
    %mul3A = arith.constant 328 : i32
    %mul3A_14 = arith.muli %arg1, %mul3A : i32
    "tpu.region"() ({
      %run_scoped3A = tpu.sem_alloc : memref<!tpu.dma_semaphore, #tpu.memory_space<semaphore_mem>>
      %dma_start3A = arith.constant 0 : i32
      %dma_start3A_53 = arith.constant 0 : i32
      %dma_start3A_54 = tpu.memref_slice %arg7[%dma_start3A, %dma_start3A_53] : memref<125x16xf32, #tpu.memory_space<vmem>> -> memref<120x16xf32, #tpu.memory_space<vmem>>
      %dma_start3A_55 = arith.constant 0 : i32
      %dma_start3A_56 = tpu.memref_slice %arg8[%mul3A_14, %dma_start3A_55] : memref<5248x16xf32, #tpu.memory_space<vmem_shared>> -> memref<120x16xf32, #tpu.memory_space<vmem_shared>>
      %dma_start3A_57 = arith.constant 0 : i32
      %dma_start3A_58 = tpu.memref_slice %arg8[%mul3A_14, %dma_start3A_57] : memref<5248x16xf32, #tpu.memory_space<vmem_shared>> -> memref<120x16xf32, #tpu.memory_space<vmem_shared>>
      %dma_start3A_59 = arith.constant 0 : i32
      %dma_start3A_60 = arith.constant 0 : i32
      %dma_start3A_61 = tpu.memref_slice %arg7[%dma_start3A_59, %dma_start3A_60] : memref<125x16xf32, #tpu.memory_space<vmem>> -> memref<120x16xf32, #tpu.memory_space<vmem>>
      tpu.enqueue_dma source(%dma_start3A_61 : memref<120x16xf32, #tpu.memory_space<vmem>>) target(%dma_start3A_58 : memref<120x16xf32, #tpu.memory_space<vmem_shared>>) target_semaphore(%run_scoped3A : memref<!tpu.dma_semaphore, #tpu.memory_space<semaphore_mem>>)
      %dma_wait3A = arith.constant 0 : i32
      %dma_wait3A_62 = arith.constant 0 : i32
      %dma_wait3A_63 = tpu.memref_slice %arg7[%dma_wait3A, %dma_wait3A_62] : memref<125x16xf32, #tpu.memory_space<vmem>> -> memref<120x16xf32, #tpu.memory_space<vmem>>
      %dma_wait3A_64 = arith.constant 0 : i32
      %dma_wait3A_65 = tpu.memref_slice %arg8[%mul3A_14, %dma_wait3A_64] : memref<5248x16xf32, #tpu.memory_space<vmem_shared>> -> memref<120x16xf32, #tpu.memory_space<vmem_shared>>
      %dma_wait3A_66 = arith.constant 0 : i32
      %dma_wait3A_67 = tpu.memref_slice %arg8[%mul3A_14, %dma_wait3A_66] : memref<5248x16xf32, #tpu.memory_space<vmem_shared>> -> memref<120x16xf32, #tpu.memory_space<vmem_shared>>
      %dma_wait3A_68 = arith.constant 0 : i32
      %dma_wait3A_69 = arith.constant 0 : i32
      %dma_wait3A_70 = tpu.memref_slice %arg7[%dma_wait3A_68, %dma_wait3A_69] : memref<125x16xf32, #tpu.memory_space<vmem>> -> memref<120x16xf32, #tpu.memory_space<vmem>>
      tpu.wait_dma2 semaphore(%run_scoped3A : memref<!tpu.dma_semaphore, #tpu.memory_space<semaphore_mem>>) src(%dma_wait3A_70 : memref<120x16xf32, #tpu.memory_space<vmem>>) dst(%dma_wait3A_67 : memref<120x16xf32, #tpu.memory_space<vmem_shared>>)
      tpu.yield
    }) : () -> ()
    %add3A = arith.constant 120 : i32
    %add3A_15 = arith.addi %mul3A_14, %add3A : i32
    "tpu.region"() ({
      %run_scoped3A = tpu.sem_alloc : memref<!tpu.dma_semaphore, #tpu.memory_space<semaphore_mem>>
      %dma_start3A = arith.constant 0 : i32
      %dma_start3A_53 = arith.constant 0 : i32
      %dma_start3A_54 = tpu.memref_slice %arg7[%dma_start3A, %dma_start3A_53] : memref<125x16xf32, #tpu.memory_space<vmem>> -> memref<120x16xf32, #tpu.memory_space<vmem>>
      %dma_start3A_55 = arith.constant 0 : i32
      %dma_start3A_56 = tpu.memref_slice %arg8[%add3A_15, %dma_start3A_55] : memref<5248x16xf32, #tpu.memory_space<vmem_shared>> -> memref<120x16xf32, #tpu.memory_space<vmem_shared>>
      %dma_start3A_57 = arith.constant 0 : i32
      %dma_start3A_58 = tpu.memref_slice %arg8[%add3A_15, %dma_start3A_57] : memref<5248x16xf32, #tpu.memory_space<vmem_shared>> -> memref<120x16xf32, #tpu.memory_space<vmem_shared>>
      %dma_start3A_59 = arith.constant 0 : i32
      %dma_start3A_60 = arith.constant 0 : i32
      %dma_start3A_61 = tpu.memref_slice %arg7[%dma_start3A_59, %dma_start3A_60] : memref<125x16xf32, #tpu.memory_space<vmem>> -> memref<120x16xf32, #tpu.memory_space<vmem>>
      tpu.enqueue_dma source(%dma_start3A_61 : memref<120x16xf32, #tpu.memory_space<vmem>>) target(%dma_start3A_58 : memref<120x16xf32, #tpu.memory_space<vmem_shared>>) target_semaphore(%run_scoped3A : memref<!tpu.dma_semaphore, #tpu.memory_space<semaphore_mem>>)
      %dma_wait3A = arith.constant 0 : i32
      %dma_wait3A_62 = arith.constant 0 : i32
      %dma_wait3A_63 = tpu.memref_slice %arg7[%dma_wait3A, %dma_wait3A_62] : memref<125x16xf32, #tpu.memory_space<vmem>> -> memref<120x16xf32, #tpu.memory_space<vmem>>
      %dma_wait3A_64 = arith.constant 0 : i32
      %dma_wait3A_65 = tpu.memref_slice %arg8[%add3A_15, %dma_wait3A_64] : memref<5248x16xf32, #tpu.memory_space<vmem_shared>> -> memref<120x16xf32, #tpu.memory_space<vmem_shared>>
      %dma_wait3A_66 = arith.constant 0 : i32
      %dma_wait3A_67 = tpu.memref_slice %arg8[%add3A_15, %dma_wait3A_66] : memref<5248x16xf32, #tpu.memory_space<vmem_shared>> -> memref<120x16xf32, #tpu.memory_space<vmem_shared>>
      %dma_wait3A_68 = arith.constant 0 : i32
      %dma_wait3A_69 = arith.constant 0 : i32
      %dma_wait3A_70 = tpu.memref_slice %arg7[%dma_wait3A_68, %dma_wait3A_69] : memref<125x16xf32, #tpu.memory_space<vmem>> -> memref<120x16xf32, #tpu.memory_space<vmem>>
      tpu.wait_dma2 semaphore(%run_scoped3A : memref<!tpu.dma_semaphore, #tpu.memory_space<semaphore_mem>>) src(%dma_wait3A_70 : memref<120x16xf32, #tpu.memory_space<vmem>>) dst(%dma_wait3A_67 : memref<120x16xf32, #tpu.memory_space<vmem_shared>>)
      tpu.yield
    }) : () -> ()
    %add3A_16 = arith.constant 240 : i32
    %add3A_17 = arith.addi %mul3A_14, %add3A_16 : i32
    "tpu.region"() ({
      %run_scoped3A = tpu.sem_alloc : memref<!tpu.dma_semaphore, #tpu.memory_space<semaphore_mem>>
      %dma_start3A = arith.constant 0 : i32
      %dma_start3A_53 = arith.constant 0 : i32
      %dma_start3A_54 = tpu.memref_slice %arg7[%dma_start3A, %dma_start3A_53] : memref<125x16xf32, #tpu.memory_space<vmem>> -> memref<88x16xf32, #tpu.memory_space<vmem>>
      %dma_start3A_55 = arith.constant 0 : i32
      %dma_start3A_56 = tpu.memref_slice %arg8[%add3A_17, %dma_start3A_55] : memref<5248x16xf32, #tpu.memory_space<vmem_shared>> -> memref<88x16xf32, #tpu.memory_space<vmem_shared>>
      %dma_start3A_57 = arith.constant 0 : i32
      %dma_start3A_58 = tpu.memref_slice %arg8[%add3A_17, %dma_start3A_57] : memref<5248x16xf32, #tpu.memory_space<vmem_shared>> -> memref<88x16xf32, #tpu.memory_space<vmem_shared>>
      %dma_start3A_59 = arith.constant 0 : i32
      %dma_start3A_60 = arith.constant 0 : i32
      %dma_start3A_61 = tpu.memref_slice %arg7[%dma_start3A_59, %dma_start3A_60] : memref<125x16xf32, #tpu.memory_space<vmem>> -> memref<88x16xf32, #tpu.memory_space<vmem>>
      tpu.enqueue_dma source(%dma_start3A_61 : memref<88x16xf32, #tpu.memory_space<vmem>>) target(%dma_start3A_58 : memref<88x16xf32, #tpu.memory_space<vmem_shared>>) target_semaphore(%run_scoped3A : memref<!tpu.dma_semaphore, #tpu.memory_space<semaphore_mem>>)
      %dma_wait3A = arith.constant 0 : i32
      %dma_wait3A_62 = arith.constant 0 : i32
      %dma_wait3A_63 = tpu.memref_slice %arg7[%dma_wait3A, %dma_wait3A_62] : memref<125x16xf32, #tpu.memory_space<vmem>> -> memref<88x16xf32, #tpu.memory_space<vmem>>
      %dma_wait3A_64 = arith.constant 0 : i32
      %dma_wait3A_65 = tpu.memref_slice %arg8[%add3A_17, %dma_wait3A_64] : memref<5248x16xf32, #tpu.memory_space<vmem_shared>> -> memref<88x16xf32, #tpu.memory_space<vmem_shared>>
      %dma_wait3A_66 = arith.constant 0 : i32
      %dma_wait3A_67 = tpu.memref_slice %arg8[%add3A_17, %dma_wait3A_66] : memref<5248x16xf32, #tpu.memory_space<vmem_shared>> -> memref<88x16xf32, #tpu.memory_space<vmem_shared>>
      %dma_wait3A_68 = arith.constant 0 : i32
      %dma_wait3A_69 = arith.constant 0 : i32
      %dma_wait3A_70 = tpu.memref_slice %arg7[%dma_wait3A_68, %dma_wait3A_69] : memref<125x16xf32, #tpu.memory_space<vmem>> -> memref<88x16xf32, #tpu.memory_space<vmem>>
      tpu.wait_dma2 semaphore(%run_scoped3A : memref<!tpu.dma_semaphore, #tpu.memory_space<semaphore_mem>>) src(%dma_wait3A_70 : memref<88x16xf32, #tpu.memory_space<vmem>>) dst(%dma_wait3A_67 : memref<88x16xf32, #tpu.memory_space<vmem_shared>>)
      tpu.yield
    }) : () -> ()
    %barrier3A = arith.constant 0 : index
    tpu.barrier barrier_id(%barrier3A)
    %scan3A_18 = arith.constant 0 : i32
    %scan3A_19 = arith.constant 0 : i32
    %scan3A_20 = arith.constant 5 : i32
    %scan3A_21 = arith.addi %scan3A_19, %scan3A_20 : i32
    %scan3A_22 = arith.constant 1 : i32
    scf.for %scan3A_53 = %scan3A_19 to %scan3A_21 step %scan3A_22  : i32 {
      "tpu.region"() ({
        %run_scoped3A = tpu.sem_alloc : memref<!tpu.dma_semaphore, #tpu.memory_space<semaphore_mem>>
        %dma_start3A = arith.constant 0 : i32
        %dma_start3A_74 = arith.constant 0 : i32
        %dma_start3A_75 = tpu.memref_slice %arg2[%arg1, %scan3A_53, %dma_start3A, %dma_start3A_74] : memref<16x5x32x125xi32, #tpu.memory_space<hbm>> -> memref<1x1x32x125xi32, #tpu.memory_space<hbm>>
        %dma_start3A_76 = tpu.memref_squeeze %dma_start3A_75 : memref<1x1x32x125xi32, #tpu.memory_space<hbm>> -> memref<32x125xi32, #tpu.memory_space<hbm>>
        %dma_start3A_77 = arith.constant 0 : i32
        %dma_start3A_78 = arith.constant 0 : i32
        %dma_start3A_79 = tpu.memref_slice %arg2[%arg1, %scan3A_53, %dma_start3A_77, %dma_start3A_78] : memref<16x5x32x125xi32, #tpu.memory_space<hbm>> -> memref<1x1x32x125xi32, #tpu.memory_space<hbm>>
        %dma_start3A_80 = tpu.memref_squeeze %dma_start3A_79 : memref<1x1x32x125xi32, #tpu.memory_space<hbm>> -> memref<32x125xi32, #tpu.memory_space<hbm>>
        tpu.enqueue_dma source(%dma_start3A_80 : memref<32x125xi32, #tpu.memory_space<hbm>>) target(%arg4 : memref<32x125xi32, #tpu.memory_space<vmem>>) target_semaphore(%run_scoped3A : memref<!tpu.dma_semaphore, #tpu.memory_space<semaphore_mem>>)
        %dma_wait3A = arith.constant 0 : i32
        %dma_wait3A_81 = arith.constant 0 : i32
        %dma_wait3A_82 = tpu.memref_slice %arg2[%arg1, %scan3A_53, %dma_wait3A, %dma_wait3A_81] : memref<16x5x32x125xi32, #tpu.memory_space<hbm>> -> memref<1x1x32x125xi32, #tpu.memory_space<hbm>>
        %dma_wait3A_83 = tpu.memref_squeeze %dma_wait3A_82 : memref<1x1x32x125xi32, #tpu.memory_space<hbm>> -> memref<32x125xi32, #tpu.memory_space<hbm>>
        %dma_wait3A_84 = arith.constant 0 : i32
        %dma_wait3A_85 = arith.constant 0 : i32
        %dma_wait3A_86 = tpu.memref_slice %arg2[%arg1, %scan3A_53, %dma_wait3A_84, %dma_wait3A_85] : memref<16x5x32x125xi32, #tpu.memory_space<hbm>> -> memref<1x1x32x125xi32, #tpu.memory_space<hbm>>
        %dma_wait3A_87 = tpu.memref_squeeze %dma_wait3A_86 : memref<1x1x32x125xi32, #tpu.memory_space<hbm>> -> memref<32x125xi32, #tpu.memory_space<hbm>>
        tpu.wait_dma2 semaphore(%run_scoped3A : memref<!tpu.dma_semaphore, #tpu.memory_space<semaphore_mem>>) src(%dma_wait3A_87 : memref<32x125xi32, #tpu.memory_space<hbm>>) dst(%arg4 : memref<32x125xi32, #tpu.memory_space<vmem>>)
        tpu.yield
      }) : () -> ()
      %mul3A_54 = arith.constant 5120 : i32
      %mul3A_55 = arith.muli %arg0, %mul3A_54 : i32
      %scan3A_56 = arith.constant 0 : i32
      %scan3A_57 = arith.constant 0 : i32
      %scan3A_58 = arith.constant 32 : i32
      %scan3A_59 = arith.addi %scan3A_57, %scan3A_58 : i32
      %scan3A_60 = arith.constant 1 : i32
      scf.for %scan3A_74 = %scan3A_57 to %scan3A_59 step %scan3A_60  : i32 {
        %get3A = arith.index_cast %scan3A_74 : i32 to index
        %get3A_75 = arith.constant 0 : index
        %get3A_76 = tpu.vector_load %arg4[%get3A, %get3A_75] {strides = array<i32>} : memref<32x125xi32, #tpu.memory_space<vmem>>, vector<1x16xi32>,
        %get3A_77 = vector.shape_cast %get3A_76 : vector<1x16xi32> to vector<16xi32>
        %sub3A = vector.broadcast %mul3A_55 : i32 to vector<16xi32>
        %sub3A_78 = arith.subi %get3A_77, %sub3A : vector<16xi32>
        %ge3A = arith.constant 0 : i32
        %ge3A_79 = vector.broadcast %ge3A : i32 to vector<16xi32>
        %ge3A_80 = arith.cmpi sge, %sub3A_78, %ge3A_79 : vector<16xi32>
        %lt3A = arith.constant 5120 : i32
        %lt3A_81 = vector.broadcast %lt3A : i32 to vector<16xi32>
        %lt3A_82 = arith.cmpi slt, %sub3A_78, %lt3A_81 : vector<16xi32>
        %and3A = arith.andi %ge3A_80, %lt3A_82 : vector<16xi1>
        %and3A_83 = arith.constant 127 : i32
        %and3A_84 = vector.broadcast %and3A_83 : i32 to vector<16xi32>
        %and3A_85 = arith.andi %sub3A_78, %and3A_84 : vector<16xi32>
        %add3A_86 = arith.constant 5120 : i32
        %add3A_87 = vector.broadcast %add3A_86 : i32 to vector<16xi32>
        %add3A_88 = arith.addi %add3A_87, %and3A_85 : vector<16xi32>
        %select_n3A = arith.select %and3A, %sub3A_78, %add3A_88 : vector<16xi1>, vector<16xi32>
        %swap3A = arith.index_cast %scan3A_74 : i32 to index
        %swap3A_89 = arith.constant 0 : index
        %swap3A_90 = tpu.vector_load %arg5[%swap3A, %swap3A_89] {strides = array<i32>} : memref<32x125xi32, #tpu.memory_space<vmem>>, vector<1x16xi32>,
        %swap3A_91 = vector.shape_cast %swap3A_90 : vector<1x16xi32> to vector<16xi32>
        %swap3A_92 = vector.shape_cast %select_n3A : vector<16xi32> to vector<1x16xi32>
        tpu.vector_store %arg5[%swap3A, %swap3A_89], %swap3A_92 {strides = array<i32>} : memref<32x125xi32, #tpu.memory_space<vmem>>, vector<1x16xi32>,
        %get3A_93 = arith.index_cast %scan3A_74 : i32 to index
        %get3A_94 = arith.constant 16 : index
        %get3A_95 = tpu.vector_load %arg4[%get3A_93, %get3A_94] {strides = array<i32>} : memref<32x125xi32, #tpu.memory_space<vmem>>, vector<1x16xi32>,
        %get3A_96 = vector.shape_cast %get3A_95 : vector<1x16xi32> to vector<16xi32>
        %sub3A_97 = vector.broadcast %mul3A_55 : i32 to vector<16xi32>
        %sub3A_98 = arith.subi %get3A_96, %sub3A_97 : vector<16xi32>
        %ge3A_99 = arith.constant 0 : i32
        %ge3A_100 = vector.broadcast %ge3A_99 : i32 to vector<16xi32>
        %ge3A_101 = arith.cmpi sge, %sub3A_98, %ge3A_100 : vector<16xi32>
        %lt3A_102 = arith.constant 5120 : i32
        %lt3A_103 = vector.broadcast %lt3A_102 : i32 to vector<16xi32>
        %lt3A_104 = arith.cmpi slt, %sub3A_98, %lt3A_103 : vector<16xi32>
        %and3A_105 = arith.andi %ge3A_101, %lt3A_104 : vector<16xi1>
        %and3A_106 = arith.constant 127 : i32
        %and3A_107 = vector.broadcast %and3A_106 : i32 to vector<16xi32>
        %and3A_108 = arith.andi %sub3A_98, %and3A_107 : vector<16xi32>
        %add3A_109 = arith.constant 5120 : i32
        %add3A_110 = vector.broadcast %add3A_109 : i32 to vector<16xi32>
        %add3A_111 = arith.addi %add3A_110, %and3A_108 : vector<16xi32>
        %select_n3A_112 = arith.select %and3A_105, %sub3A_98, %add3A_111 : vector<16xi1>, vector<16xi32>
        %swap3A_113 = arith.index_cast %scan3A_74 : i32 to index
        %swap3A_114 = arith.constant 16 : index
        %swap3A_115 = tpu.vector_load %arg5[%swap3A_113, %swap3A_114] {strides = array<i32>} : memref<32x125xi32, #tpu.memory_space<vmem>>, vector<1x16xi32>,
        %swap3A_116 = vector.shape_cast %swap3A_115 : vector<1x16xi32> to vector<16xi32>
        %swap3A_117 = vector.shape_cast %select_n3A_112 : vector<16xi32> to vector<1x16xi32>
        tpu.vector_store %arg5[%swap3A_113, %swap3A_114], %swap3A_117 {strides = array<i32>} : memref<32x125xi32, #tpu.memory_space<vmem>>, vector<1x16xi32>,
        %get3A_118 = arith.index_cast %scan3A_74 : i32 to index
        %get3A_119 = arith.constant 32 : index
        %get3A_120 = tpu.vector_load %arg4[%get3A_118, %get3A_119] {strides = array<i32>} : memref<32x125xi32, #tpu.memory_space<vmem>>, vector<1x16xi32>,
        %get3A_121 = vector.shape_cast %get3A_120 : vector<1x16xi32> to vector<16xi32>
        %sub3A_122 = vector.broadcast %mul3A_55 : i32 to vector<16xi32>
        %sub3A_123 = arith.subi %get3A_121, %sub3A_122 : vector<16xi32>
        %ge3A_124 = arith.constant 0 : i32
        %ge3A_125 = vector.broadcast %ge3A_124 : i32 to vector<16xi32>
        %ge3A_126 = arith.cmpi sge, %sub3A_123, %ge3A_125 : vector<16xi32>
        %lt3A_127 = arith.constant 5120 : i32
        %lt3A_128 = vector.broadcast %lt3A_127 : i32 to vector<16xi32>
        %lt3A_129 = arith.cmpi slt, %sub3A_123, %lt3A_128 : vector<16xi32>
        %and3A_130 = arith.andi %ge3A_126, %lt3A_129 : vector<16xi1>
        %and3A_131 = arith.constant 127 : i32
        %and3A_132 = vector.broadcast %and3A_131 : i32 to vector<16xi32>
        %and3A_133 = arith.andi %sub3A_123, %and3A_132 : vector<16xi32>
        %add3A_134 = arith.constant 5120 : i32
        %add3A_135 = vector.broadcast %add3A_134 : i32 to vector<16xi32>
        %add3A_136 = arith.addi %add3A_135, %and3A_133 : vector<16xi32>
        %select_n3A_137 = arith.select %and3A_130, %sub3A_123, %add3A_136 : vector<16xi1>, vector<16xi32>
        %swap3A_138 = arith.index_cast %scan3A_74 : i32 to index
        %swap3A_139 = arith.constant 32 : index
        %swap3A_140 = tpu.vector_load %arg5[%swap3A_138, %swap3A_139] {strides = array<i32>} : memref<32x125xi32, #tpu.memory_space<vmem>>, vector<1x16xi32>,
        %swap3A_141 = vector.shape_cast %swap3A_140 : vector<1x16xi32> to vector<16xi32>
        %swap3A_142 = vector.shape_cast %select_n3A_137 : vector<16xi32> to vector<1x16xi32>
        tpu.vector_store %arg5[%swap3A_138, %swap3A_139], %swap3A_142 {strides = array<i32>} : memref<32x125xi32, #tpu.memory_space<vmem>>, vector<1x16xi32>,
        %get3A_143 = arith.index_cast %scan3A_74 : i32 to index
        %get3A_144 = arith.constant 48 : index
        %get3A_145 = tpu.vector_load %arg4[%get3A_143, %get3A_144] {strides = array<i32>} : memref<32x125xi32, #tpu.memory_space<vmem>>, vector<1x16xi32>,
        %get3A_146 = vector.shape_cast %get3A_145 : vector<1x16xi32> to vector<16xi32>
        %sub3A_147 = vector.broadcast %mul3A_55 : i32 to vector<16xi32>
        %sub3A_148 = arith.subi %get3A_146, %sub3A_147 : vector<16xi32>
        %ge3A_149 = arith.constant 0 : i32
        %ge3A_150 = vector.broadcast %ge3A_149 : i32 to vector<16xi32>
        %ge3A_151 = arith.cmpi sge, %sub3A_148, %ge3A_150 : vector<16xi32>
        %lt3A_152 = arith.constant 5120 : i32
        %lt3A_153 = vector.broadcast %lt3A_152 : i32 to vector<16xi32>
        %lt3A_154 = arith.cmpi slt, %sub3A_148, %lt3A_153 : vector<16xi32>
        %and3A_155 = arith.andi %ge3A_151, %lt3A_154 : vector<16xi1>
        %and3A_156 = arith.constant 127 : i32
        %and3A_157 = vector.broadcast %and3A_156 : i32 to vector<16xi32>
        %and3A_158 = arith.andi %sub3A_148, %and3A_157 : vector<16xi32>
        %add3A_159 = arith.constant 5120 : i32
        %add3A_160 = vector.broadcast %add3A_159 : i32 to vector<16xi32>
        %add3A_161 = arith.addi %add3A_160, %and3A_158 : vector<16xi32>
        %select_n3A_162 = arith.select %and3A_155, %sub3A_148, %add3A_161 : vector<16xi1>, vector<16xi32>
        %swap3A_163 = arith.index_cast %scan3A_74 : i32 to index
        %swap3A_164 = arith.constant 48 : index
        %swap3A_165 = tpu.vector_load %arg5[%swap3A_163, %swap3A_164] {strides = array<i32>} : memref<32x125xi32, #tpu.memory_space<vmem>>, vector<1x16xi32>,
        %swap3A_166 = vector.shape_cast %swap3A_165 : vector<1x16xi32> to vector<16xi32>
        %swap3A_167 = vector.shape_cast %select_n3A_162 : vector<16xi32> to vector<1x16xi32>
        tpu.vector_store %arg5[%swap3A_163, %swap3A_164], %swap3A_167 {strides = array<i32>} : memref<32x125xi32, #tpu.memory_space<vmem>>, vector<1x16xi32>,
        %get3A_168 = arith.index_cast %scan3A_74 : i32 to index
        %get3A_169 = arith.constant 64 : index
        %get3A_170 = tpu.vector_load %arg4[%get3A_168, %get3A_169] {strides = array<i32>} : memref<32x125xi32, #tpu.memory_space<vmem>>, vector<1x16xi32>,
        %get3A_171 = vector.shape_cast %get3A_170 : vector<1x16xi32> to vector<16xi32>
        %sub3A_172 = vector.broadcast %mul3A_55 : i32 to vector<16xi32>
        %sub3A_173 = arith.subi %get3A_171, %sub3A_172 : vector<16xi32>
        %ge3A_174 = arith.constant 0 : i32
        %ge3A_175 = vector.broadcast %ge3A_174 : i32 to vector<16xi32>
        %ge3A_176 = arith.cmpi sge, %sub3A_173, %ge3A_175 : vector<16xi32>
        %lt3A_177 = arith.constant 5120 : i32
        %lt3A_178 = vector.broadcast %lt3A_177 : i32 to vector<16xi32>
        %lt3A_179 = arith.cmpi slt, %sub3A_173, %lt3A_178 : vector<16xi32>
        %and3A_180 = arith.andi %ge3A_176, %lt3A_179 : vector<16xi1>
        %and3A_181 = arith.constant 127 : i32
        %and3A_182 = vector.broadcast %and3A_181 : i32 to vector<16xi32>
        %and3A_183 = arith.andi %sub3A_173, %and3A_182 : vector<16xi32>
        %add3A_184 = arith.constant 5120 : i32
        %add3A_185 = vector.broadcast %add3A_184 : i32 to vector<16xi32>
        %add3A_186 = arith.addi %add3A_185, %and3A_183 : vector<16xi32>
        %select_n3A_187 = arith.select %and3A_180, %sub3A_173, %add3A_186 : vector<16xi1>, vector<16xi32>
        %swap3A_188 = arith.index_cast %scan3A_74 : i32 to index
        %swap3A_189 = arith.constant 64 : index
        %swap3A_190 = tpu.vector_load %arg5[%swap3A_188, %swap3A_189] {strides = array<i32>} : memref<32x125xi32, #tpu.memory_space<vmem>>, vector<1x16xi32>,
        %swap3A_191 = vector.shape_cast %swap3A_190 : vector<1x16xi32> to vector<16xi32>
        %swap3A_192 = vector.shape_cast %select_n3A_187 : vector<16xi32> to vector<1x16xi32>
        tpu.vector_store %arg5[%swap3A_188, %swap3A_189], %swap3A_192 {strides = array<i32>} : memref<32x125xi32, #tpu.memory_space<vmem>>, vector<1x16xi32>,
        %get3A_193 = arith.index_cast %scan3A_74 : i32 to index
        %get3A_194 = arith.constant 80 : index
        %get3A_195 = tpu.vector_load %arg4[%get3A_193, %get3A_194] {strides = array<i32>} : memref<32x125xi32, #tpu.memory_space<vmem>>, vector<1x16xi32>,
        %get3A_196 = vector.shape_cast %get3A_195 : vector<1x16xi32> to vector<16xi32>
        %sub3A_197 = vector.broadcast %mul3A_55 : i32 to vector<16xi32>
        %sub3A_198 = arith.subi %get3A_196, %sub3A_197 : vector<16xi32>
        %ge3A_199 = arith.constant 0 : i32
        %ge3A_200 = vector.broadcast %ge3A_199 : i32 to vector<16xi32>
        %ge3A_201 = arith.cmpi sge, %sub3A_198, %ge3A_200 : vector<16xi32>
        %lt3A_202 = arith.constant 5120 : i32
        %lt3A_203 = vector.broadcast %lt3A_202 : i32 to vector<16xi32>
        %lt3A_204 = arith.cmpi slt, %sub3A_198, %lt3A_203 : vector<16xi32>
        %and3A_205 = arith.andi %ge3A_201, %lt3A_204 : vector<16xi1>
        %and3A_206 = arith.constant 127 : i32
        %and3A_207 = vector.broadcast %and3A_206 : i32 to vector<16xi32>
        %and3A_208 = arith.andi %sub3A_198, %and3A_207 : vector<16xi32>
        %add3A_209 = arith.constant 5120 : i32
        %add3A_210 = vector.broadcast %add3A_209 : i32 to vector<16xi32>
        %add3A_211 = arith.addi %add3A_210, %and3A_208 : vector<16xi32>
        %select_n3A_212 = arith.select %and3A_205, %sub3A_198, %add3A_211 : vector<16xi1>, vector<16xi32>
        %swap3A_213 = arith.index_cast %scan3A_74 : i32 to index
        %swap3A_214 = arith.constant 80 : index
        %swap3A_215 = tpu.vector_load %arg5[%swap3A_213, %swap3A_214] {strides = array<i32>} : memref<32x125xi32, #tpu.memory_space<vmem>>, vector<1x16xi32>,
        %swap3A_216 = vector.shape_cast %swap3A_215 : vector<1x16xi32> to vector<16xi32>
        %swap3A_217 = vector.shape_cast %select_n3A_212 : vector<16xi32> to vector<1x16xi32>
        tpu.vector_store %arg5[%swap3A_213, %swap3A_214], %swap3A_217 {strides = array<i32>} : memref<32x125xi32, #tpu.memory_space<vmem>>, vector<1x16xi32>,
        %get3A_218 = arith.index_cast %scan3A_74 : i32 to index
        %get3A_219 = arith.constant 96 : index
        %get3A_220 = tpu.vector_load %arg4[%get3A_218, %get3A_219] {strides = array<i32>} : memref<32x125xi32, #tpu.memory_space<vmem>>, vector<1x16xi32>,
        %get3A_221 = vector.shape_cast %get3A_220 : vector<1x16xi32> to vector<16xi32>
        %sub3A_222 = vector.broadcast %mul3A_55 : i32 to vector<16xi32>
        %sub3A_223 = arith.subi %get3A_221, %sub3A_222 : vector<16xi32>
        %ge3A_224 = arith.constant 0 : i32
        %ge3A_225 = vector.broadcast %ge3A_224 : i32 to vector<16xi32>
        %ge3A_226 = arith.cmpi sge, %sub3A_223, %ge3A_225 : vector<16xi32>
        %lt3A_227 = arith.constant 5120 : i32
        %lt3A_228 = vector.broadcast %lt3A_227 : i32 to vector<16xi32>
        %lt3A_229 = arith.cmpi slt, %sub3A_223, %lt3A_228 : vector<16xi32>
        %and3A_230 = arith.andi %ge3A_226, %lt3A_229 : vector<16xi1>
        %and3A_231 = arith.constant 127 : i32
        %and3A_232 = vector.broadcast %and3A_231 : i32 to vector<16xi32>
        %and3A_233 = arith.andi %sub3A_223, %and3A_232 : vector<16xi32>
        %add3A_234 = arith.constant 5120 : i32
        %add3A_235 = vector.broadcast %add3A_234 : i32 to vector<16xi32>
        %add3A_236 = arith.addi %add3A_235, %and3A_233 : vector<16xi32>
        %select_n3A_237 = arith.select %and3A_230, %sub3A_223, %add3A_236 : vector<16xi1>, vector<16xi32>
        %swap3A_238 = arith.index_cast %scan3A_74 : i32 to index
        %swap3A_239 = arith.constant 96 : index
        %swap3A_240 = tpu.vector_load %arg5[%swap3A_238, %swap3A_239] {strides = array<i32>} : memref<32x125xi32, #tpu.memory_space<vmem>>, vector<1x16xi32>,
        %swap3A_241 = vector.shape_cast %swap3A_240 : vector<1x16xi32> to vector<16xi32>
        %swap3A_242 = vector.shape_cast %select_n3A_237 : vector<16xi32> to vector<1x16xi32>
        tpu.vector_store %arg5[%swap3A_238, %swap3A_239], %swap3A_242 {strides = array<i32>} : memref<32x125xi32, #tpu.memory_space<vmem>>, vector<1x16xi32>,
        %get3A_243 = arith.index_cast %scan3A_74 : i32 to index
        %get3A_244 = arith.constant 109 : index
        %get3A_245 = tpu.vector_load %arg4[%get3A_243, %get3A_244] {strides = array<i32>} : memref<32x125xi32, #tpu.memory_space<vmem>>, vector<1x16xi32>,
        %get3A_246 = vector.shape_cast %get3A_245 : vector<1x16xi32> to vector<16xi32>
        %sub3A_247 = vector.broadcast %mul3A_55 : i32 to vector<16xi32>
        %sub3A_248 = arith.subi %get3A_246, %sub3A_247 : vector<16xi32>
        %ge3A_249 = arith.constant 0 : i32
        %ge3A_250 = vector.broadcast %ge3A_249 : i32 to vector<16xi32>
        %ge3A_251 = arith.cmpi sge, %sub3A_248, %ge3A_250 : vector<16xi32>
        %lt3A_252 = arith.constant 5120 : i32
        %lt3A_253 = vector.broadcast %lt3A_252 : i32 to vector<16xi32>
        %lt3A_254 = arith.cmpi slt, %sub3A_248, %lt3A_253 : vector<16xi32>
        %and3A_255 = arith.andi %ge3A_251, %lt3A_254 : vector<16xi1>
        %and3A_256 = arith.constant 127 : i32
        %and3A_257 = vector.broadcast %and3A_256 : i32 to vector<16xi32>
        %and3A_258 = arith.andi %sub3A_248, %and3A_257 : vector<16xi32>
        %add3A_259 = arith.constant 5120 : i32
        %add3A_260 = vector.broadcast %add3A_259 : i32 to vector<16xi32>
        %add3A_261 = arith.addi %add3A_260, %and3A_258 : vector<16xi32>
        %select_n3A_262 = arith.select %and3A_255, %sub3A_248, %add3A_261 : vector<16xi1>, vector<16xi32>
        %swap3A_263 = arith.index_cast %scan3A_74 : i32 to index
        %swap3A_264 = arith.constant 109 : index
        %swap3A_265 = tpu.vector_load %arg5[%swap3A_263, %swap3A_264] {strides = array<i32>} : memref<32x125xi32, #tpu.memory_space<vmem>>, vector<1x16xi32>,
        %swap3A_266 = vector.shape_cast %swap3A_265 : vector<1x16xi32> to vector<16xi32>
        %swap3A_267 = vector.shape_cast %select_n3A_262 : vector<16xi32> to vector<1x16xi32>
        tpu.vector_store %arg5[%swap3A_263, %swap3A_264], %swap3A_267 {strides = array<i32>} : memref<32x125xi32, #tpu.memory_space<vmem>>, vector<1x16xi32>,
      }
      %scan3A_61 = arith.constant 32 : i32
      %scan3A_62 = arith.constant 0 : i32
      %scan3A_63 = arith.constant 0 : i32
      %scan3A_64 = arith.constant 32 : i32
      %scan3A_65 = arith.addi %scan3A_63, %scan3A_64 : i32
      %scan3A_66 = arith.constant 1 : i32
      scf.for %scan3A_74 = %scan3A_63 to %scan3A_65 step %scan3A_66  : i32 {
        %dma_start3A = arith.constant 0 : i32
        %dma_start3A_75 = tpu.memref_slice %arg5[%scan3A_74, %dma_start3A] : memref<32x125xi32, #tpu.memory_space<vmem>> -> memref<1x125xi32, #tpu.memory_space<vmem>>
        %dma_start3A_76 = tpu.memref_squeeze %dma_start3A_75 : memref<1x125xi32, #tpu.memory_space<vmem>> -> memref<125xi32, #tpu.memory_space<vmem>>
        %dma_start3A_77 = arith.constant 0 : i32
        %dma_start3A_78 = arith.constant 0 : i32
        %dma_start3A_79 = tpu.memref_slice %arg8[%dma_start3A_77, %dma_start3A_78] : memref<5248x16xf32, #tpu.memory_space<vmem_shared>> -> memref<5248x16xf32, #tpu.memory_space<vmem_shared>>
        tpu.enqueue_indirect_dma source(%arg6 : memref<125x16xf32, #tpu.memory_space<vmem>>) target(%dma_start3A_79 : memref<5248x16xf32, #tpu.memory_space<vmem_shared>>) offsets(%dma_start3A_76 : memref<125xi32, #tpu.memory_space<vmem>>) semaphore(%arg9 : memref<!tpu.dma_semaphore, #tpu.memory_space<semaphore_mem>>) {add = true}
        %ge3A = arith.constant 8 : i32
        %ge3A_80 = arith.cmpi sge, %scan3A_74, %ge3A : i32
        %convert_element_type3A = arith.extui %ge3A_80 : i1 to i32
        %cond3A = arith.constant 0 : i32
        %cond3A_81 = arith.cmpi ne, %convert_element_type3A, %cond3A : i32
        scf.if %cond3A_81 {
          %dma_wait3A = arith.constant 0 : i32
          %dma_wait3A_82 = arith.constant 0 : i32
          %dma_wait3A_83 = tpu.memref_slice %arg5[%dma_wait3A, %dma_wait3A_82] : memref<32x125xi32, #tpu.memory_space<vmem>> -> memref<1x125xi32, #tpu.memory_space<vmem>>
          %dma_wait3A_84 = tpu.memref_squeeze %dma_wait3A_83 : memref<1x125xi32, #tpu.memory_space<vmem>> -> memref<125xi32, #tpu.memory_space<vmem>>
          %dma_wait3A_85 = arith.constant 0 : i32
          %dma_wait3A_86 = arith.constant 0 : i32
          %dma_wait3A_87 = tpu.memref_slice %arg3[%dma_wait3A_85, %dma_wait3A_86] : memref<10240x16xf32, #tpu.memory_space<hbm>> -> memref<10240x16xf32, #tpu.memory_space<hbm>>
          tpu.wait_indirect_dma semaphore(%arg9 : memref<!tpu.dma_semaphore, #tpu.memory_space<semaphore_mem>>) src(%dma_wait3A_87 : memref<10240x16xf32, #tpu.memory_space<hbm>>) dst(%arg6 : memref<125x16xf32, #tpu.memory_space<vmem>>)
        } else {
        }
      }
      %scan3A_67 = arith.constant 32 : i32
      %scan3A_68 = arith.constant 0 : i32
      %scan3A_69 = arith.constant 0 : i32
      %scan3A_70 = arith.constant 8 : i32
      %scan3A_71 = arith.addi %scan3A_69, %scan3A_70 : i32
      %scan3A_72 = arith.constant 1 : i32
      scf.for %scan3A_74 = %scan3A_69 to %scan3A_71 step %scan3A_72  : i32 {
        %dma_wait3A = arith.constant 0 : i32
        %dma_wait3A_75 = arith.constant 0 : i32
        %dma_wait3A_76 = tpu.memref_slice %arg5[%dma_wait3A, %dma_wait3A_75] : memref<32x125xi32, #tpu.memory_space<vmem>> -> memref<1x125xi32, #tpu.memory_space<vmem>>
        %dma_wait3A_77 = tpu.memref_squeeze %dma_wait3A_76 : memref<1x125xi32, #tpu.memory_space<vmem>> -> memref<125xi32, #tpu.memory_space<vmem>>
        %dma_wait3A_78 = arith.constant 0 : i32
        %dma_wait3A_79 = arith.constant 0 : i32
        %dma_wait3A_80 = tpu.memref_slice %arg3[%dma_wait3A_78, %dma_wait3A_79] : memref<10240x16xf32, #tpu.memory_space<hbm>> -> memref<10240x16xf32, #tpu.memory_space<hbm>>
        tpu.wait_indirect_dma semaphore(%arg9 : memref<!tpu.dma_semaphore, #tpu.memory_space<semaphore_mem>>) src(%dma_wait3A_80 : memref<10240x16xf32, #tpu.memory_space<hbm>>) dst(%arg6 : memref<125x16xf32, #tpu.memory_space<vmem>>)
      }
      %scan3A_73 = arith.constant 8 : i32
    }
    %scan3A_23 = arith.constant 5 : i32
    %barrier3A_24 = arith.constant 0 : index
    tpu.barrier barrier_id(%barrier3A_24)
    %mul3A_25 = arith.constant 320 : i32
    %mul3A_26 = arith.muli %arg1, %mul3A_25 : i32
    %add3A_27 = arith.constant 0 : i32
    %add3A_28 = arith.addi %mul3A_26, %add3A_27 : i32
    "tpu.region"() ({
      %run_scoped3A = tpu.sem_alloc : memref<!tpu.dma_semaphore, #tpu.memory_space<semaphore_mem>>
      %dma_start3A = arith.constant 0 : i32
      %dma_start3A_53 = arith.constant 0 : i32
      %dma_start3A_54 = tpu.memref_slice %arg7[%dma_start3A, %dma_start3A_53] : memref<125x16xf32, #tpu.memory_space<vmem>> -> memref<80x16xf32, #tpu.memory_space<vmem>>
      %dma_start3A_55 = arith.constant 0 : i32
      %dma_start3A_56 = tpu.memref_slice %arg8[%add3A_28, %dma_start3A_55] : memref<5248x16xf32, #tpu.memory_space<vmem_shared>> -> memref<80x16xf32, #tpu.memory_space<vmem_shared>>
      %dma_start3A_57 = arith.constant 0 : i32
      %dma_start3A_58 = arith.constant 0 : i32
      %dma_start3A_59 = tpu.memref_slice %arg7[%dma_start3A_57, %dma_start3A_58] : memref<125x16xf32, #tpu.memory_space<vmem>> -> memref<80x16xf32, #tpu.memory_space<vmem>>
      %dma_start3A_60 = arith.constant 0 : i32
      %dma_start3A_61 = tpu.memref_slice %arg8[%add3A_28, %dma_start3A_60] : memref<5248x16xf32, #tpu.memory_space<vmem_shared>> -> memref<80x16xf32, #tpu.memory_space<vmem_shared>>
      tpu.enqueue_dma source(%dma_start3A_61 : memref<80x16xf32, #tpu.memory_space<vmem_shared>>) target(%dma_start3A_59 : memref<80x16xf32, #tpu.memory_space<vmem>>) target_semaphore(%run_scoped3A : memref<!tpu.dma_semaphore, #tpu.memory_space<semaphore_mem>>)
      %dma_wait3A = arith.constant 0 : i32
      %dma_wait3A_62 = arith.constant 0 : i32
      %dma_wait3A_63 = tpu.memref_slice %arg7[%dma_wait3A, %dma_wait3A_62] : memref<125x16xf32, #tpu.memory_space<vmem>> -> memref<80x16xf32, #tpu.memory_space<vmem>>
      %dma_wait3A_64 = arith.constant 0 : i32
      %dma_wait3A_65 = tpu.memref_slice %arg8[%add3A_28, %dma_wait3A_64] : memref<5248x16xf32, #tpu.memory_space<vmem_shared>> -> memref<80x16xf32, #tpu.memory_space<vmem_shared>>
      %dma_wait3A_66 = arith.constant 0 : i32
      %dma_wait3A_67 = arith.constant 0 : i32
      %dma_wait3A_68 = tpu.memref_slice %arg7[%dma_wait3A_66, %dma_wait3A_67] : memref<125x16xf32, #tpu.memory_space<vmem>> -> memref<80x16xf32, #tpu.memory_space<vmem>>
      %dma_wait3A_69 = arith.constant 0 : i32
      %dma_wait3A_70 = tpu.memref_slice %arg8[%add3A_28, %dma_wait3A_69] : memref<5248x16xf32, #tpu.memory_space<vmem_shared>> -> memref<80x16xf32, #tpu.memory_space<vmem_shared>>
      tpu.wait_dma2 semaphore(%run_scoped3A : memref<!tpu.dma_semaphore, #tpu.memory_space<semaphore_mem>>) src(%dma_wait3A_70 : memref<80x16xf32, #tpu.memory_space<vmem_shared>>) dst(%dma_wait3A_68 : memref<80x16xf32, #tpu.memory_space<vmem>>)
      tpu.yield
    }) : () -> ()
    %mul3A_29 = arith.constant 5120 : i32
    %mul3A_30 = arith.muli %arg0, %mul3A_29 : i32
    %add3A_31 = arith.addi %mul3A_30, %add3A_28 : i32
    "tpu.region"() ({
      %run_scoped3A = tpu.sem_alloc : memref<!tpu.dma_semaphore, #tpu.memory_space<semaphore_mem>>
      %dma_start3A = arith.constant 0 : i32
      %dma_start3A_53 = arith.constant 0 : i32
      %dma_start3A_54 = tpu.memref_slice %arg7[%dma_start3A, %dma_start3A_53] : memref<125x16xf32, #tpu.memory_space<vmem>> -> memref<80x16xf32, #tpu.memory_space<vmem>>
      %dma_start3A_55 = arith.constant 0 : i32
      %dma_start3A_56 = tpu.memref_slice %arg3[%add3A_31, %dma_start3A_55] : memref<10240x16xf32, #tpu.memory_space<hbm>> -> memref<80x16xf32, #tpu.memory_space<hbm>>
      %dma_start3A_57 = arith.constant 0 : i32
      %dma_start3A_58 = tpu.memref_slice %arg3[%add3A_31, %dma_start3A_57] : memref<10240x16xf32, #tpu.memory_space<hbm>> -> memref<80x16xf32, #tpu.memory_space<hbm>>
      %dma_start3A_59 = arith.constant 0 : i32
      %dma_start3A_60 = arith.constant 0 : i32
      %dma_start3A_61 = tpu.memref_slice %arg7[%dma_start3A_59, %dma_start3A_60] : memref<125x16xf32, #tpu.memory_space<vmem>> -> memref<80x16xf32, #tpu.memory_space<vmem>>
      tpu.enqueue_dma source(%dma_start3A_61 : memref<80x16xf32, #tpu.memory_space<vmem>>) target(%dma_start3A_58 : memref<80x16xf32, #tpu.memory_space<hbm>>) target_semaphore(%run_scoped3A : memref<!tpu.dma_semaphore, #tpu.memory_space<semaphore_mem>>)
      %dma_wait3A = arith.constant 0 : i32
      %dma_wait3A_62 = arith.constant 0 : i32
      %dma_wait3A_63 = tpu.memref_slice %arg7[%dma_wait3A, %dma_wait3A_62] : memref<125x16xf32, #tpu.memory_space<vmem>> -> memref<80x16xf32, #tpu.memory_space<vmem>>
      %dma_wait3A_64 = arith.constant 0 : i32
      %dma_wait3A_65 = tpu.memref_slice %arg3[%add3A_31, %dma_wait3A_64] : memref<10240x16xf32, #tpu.memory_space<hbm>> -> memref<80x16xf32, #tpu.memory_space<hbm>>
      %dma_wait3A_66 = arith.constant 0 : i32
      %dma_wait3A_67 = tpu.memref_slice %arg3[%add3A_31, %dma_wait3A_66] : memref<10240x16xf32, #tpu.memory_space<hbm>> -> memref<80x16xf32, #tpu.memory_space<hbm>>
      %dma_wait3A_68 = arith.constant 0 : i32
      %dma_wait3A_69 = arith.constant 0 : i32
      %dma_wait3A_70 = tpu.memref_slice %arg7[%dma_wait3A_68, %dma_wait3A_69] : memref<125x16xf32, #tpu.memory_space<vmem>> -> memref<80x16xf32, #tpu.memory_space<vmem>>
      tpu.wait_dma2 semaphore(%run_scoped3A : memref<!tpu.dma_semaphore, #tpu.memory_space<semaphore_mem>>) src(%dma_wait3A_70 : memref<80x16xf32, #tpu.memory_space<vmem>>) dst(%dma_wait3A_67 : memref<80x16xf32, #tpu.memory_space<hbm>>)
      tpu.yield
    }) : () -> ()
    %mul3A_32 = arith.constant 320 : i32
    %mul3A_33 = arith.muli %arg1, %mul3A_32 : i32
    %add3A_34 = arith.constant 80 : i32
    %add3A_35 = arith.addi %mul3A_33, %add3A_34 : i32
    "tpu.region"() ({
      %run_scoped3A = tpu.sem_alloc : memref<!tpu.dma_semaphore, #tpu.memory_space<semaphore_mem>>
      %dma_start3A = arith.constant 0 : i32
      %dma_start3A_53 = arith.constant 0 : i32
      %dma_start3A_54 = tpu.memref_slice %arg7[%dma_start3A, %dma_start3A_53] : memref<125x16xf32, #tpu.memory_space<vmem>> -> memref<80x16xf32, #tpu.memory_space<vmem>>
      %dma_start3A_55 = arith.constant 0 : i32
      %dma_start3A_56 = tpu.memref_slice %arg8[%add3A_35, %dma_start3A_55] : memref<5248x16xf32, #tpu.memory_space<vmem_shared>> -> memref<80x16xf32, #tpu.memory_space<vmem_shared>>
      %dma_start3A_57 = arith.constant 0 : i32
      %dma_start3A_58 = arith.constant 0 : i32
      %dma_start3A_59 = tpu.memref_slice %arg7[%dma_start3A_57, %dma_start3A_58] : memref<125x16xf32, #tpu.memory_space<vmem>> -> memref<80x16xf32, #tpu.memory_space<vmem>>
      %dma_start3A_60 = arith.constant 0 : i32
      %dma_start3A_61 = tpu.memref_slice %arg8[%add3A_35, %dma_start3A_60] : memref<5248x16xf32, #tpu.memory_space<vmem_shared>> -> memref<80x16xf32, #tpu.memory_space<vmem_shared>>
      tpu.enqueue_dma source(%dma_start3A_61 : memref<80x16xf32, #tpu.memory_space<vmem_shared>>) target(%dma_start3A_59 : memref<80x16xf32, #tpu.memory_space<vmem>>) target_semaphore(%run_scoped3A : memref<!tpu.dma_semaphore, #tpu.memory_space<semaphore_mem>>)
      %dma_wait3A = arith.constant 0 : i32
      %dma_wait3A_62 = arith.constant 0 : i32
      %dma_wait3A_63 = tpu.memref_slice %arg7[%dma_wait3A, %dma_wait3A_62] : memref<125x16xf32, #tpu.memory_space<vmem>> -> memref<80x16xf32, #tpu.memory_space<vmem>>
      %dma_wait3A_64 = arith.constant 0 : i32
      %dma_wait3A_65 = tpu.memref_slice %arg8[%add3A_35, %dma_wait3A_64] : memref<5248x16xf32, #tpu.memory_space<vmem_shared>> -> memref<80x16xf32, #tpu.memory_space<vmem_shared>>
      %dma_wait3A_66 = arith.constant 0 : i32
      %dma_wait3A_67 = arith.constant 0 : i32
      %dma_wait3A_68 = tpu.memref_slice %arg7[%dma_wait3A_66, %dma_wait3A_67] : memref<125x16xf32, #tpu.memory_space<vmem>> -> memref<80x16xf32, #tpu.memory_space<vmem>>
      %dma_wait3A_69 = arith.constant 0 : i32
      %dma_wait3A_70 = tpu.memref_slice %arg8[%add3A_35, %dma_wait3A_69] : memref<5248x16xf32, #tpu.memory_space<vmem_shared>> -> memref<80x16xf32, #tpu.memory_space<vmem_shared>>
      tpu.wait_dma2 semaphore(%run_scoped3A : memref<!tpu.dma_semaphore, #tpu.memory_space<semaphore_mem>>) src(%dma_wait3A_70 : memref<80x16xf32, #tpu.memory_space<vmem_shared>>) dst(%dma_wait3A_68 : memref<80x16xf32, #tpu.memory_space<vmem>>)
      tpu.yield
    }) : () -> ()
    %mul3A_36 = arith.constant 5120 : i32
    %mul3A_37 = arith.muli %arg0, %mul3A_36 : i32
    %add3A_38 = arith.addi %mul3A_37, %add3A_35 : i32
    "tpu.region"() ({
      %run_scoped3A = tpu.sem_alloc : memref<!tpu.dma_semaphore, #tpu.memory_space<semaphore_mem>>
      %dma_start3A = arith.constant 0 : i32
      %dma_start3A_53 = arith.constant 0 : i32
      %dma_start3A_54 = tpu.memref_slice %arg7[%dma_start3A, %dma_start3A_53] : memref<125x16xf32, #tpu.memory_space<vmem>> -> memref<80x16xf32, #tpu.memory_space<vmem>>
      %dma_start3A_55 = arith.constant 0 : i32
      %dma_start3A_56 = tpu.memref_slice %arg3[%add3A_38, %dma_start3A_55] : memref<10240x16xf32, #tpu.memory_space<hbm>> -> memref<80x16xf32, #tpu.memory_space<hbm>>
      %dma_start3A_57 = arith.constant 0 : i32
      %dma_start3A_58 = tpu.memref_slice %arg3[%add3A_38, %dma_start3A_57] : memref<10240x16xf32, #tpu.memory_space<hbm>> -> memref<80x16xf32, #tpu.memory_space<hbm>>
      %dma_start3A_59 = arith.constant 0 : i32
      %dma_start3A_60 = arith.constant 0 : i32
      %dma_start3A_61 = tpu.memref_slice %arg7[%dma_start3A_59, %dma_start3A_60] : memref<125x16xf32, #tpu.memory_space<vmem>> -> memref<80x16xf32, #tpu.memory_space<vmem>>
      tpu.enqueue_dma source(%dma_start3A_61 : memref<80x16xf32, #tpu.memory_space<vmem>>) target(%dma_start3A_58 : memref<80x16xf32, #tpu.memory_space<hbm>>) target_semaphore(%run_scoped3A : memref<!tpu.dma_semaphore, #tpu.memory_space<semaphore_mem>>)
      %dma_wait3A = arith.constant 0 : i32
      %dma_wait3A_62 = arith.constant 0 : i32
      %dma_wait3A_63 = tpu.memref_slice %arg7[%dma_wait3A, %dma_wait3A_62] : memref<125x16xf32, #tpu.memory_space<vmem>> -> memref<80x16xf32, #tpu.memory_space<vmem>>
      %dma_wait3A_64 = arith.constant 0 : i32
      %dma_wait3A_65 = tpu.memref_slice %arg3[%add3A_38, %dma_wait3A_64] : memref<10240x16xf32, #tpu.memory_space<hbm>> -> memref<80x16xf32, #tpu.memory_space<hbm>>
      %dma_wait3A_66 = arith.constant 0 : i32
      %dma_wait3A_67 = tpu.memref_slice %arg3[%add3A_38, %dma_wait3A_66] : memref<10240x16xf32, #tpu.memory_space<hbm>> -> memref<80x16xf32, #tpu.memory_space<hbm>>
      %dma_wait3A_68 = arith.constant 0 : i32
      %dma_wait3A_69 = arith.constant 0 : i32
      %dma_wait3A_70 = tpu.memref_slice %arg7[%dma_wait3A_68, %dma_wait3A_69] : memref<125x16xf32, #tpu.memory_space<vmem>> -> memref<80x16xf32, #tpu.memory_space<vmem>>
      tpu.wait_dma2 semaphore(%run_scoped3A : memref<!tpu.dma_semaphore, #tpu.memory_space<semaphore_mem>>) src(%dma_wait3A_70 : memref<80x16xf32, #tpu.memory_space<vmem>>) dst(%dma_wait3A_67 : memref<80x16xf32, #tpu.memory_space<hbm>>)
      tpu.yield
    }) : () -> ()
    %mul3A_39 = arith.constant 320 : i32
    %mul3A_40 = arith.muli %arg1, %mul3A_39 : i32
    %add3A_41 = arith.constant 160 : i32
    %add3A_42 = arith.addi %mul3A_40, %add3A_41 : i32
    "tpu.region"() ({
      %run_scoped3A = tpu.sem_alloc : memref<!tpu.dma_semaphore, #tpu.memory_space<semaphore_mem>>
      %dma_start3A = arith.constant 0 : i32
      %dma_start3A_53 = arith.constant 0 : i32
      %dma_start3A_54 = tpu.memref_slice %arg7[%dma_start3A, %dma_start3A_53] : memref<125x16xf32, #tpu.memory_space<vmem>> -> memref<80x16xf32, #tpu.memory_space<vmem>>
      %dma_start3A_55 = arith.constant 0 : i32
      %dma_start3A_56 = tpu.memref_slice %arg8[%add3A_42, %dma_start3A_55] : memref<5248x16xf32, #tpu.memory_space<vmem_shared>> -> memref<80x16xf32, #tpu.memory_space<vmem_shared>>
      %dma_start3A_57 = arith.constant 0 : i32
      %dma_start3A_58 = arith.constant 0 : i32
      %dma_start3A_59 = tpu.memref_slice %arg7[%dma_start3A_57, %dma_start3A_58] : memref<125x16xf32, #tpu.memory_space<vmem>> -> memref<80x16xf32, #tpu.memory_space<vmem>>
      %dma_start3A_60 = arith.constant 0 : i32
      %dma_start3A_61 = tpu.memref_slice %arg8[%add3A_42, %dma_start3A_60] : memref<5248x16xf32, #tpu.memory_space<vmem_shared>> -> memref<80x16xf32, #tpu.memory_space<vmem_shared>>
      tpu.enqueue_dma source(%dma_start3A_61 : memref<80x16xf32, #tpu.memory_space<vmem_shared>>) target(%dma_start3A_59 : memref<80x16xf32, #tpu.memory_space<vmem>>) target_semaphore(%run_scoped3A : memref<!tpu.dma_semaphore, #tpu.memory_space<semaphore_mem>>)
      %dma_wait3A = arith.constant 0 : i32
      %dma_wait3A_62 = arith.constant 0 : i32
      %dma_wait3A_63 = tpu.memref_slice %arg7[%dma_wait3A, %dma_wait3A_62] : memref<125x16xf32, #tpu.memory_space<vmem>> -> memref<80x16xf32, #tpu.memory_space<vmem>>
      %dma_wait3A_64 = arith.constant 0 : i32
      %dma_wait3A_65 = tpu.memref_slice %arg8[%add3A_42, %dma_wait3A_64] : memref<5248x16xf32, #tpu.memory_space<vmem_shared>> -> memref<80x16xf32, #tpu.memory_space<vmem_shared>>
      %dma_wait3A_66 = arith.constant 0 : i32
      %dma_wait3A_67 = arith.constant 0 : i32
      %dma_wait3A_68 = tpu.memref_slice %arg7[%dma_wait3A_66, %dma_wait3A_67] : memref<125x16xf32, #tpu.memory_space<vmem>> -> memref<80x16xf32, #tpu.memory_space<vmem>>
      %dma_wait3A_69 = arith.constant 0 : i32
      %dma_wait3A_70 = tpu.memref_slice %arg8[%add3A_42, %dma_wait3A_69] : memref<5248x16xf32, #tpu.memory_space<vmem_shared>> -> memref<80x16xf32, #tpu.memory_space<vmem_shared>>
      tpu.wait_dma2 semaphore(%run_scoped3A : memref<!tpu.dma_semaphore, #tpu.memory_space<semaphore_mem>>) src(%dma_wait3A_70 : memref<80x16xf32, #tpu.memory_space<vmem_shared>>) dst(%dma_wait3A_68 : memref<80x16xf32, #tpu.memory_space<vmem>>)
      tpu.yield
    }) : () -> ()
    %mul3A_43 = arith.constant 5120 : i32
    %mul3A_44 = arith.muli %arg0, %mul3A_43 : i32
    %add3A_45 = arith.addi %mul3A_44, %add3A_42 : i32
    "tpu.region"() ({
      %run_scoped3A = tpu.sem_alloc : memref<!tpu.dma_semaphore, #tpu.memory_space<semaphore_mem>>
      %dma_start3A = arith.constant 0 : i32
      %dma_start3A_53 = arith.constant 0 : i32
      %dma_start3A_54 = tpu.memref_slice %arg7[%dma_start3A, %dma_start3A_53] : memref<125x16xf32, #tpu.memory_space<vmem>> -> memref<80x16xf32, #tpu.memory_space<vmem>>
      %dma_start3A_55 = arith.constant 0 : i32
      %dma_start3A_56 = tpu.memref_slice %arg3[%add3A_45, %dma_start3A_55] : memref<10240x16xf32, #tpu.memory_space<hbm>> -> memref<80x16xf32, #tpu.memory_space<hbm>>
      %dma_start3A_57 = arith.constant 0 : i32
      %dma_start3A_58 = tpu.memref_slice %arg3[%add3A_45, %dma_start3A_57] : memref<10240x16xf32, #tpu.memory_space<hbm>> -> memref<80x16xf32, #tpu.memory_space<hbm>>
      %dma_start3A_59 = arith.constant 0 : i32
      %dma_start3A_60 = arith.constant 0 : i32
      %dma_start3A_61 = tpu.memref_slice %arg7[%dma_start3A_59, %dma_start3A_60] : memref<125x16xf32, #tpu.memory_space<vmem>> -> memref<80x16xf32, #tpu.memory_space<vmem>>
      tpu.enqueue_dma source(%dma_start3A_61 : memref<80x16xf32, #tpu.memory_space<vmem>>) target(%dma_start3A_58 : memref<80x16xf32, #tpu.memory_space<hbm>>) target_semaphore(%run_scoped3A : memref<!tpu.dma_semaphore, #tpu.memory_space<semaphore_mem>>)
      %dma_wait3A = arith.constant 0 : i32
      %dma_wait3A_62 = arith.constant 0 : i32
      %dma_wait3A_63 = tpu.memref_slice %arg7[%dma_wait3A, %dma_wait3A_62] : memref<125x16xf32, #tpu.memory_space<vmem>> -> memref<80x16xf32, #tpu.memory_space<vmem>>
      %dma_wait3A_64 = arith.constant 0 : i32
      %dma_wait3A_65 = tpu.memref_slice %arg3[%add3A_45, %dma_wait3A_64] : memref<10240x16xf32, #tpu.memory_space<hbm>> -> memref<80x16xf32, #tpu.memory_space<hbm>>
      %dma_wait3A_66 = arith.constant 0 : i32
      %dma_wait3A_67 = tpu.memref_slice %arg3[%add3A_45, %dma_wait3A_66] : memref<10240x16xf32, #tpu.memory_space<hbm>> -> memref<80x16xf32, #tpu.memory_space<hbm>>
      %dma_wait3A_68 = arith.constant 0 : i32
      %dma_wait3A_69 = arith.constant 0 : i32
      %dma_wait3A_70 = tpu.memref_slice %arg7[%dma_wait3A_68, %dma_wait3A_69] : memref<125x16xf32, #tpu.memory_space<vmem>> -> memref<80x16xf32, #tpu.memory_space<vmem>>
      tpu.wait_dma2 semaphore(%run_scoped3A : memref<!tpu.dma_semaphore, #tpu.memory_space<semaphore_mem>>) src(%dma_wait3A_70 : memref<80x16xf32, #tpu.memory_space<vmem>>) dst(%dma_wait3A_67 : memref<80x16xf32, #tpu.memory_space<hbm>>)
      tpu.yield
    }) : () -> ()
    %mul3A_46 = arith.constant 320 : i32
    %mul3A_47 = arith.muli %arg1, %mul3A_46 : i32
    %add3A_48 = arith.constant 240 : i32
    %add3A_49 = arith.addi %mul3A_47, %add3A_48 : i32
    "tpu.region"() ({
      %run_scoped3A = tpu.sem_alloc : memref<!tpu.dma_semaphore, #tpu.memory_space<semaphore_mem>>
      %dma_start3A = arith.constant 0 : i32
      %dma_start3A_53 = arith.constant 0 : i32
      %dma_start3A_54 = tpu.memref_slice %arg7[%dma_start3A, %dma_start3A_53] : memref<125x16xf32, #tpu.memory_space<vmem>> -> memref<80x16xf32, #tpu.memory_space<vmem>>
      %dma_start3A_55 = arith.constant 0 : i32
      %dma_start3A_56 = tpu.memref_slice %arg8[%add3A_49, %dma_start3A_55] : memref<5248x16xf32, #tpu.memory_space<vmem_shared>> -> memref<80x16xf32, #tpu.memory_space<vmem_shared>>
      %dma_start3A_57 = arith.constant 0 : i32
      %dma_start3A_58 = arith.constant 0 : i32
      %dma_start3A_59 = tpu.memref_slice %arg7[%dma_start3A_57, %dma_start3A_58] : memref<125x16xf32, #tpu.memory_space<vmem>> -> memref<80x16xf32, #tpu.memory_space<vmem>>
      %dma_start3A_60 = arith.constant 0 : i32
      %dma_start3A_61 = tpu.memref_slice %arg8[%add3A_49, %dma_start3A_60] : memref<5248x16xf32, #tpu.memory_space<vmem_shared>> -> memref<80x16xf32, #tpu.memory_space<vmem_shared>>
      tpu.enqueue_dma source(%dma_start3A_61 : memref<80x16xf32, #tpu.memory_space<vmem_shared>>) target(%dma_start3A_59 : memref<80x16xf32, #tpu.memory_space<vmem>>) target_semaphore(%run_scoped3A : memref<!tpu.dma_semaphore, #tpu.memory_space<semaphore_mem>>)
      %dma_wait3A = arith.constant 0 : i32
      %dma_wait3A_62 = arith.constant 0 : i32
      %dma_wait3A_63 = tpu.memref_slice %arg7[%dma_wait3A, %dma_wait3A_62] : memref<125x16xf32, #tpu.memory_space<vmem>> -> memref<80x16xf32, #tpu.memory_space<vmem>>
      %dma_wait3A_64 = arith.constant 0 : i32
      %dma_wait3A_65 = tpu.memref_slice %arg8[%add3A_49, %dma_wait3A_64] : memref<5248x16xf32, #tpu.memory_space<vmem_shared>> -> memref<80x16xf32, #tpu.memory_space<vmem_shared>>
      %dma_wait3A_66 = arith.constant 0 : i32
      %dma_wait3A_67 = arith.constant 0 : i32
      %dma_wait3A_68 = tpu.memref_slice %arg7[%dma_wait3A_66, %dma_wait3A_67] : memref<125x16xf32, #tpu.memory_space<vmem>> -> memref<80x16xf32, #tpu.memory_space<vmem>>
      %dma_wait3A_69 = arith.constant 0 : i32
      %dma_wait3A_70 = tpu.memref_slice %arg8[%add3A_49, %dma_wait3A_69] : memref<5248x16xf32, #tpu.memory_space<vmem_shared>> -> memref<80x16xf32, #tpu.memory_space<vmem_shared>>
      tpu.wait_dma2 semaphore(%run_scoped3A : memref<!tpu.dma_semaphore, #tpu.memory_space<semaphore_mem>>) src(%dma_wait3A_70 : memref<80x16xf32, #tpu.memory_space<vmem_shared>>) dst(%dma_wait3A_68 : memref<80x16xf32, #tpu.memory_space<vmem>>)
      tpu.yield
    }) : () -> ()
    %mul3A_50 = arith.constant 5120 : i32
    %mul3A_51 = arith.muli %arg0, %mul3A_50 : i32
    %add3A_52 = arith.addi %mul3A_51, %add3A_49 : i32
    "tpu.region"() ({
      %run_scoped3A = tpu.sem_alloc : memref<!tpu.dma_semaphore, #tpu.memory_space<semaphore_mem>>
      %dma_start3A = arith.constant 0 : i32
      %dma_start3A_53 = arith.constant 0 : i32
      %dma_start3A_54 = tpu.memref_slice %arg7[%dma_start3A, %dma_start3A_53] : memref<125x16xf32, #tpu.memory_space<vmem>> -> memref<80x16xf32, #tpu.memory_space<vmem>>
      %dma_start3A_55 = arith.constant 0 : i32
      %dma_start3A_56 = tpu.memref_slice %arg3[%add3A_52, %dma_start3A_55] : memref<10240x16xf32, #tpu.memory_space<hbm>> -> memref<80x16xf32, #tpu.memory_space<hbm>>
      %dma_start3A_57 = arith.constant 0 : i32
      %dma_start3A_58 = tpu.memref_slice %arg3[%add3A_52, %dma_start3A_57] : memref<10240x16xf32, #tpu.memory_space<hbm>> -> memref<80x16xf32, #tpu.memory_space<hbm>>
      %dma_start3A_59 = arith.constant 0 : i32
      %dma_start3A_60 = arith.constant 0 : i32
      %dma_start3A_61 = tpu.memref_slice %arg7[%dma_start3A_59, %dma_start3A_60] : memref<125x16xf32, #tpu.memory_space<vmem>> -> memref<80x16xf32, #tpu.memory_space<vmem>>
      tpu.enqueue_dma source(%dma_start3A_61 : memref<80x16xf32, #tpu.memory_space<vmem>>) target(%dma_start3A_58 : memref<80x16xf32, #tpu.memory_space<hbm>>) target_semaphore(%run_scoped3A : memref<!tpu.dma_semaphore, #tpu.memory_space<semaphore_mem>>)
      %dma_wait3A = arith.constant 0 : i32
      %dma_wait3A_62 = arith.constant 0 : i32
      %dma_wait3A_63 = tpu.memref_slice %arg7[%dma_wait3A, %dma_wait3A_62] : memref<125x16xf32, #tpu.memory_space<vmem>> -> memref<80x16xf32, #tpu.memory_space<vmem>>
      %dma_wait3A_64 = arith.constant 0 : i32
      %dma_wait3A_65 = tpu.memref_slice %arg3[%add3A_52, %dma_wait3A_64] : memref<10240x16xf32, #tpu.memory_space<hbm>> -> memref<80x16xf32, #tpu.memory_space<hbm>>
      %dma_wait3A_66 = arith.constant 0 : i32
      %dma_wait3A_67 = tpu.memref_slice %arg3[%add3A_52, %dma_wait3A_66] : memref<10240x16xf32, #tpu.memory_space<hbm>> -> memref<80x16xf32, #tpu.memory_space<hbm>>
      %dma_wait3A_68 = arith.constant 0 : i32
      %dma_wait3A_69 = arith.constant 0 : i32
      %dma_wait3A_70 = tpu.memref_slice %arg7[%dma_wait3A_68, %dma_wait3A_69] : memref<125x16xf32, #tpu.memory_space<vmem>> -> memref<80x16xf32, #tpu.memory_space<vmem>>
      tpu.wait_dma2 semaphore(%run_scoped3A : memref<!tpu.dma_semaphore, #tpu.memory_space<semaphore_mem>>) src(%dma_wait3A_70 : memref<80x16xf32, #tpu.memory_space<vmem>>) dst(%dma_wait3A_67 : memref<80x16xf32, #tpu.memory_space<hbm>>)
      tpu.yield
    }) : () -> ()
    return
  }
}

#map = affine_map<(d0, d1) -> (0, 0)>
#map1 = affine_map<(d0, d1) -> (0, 0, 0, 0)>
module attributes {stable_mosaic.version = 14 : i64} {
  func.func @_scatter_kernel(%arg0: i32, %arg1: i32, %arg2: memref<10000x128xf32, #tpu.memory_space<hbm>>, %arg3: memref<16x5x32x125xi32, #tpu.memory_space<hbm>>, %arg4: memref<16x5x32x125xi32, #tpu.memory_space<hbm>>, %arg5: memref<10240x128xf32, #tpu.memory_space<hbm>>, %arg6: memref<32x125xi32, #tpu.memory_space<vmem>>, %arg7: memref<32x125xi32, #tpu.memory_space<vmem>>, %arg8: memref<32x125xi32, #tpu.memory_space<vmem>>, %arg9: memref<125x128xf32, #tpu.memory_space<vmem>>, %arg10: memref<125x128xf32, #tpu.memory_space<vmem>>, %arg11: memref<5248x128xf32, #tpu.memory_space<vmem_shared>>, %arg12: memref<!tpu.dma_semaphore, #tpu.memory_space<semaphore_mem>>, %arg13: memref<!tpu.dma_semaphore, #tpu.memory_space<semaphore_mem>>, %arg14: memref<!tpu.dma_semaphore, #tpu.memory_space<semaphore_mem>>, %arg15: memref<!tpu.dma_semaphore, #tpu.memory_space<semaphore_mem>>) attributes {dimension_semantics = [#tpu.dimension_semantics<core_parallel>, #tpu.dimension_semantics<subcore_parallel>], iteration_bounds = array<i64: 2, 16>, scalar_prefetch = 0 : i64, scratch_operands = 10 : i64, tpu.core_type = #tpu.core_type<sc_vector_subcore>, window_params = [{transform_indices = #map}, {transform_indices = #map1}, {transform_indices = #map1}, {transform_indices = #map}]} {
    %broadcast_in_dim3A = arith.constant 0.000000e+00 : f32
    %broadcast_in_dim3A_0 = vector.broadcast %broadcast_in_dim3A : f32 to vector<16xf32>
    %scan3A = arith.constant 0 : i32
    %scan3A_1 = arith.constant 0 : i32
    %scan3A_2 = arith.constant 125 : i32
    %scan3A_3 = arith.addi %scan3A_1, %scan3A_2 : i32
    %scan3A_4 = arith.constant 1 : i32
    scf.for %scan3A_45 = %scan3A_1 to %scan3A_3 step %scan3A_4  : i32 {
      %swap3A = arith.index_cast %scan3A_45 : i32 to index
      %swap3A_46 = arith.constant 0 : index
      %swap3A_47 = tpu.vector_load %arg9[%swap3A, %swap3A_46] {strides = array<i32>} : memref<125x128xf32, #tpu.memory_space<vmem>>, vector<1x16xf32>,
      %swap3A_48 = vector.shape_cast %swap3A_47 : vector<1x16xf32> to vector<16xf32>
      %swap3A_49 = vector.shape_cast %broadcast_in_dim3A_0 : vector<16xf32> to vector<1x16xf32>
      tpu.vector_store %arg9[%swap3A, %swap3A_46], %swap3A_49 {strides = array<i32>} : memref<125x128xf32, #tpu.memory_space<vmem>>, vector<1x16xf32>,
      %swap3A_50 = arith.index_cast %scan3A_45 : i32 to index
      %swap3A_51 = arith.constant 16 : index
      %swap3A_52 = tpu.vector_load %arg9[%swap3A_50, %swap3A_51] {strides = array<i32>} : memref<125x128xf32, #tpu.memory_space<vmem>>, vector<1x16xf32>,
      %swap3A_53 = vector.shape_cast %swap3A_52 : vector<1x16xf32> to vector<16xf32>
      %swap3A_54 = vector.shape_cast %broadcast_in_dim3A_0 : vector<16xf32> to vector<1x16xf32>
      tpu.vector_store %arg9[%swap3A_50, %swap3A_51], %swap3A_54 {strides = array<i32>} : memref<125x128xf32, #tpu.memory_space<vmem>>, vector<1x16xf32>,
      %swap3A_55 = arith.index_cast %scan3A_45 : i32 to index
      %swap3A_56 = arith.constant 32 : index
      %swap3A_57 = tpu.vector_load %arg9[%swap3A_55, %swap3A_56] {strides = array<i32>} : memref<125x128xf32, #tpu.memory_space<vmem>>, vector<1x16xf32>,
      %swap3A_58 = vector.shape_cast %swap3A_57 : vector<1x16xf32> to vector<16xf32>
      %swap3A_59 = vector.shape_cast %broadcast_in_dim3A_0 : vector<16xf32> to vector<1x16xf32>
      tpu.vector_store %arg9[%swap3A_55, %swap3A_56], %swap3A_59 {strides = array<i32>} : memref<125x128xf32, #tpu.memory_space<vmem>>, vector<1x16xf32>,
      %swap3A_60 = arith.index_cast %scan3A_45 : i32 to index
      %swap3A_61 = arith.constant 48 : index
      %swap3A_62 = tpu.vector_load %arg9[%swap3A_60, %swap3A_61] {strides = array<i32>} : memref<125x128xf32, #tpu.memory_space<vmem>>, vector<1x16xf32>,
      %swap3A_63 = vector.shape_cast %swap3A_62 : vector<1x16xf32> to vector<16xf32>
      %swap3A_64 = vector.shape_cast %broadcast_in_dim3A_0 : vector<16xf32> to vector<1x16xf32>
      tpu.vector_store %arg9[%swap3A_60, %swap3A_61], %swap3A_64 {strides = array<i32>} : memref<125x128xf32, #tpu.memory_space<vmem>>, vector<1x16xf32>,
      %swap3A_65 = arith.index_cast %scan3A_45 : i32 to index
      %swap3A_66 = arith.constant 64 : index
      %swap3A_67 = tpu.vector_load %arg9[%swap3A_65, %swap3A_66] {strides = array<i32>} : memref<125x128xf32, #tpu.memory_space<vmem>>, vector<1x16xf32>,
      %swap3A_68 = vector.shape_cast %swap3A_67 : vector<1x16xf32> to vector<16xf32>
      %swap3A_69 = vector.shape_cast %broadcast_in_dim3A_0 : vector<16xf32> to vector<1x16xf32>
      tpu.vector_store %arg9[%swap3A_65, %swap3A_66], %swap3A_69 {strides = array<i32>} : memref<125x128xf32, #tpu.memory_space<vmem>>, vector<1x16xf32>,
      %swap3A_70 = arith.index_cast %scan3A_45 : i32 to index
      %swap3A_71 = arith.constant 80 : index
      %swap3A_72 = tpu.vector_load %arg9[%swap3A_70, %swap3A_71] {strides = array<i32>} : memref<125x128xf32, #tpu.memory_space<vmem>>, vector<1x16xf32>,
      %swap3A_73 = vector.shape_cast %swap3A_72 : vector<1x16xf32> to vector<16xf32>
      %swap3A_74 = vector.shape_cast %broadcast_in_dim3A_0 : vector<16xf32> to vector<1x16xf32>
      tpu.vector_store %arg9[%swap3A_70, %swap3A_71], %swap3A_74 {strides = array<i32>} : memref<125x128xf32, #tpu.memory_space<vmem>>, vector<1x16xf32>,
      %swap3A_75 = arith.index_cast %scan3A_45 : i32 to index
      %swap3A_76 = arith.constant 96 : index
      %swap3A_77 = tpu.vector_load %arg9[%swap3A_75, %swap3A_76] {strides = array<i32>} : memref<125x128xf32, #tpu.memory_space<vmem>>, vector<1x16xf32>,
      %swap3A_78 = vector.shape_cast %swap3A_77 : vector<1x16xf32> to vector<16xf32>
      %swap3A_79 = vector.shape_cast %broadcast_in_dim3A_0 : vector<16xf32> to vector<1x16xf32>
      tpu.vector_store %arg9[%swap3A_75, %swap3A_76], %swap3A_79 {strides = array<i32>} : memref<125x128xf32, #tpu.memory_space<vmem>>, vector<1x16xf32>,
      %swap3A_80 = arith.index_cast %scan3A_45 : i32 to index
      %swap3A_81 = arith.constant 112 : index
      %swap3A_82 = tpu.vector_load %arg9[%swap3A_80, %swap3A_81] {strides = array<i32>} : memref<125x128xf32, #tpu.memory_space<vmem>>, vector<1x16xf32>,
      %swap3A_83 = vector.shape_cast %swap3A_82 : vector<1x16xf32> to vector<16xf32>
      %swap3A_84 = vector.shape_cast %broadcast_in_dim3A_0 : vector<16xf32> to vector<1x16xf32>
      tpu.vector_store %arg9[%swap3A_80, %swap3A_81], %swap3A_84 {strides = array<i32>} : memref<125x128xf32, #tpu.memory_space<vmem>>, vector<1x16xf32>,
    }
    %scan3A_5 = arith.constant 125 : i32
    %mul3A = arith.constant 328 : i32
    %mul3A_6 = arith.muli %arg1, %mul3A : i32
    "tpu.region"() ({
      %run_scoped3A = tpu.sem_alloc : memref<!tpu.dma_semaphore, #tpu.memory_space<semaphore_mem>>
      %dma_start3A = arith.constant 0 : i32
      %dma_start3A_45 = arith.constant 0 : i32
      %dma_start3A_46 = tpu.memref_slice %arg9[%dma_start3A, %dma_start3A_45] : memref<125x128xf32, #tpu.memory_space<vmem>> -> memref<120x128xf32, #tpu.memory_space<vmem>>
      %dma_start3A_47 = arith.constant 0 : i32
      %dma_start3A_48 = tpu.memref_slice %arg11[%mul3A_6, %dma_start3A_47] : memref<5248x128xf32, #tpu.memory_space<vmem_shared>> -> memref<120x128xf32, #tpu.memory_space<vmem_shared>>
      %dma_start3A_49 = arith.constant 0 : i32
      %dma_start3A_50 = tpu.memref_slice %arg11[%mul3A_6, %dma_start3A_49] : memref<5248x128xf32, #tpu.memory_space<vmem_shared>> -> memref<120x128xf32, #tpu.memory_space<vmem_shared>>
      %dma_start3A_51 = arith.constant 0 : i32
      %dma_start3A_52 = arith.constant 0 : i32
      %dma_start3A_53 = tpu.memref_slice %arg9[%dma_start3A_51, %dma_start3A_52] : memref<125x128xf32, #tpu.memory_space<vmem>> -> memref<120x128xf32, #tpu.memory_space<vmem>>
      tpu.enqueue_dma source(%dma_start3A_53 : memref<120x128xf32, #tpu.memory_space<vmem>>) target(%dma_start3A_50 : memref<120x128xf32, #tpu.memory_space<vmem_shared>>) target_semaphore(%run_scoped3A : memref<!tpu.dma_semaphore, #tpu.memory_space<semaphore_mem>>)
      %dma_wait3A = arith.constant 0 : i32
      %dma_wait3A_54 = arith.constant 0 : i32
      %dma_wait3A_55 = tpu.memref_slice %arg9[%dma_wait3A, %dma_wait3A_54] : memref<125x128xf32, #tpu.memory_space<vmem>> -> memref<120x128xf32, #tpu.memory_space<vmem>>
      %dma_wait3A_56 = arith.constant 0 : i32
      %dma_wait3A_57 = tpu.memref_slice %arg11[%mul3A_6, %dma_wait3A_56] : memref<5248x128xf32, #tpu.memory_space<vmem_shared>> -> memref<120x128xf32, #tpu.memory_space<vmem_shared>>
      %dma_wait3A_58 = arith.constant 0 : i32
      %dma_wait3A_59 = tpu.memref_slice %arg11[%mul3A_6, %dma_wait3A_58] : memref<5248x128xf32, #tpu.memory_space<vmem_shared>> -> memref<120x128xf32, #tpu.memory_space<vmem_shared>>
      %dma_wait3A_60 = arith.constant 0 : i32
      %dma_wait3A_61 = arith.constant 0 : i32
      %dma_wait3A_62 = tpu.memref_slice %arg9[%dma_wait3A_60, %dma_wait3A_61] : memref<125x128xf32, #tpu.memory_space<vmem>> -> memref<120x128xf32, #tpu.memory_space<vmem>>
      tpu.wait_dma2 semaphore(%run_scoped3A : memref<!tpu.dma_semaphore, #tpu.memory_space<semaphore_mem>>) src(%dma_wait3A_62 : memref<120x128xf32, #tpu.memory_space<vmem>>) dst(%dma_wait3A_59 : memref<120x128xf32, #tpu.memory_space<vmem_shared>>)
      tpu.yield
    }) : () -> ()
    %add3A = arith.constant 120 : i32
    %add3A_7 = arith.addi %mul3A_6, %add3A : i32
    "tpu.region"() ({
      %run_scoped3A = tpu.sem_alloc : memref<!tpu.dma_semaphore, #tpu.memory_space<semaphore_mem>>
      %dma_start3A = arith.constant 0 : i32
      %dma_start3A_45 = arith.constant 0 : i32
      %dma_start3A_46 = tpu.memref_slice %arg9[%dma_start3A, %dma_start3A_45] : memref<125x128xf32, #tpu.memory_space<vmem>> -> memref<120x128xf32, #tpu.memory_space<vmem>>
      %dma_start3A_47 = arith.constant 0 : i32
      %dma_start3A_48 = tpu.memref_slice %arg11[%add3A_7, %dma_start3A_47] : memref<5248x128xf32, #tpu.memory_space<vmem_shared>> -> memref<120x128xf32, #tpu.memory_space<vmem_shared>>
      %dma_start3A_49 = arith.constant 0 : i32
      %dma_start3A_50 = tpu.memref_slice %arg11[%add3A_7, %dma_start3A_49] : memref<5248x128xf32, #tpu.memory_space<vmem_shared>> -> memref<120x128xf32, #tpu.memory_space<vmem_shared>>
      %dma_start3A_51 = arith.constant 0 : i32
      %dma_start3A_52 = arith.constant 0 : i32
      %dma_start3A_53 = tpu.memref_slice %arg9[%dma_start3A_51, %dma_start3A_52] : memref<125x128xf32, #tpu.memory_space<vmem>> -> memref<120x128xf32, #tpu.memory_space<vmem>>
      tpu.enqueue_dma source(%dma_start3A_53 : memref<120x128xf32, #tpu.memory_space<vmem>>) target(%dma_start3A_50 : memref<120x128xf32, #tpu.memory_space<vmem_shared>>) target_semaphore(%run_scoped3A : memref<!tpu.dma_semaphore, #tpu.memory_space<semaphore_mem>>)
      %dma_wait3A = arith.constant 0 : i32
      %dma_wait3A_54 = arith.constant 0 : i32
      %dma_wait3A_55 = tpu.memref_slice %arg9[%dma_wait3A, %dma_wait3A_54] : memref<125x128xf32, #tpu.memory_space<vmem>> -> memref<120x128xf32, #tpu.memory_space<vmem>>
      %dma_wait3A_56 = arith.constant 0 : i32
      %dma_wait3A_57 = tpu.memref_slice %arg11[%add3A_7, %dma_wait3A_56] : memref<5248x128xf32, #tpu.memory_space<vmem_shared>> -> memref<120x128xf32, #tpu.memory_space<vmem_shared>>
      %dma_wait3A_58 = arith.constant 0 : i32
      %dma_wait3A_59 = tpu.memref_slice %arg11[%add3A_7, %dma_wait3A_58] : memref<5248x128xf32, #tpu.memory_space<vmem_shared>> -> memref<120x128xf32, #tpu.memory_space<vmem_shared>>
      %dma_wait3A_60 = arith.constant 0 : i32
      %dma_wait3A_61 = arith.constant 0 : i32
      %dma_wait3A_62 = tpu.memref_slice %arg9[%dma_wait3A_60, %dma_wait3A_61] : memref<125x128xf32, #tpu.memory_space<vmem>> -> memref<120x128xf32, #tpu.memory_space<vmem>>
      tpu.wait_dma2 semaphore(%run_scoped3A : memref<!tpu.dma_semaphore, #tpu.memory_space<semaphore_mem>>) src(%dma_wait3A_62 : memref<120x128xf32, #tpu.memory_space<vmem>>) dst(%dma_wait3A_59 : memref<120x128xf32, #tpu.memory_space<vmem_shared>>)
      tpu.yield
    }) : () -> ()
    %add3A_8 = arith.constant 240 : i32
    %add3A_9 = arith.addi %mul3A_6, %add3A_8 : i32
    "tpu.region"() ({
      %run_scoped3A = tpu.sem_alloc : memref<!tpu.dma_semaphore, #tpu.memory_space<semaphore_mem>>
      %dma_start3A = arith.constant 0 : i32
      %dma_start3A_45 = arith.constant 0 : i32
      %dma_start3A_46 = tpu.memref_slice %arg9[%dma_start3A, %dma_start3A_45] : memref<125x128xf32, #tpu.memory_space<vmem>> -> memref<88x128xf32, #tpu.memory_space<vmem>>
      %dma_start3A_47 = arith.constant 0 : i32
      %dma_start3A_48 = tpu.memref_slice %arg11[%add3A_9, %dma_start3A_47] : memref<5248x128xf32, #tpu.memory_space<vmem_shared>> -> memref<88x128xf32, #tpu.memory_space<vmem_shared>>
      %dma_start3A_49 = arith.constant 0 : i32
      %dma_start3A_50 = tpu.memref_slice %arg11[%add3A_9, %dma_start3A_49] : memref<5248x128xf32, #tpu.memory_space<vmem_shared>> -> memref<88x128xf32, #tpu.memory_space<vmem_shared>>
      %dma_start3A_51 = arith.constant 0 : i32
      %dma_start3A_52 = arith.constant 0 : i32
      %dma_start3A_53 = tpu.memref_slice %arg9[%dma_start3A_51, %dma_start3A_52] : memref<125x128xf32, #tpu.memory_space<vmem>> -> memref<88x128xf32, #tpu.memory_space<vmem>>
      tpu.enqueue_dma source(%dma_start3A_53 : memref<88x128xf32, #tpu.memory_space<vmem>>) target(%dma_start3A_50 : memref<88x128xf32, #tpu.memory_space<vmem_shared>>) target_semaphore(%run_scoped3A : memref<!tpu.dma_semaphore, #tpu.memory_space<semaphore_mem>>)
      %dma_wait3A = arith.constant 0 : i32
      %dma_wait3A_54 = arith.constant 0 : i32
      %dma_wait3A_55 = tpu.memref_slice %arg9[%dma_wait3A, %dma_wait3A_54] : memref<125x128xf32, #tpu.memory_space<vmem>> -> memref<88x128xf32, #tpu.memory_space<vmem>>
      %dma_wait3A_56 = arith.constant 0 : i32
      %dma_wait3A_57 = tpu.memref_slice %arg11[%add3A_9, %dma_wait3A_56] : memref<5248x128xf32, #tpu.memory_space<vmem_shared>> -> memref<88x128xf32, #tpu.memory_space<vmem_shared>>
      %dma_wait3A_58 = arith.constant 0 : i32
      %dma_wait3A_59 = tpu.memref_slice %arg11[%add3A_9, %dma_wait3A_58] : memref<5248x128xf32, #tpu.memory_space<vmem_shared>> -> memref<88x128xf32, #tpu.memory_space<vmem_shared>>
      %dma_wait3A_60 = arith.constant 0 : i32
      %dma_wait3A_61 = arith.constant 0 : i32
      %dma_wait3A_62 = tpu.memref_slice %arg9[%dma_wait3A_60, %dma_wait3A_61] : memref<125x128xf32, #tpu.memory_space<vmem>> -> memref<88x128xf32, #tpu.memory_space<vmem>>
      tpu.wait_dma2 semaphore(%run_scoped3A : memref<!tpu.dma_semaphore, #tpu.memory_space<semaphore_mem>>) src(%dma_wait3A_62 : memref<88x128xf32, #tpu.memory_space<vmem>>) dst(%dma_wait3A_59 : memref<88x128xf32, #tpu.memory_space<vmem_shared>>)
      tpu.yield
    }) : () -> ()
    %barrier3A = arith.constant 0 : index
    tpu.barrier barrier_id(%barrier3A)
    %scan3A_10 = arith.constant 0 : i32
    %scan3A_11 = arith.constant 0 : i32
    %scan3A_12 = arith.constant 5 : i32
    %scan3A_13 = arith.addi %scan3A_11, %scan3A_12 : i32
    %scan3A_14 = arith.constant 1 : i32
    scf.for %scan3A_45 = %scan3A_11 to %scan3A_13 step %scan3A_14  : i32 {
      "tpu.region"() ({
        %run_scoped3A = tpu.sem_alloc : memref<!tpu.dma_semaphore, #tpu.memory_space<semaphore_mem>>
        %dma_start3A_79 = arith.constant 0 : i32
        %dma_start3A_80 = arith.constant 0 : i32
        %dma_start3A_81 = tpu.memref_slice %arg3[%arg1, %scan3A_45, %dma_start3A_79, %dma_start3A_80] : memref<16x5x32x125xi32, #tpu.memory_space<hbm>> -> memref<1x1x32x125xi32, #tpu.memory_space<hbm>>
        %dma_start3A_82 = tpu.memref_squeeze %dma_start3A_81 : memref<1x1x32x125xi32, #tpu.memory_space<hbm>> -> memref<32x125xi32, #tpu.memory_space<hbm>>
        %dma_start3A_83 = arith.constant 0 : i32
        %dma_start3A_84 = arith.constant 0 : i32
        %dma_start3A_85 = tpu.memref_slice %arg3[%arg1, %scan3A_45, %dma_start3A_83, %dma_start3A_84] : memref<16x5x32x125xi32, #tpu.memory_space<hbm>> -> memref<1x1x32x125xi32, #tpu.memory_space<hbm>>
        %dma_start3A_86 = tpu.memref_squeeze %dma_start3A_85 : memref<1x1x32x125xi32, #tpu.memory_space<hbm>> -> memref<32x125xi32, #tpu.memory_space<hbm>>
        tpu.enqueue_dma source(%dma_start3A_86 : memref<32x125xi32, #tpu.memory_space<hbm>>) target(%arg6 : memref<32x125xi32, #tpu.memory_space<vmem>>) target_semaphore(%run_scoped3A : memref<!tpu.dma_semaphore, #tpu.memory_space<semaphore_mem>>)
        %dma_wait3A_87 = arith.constant 0 : i32
        %dma_wait3A_88 = arith.constant 0 : i32
        %dma_wait3A_89 = tpu.memref_slice %arg3[%arg1, %scan3A_45, %dma_wait3A_87, %dma_wait3A_88] : memref<16x5x32x125xi32, #tpu.memory_space<hbm>> -> memref<1x1x32x125xi32, #tpu.memory_space<hbm>>
        %dma_wait3A_90 = tpu.memref_squeeze %dma_wait3A_89 : memref<1x1x32x125xi32, #tpu.memory_space<hbm>> -> memref<32x125xi32, #tpu.memory_space<hbm>>
        %dma_wait3A_91 = arith.constant 0 : i32
        %dma_wait3A_92 = arith.constant 0 : i32
        %dma_wait3A_93 = tpu.memref_slice %arg3[%arg1, %scan3A_45, %dma_wait3A_91, %dma_wait3A_92] : memref<16x5x32x125xi32, #tpu.memory_space<hbm>> -> memref<1x1x32x125xi32, #tpu.memory_space<hbm>>
        %dma_wait3A_94 = tpu.memref_squeeze %dma_wait3A_93 : memref<1x1x32x125xi32, #tpu.memory_space<hbm>> -> memref<32x125xi32, #tpu.memory_space<hbm>>
        tpu.wait_dma2 semaphore(%run_scoped3A : memref<!tpu.dma_semaphore, #tpu.memory_space<semaphore_mem>>) src(%dma_wait3A_94 : memref<32x125xi32, #tpu.memory_space<hbm>>) dst(%arg6 : memref<32x125xi32, #tpu.memory_space<vmem>>)
        tpu.yield
      }) : () -> ()
      "tpu.region"() ({
        %run_scoped3A = tpu.sem_alloc : memref<!tpu.dma_semaphore, #tpu.memory_space<semaphore_mem>>
        %dma_start3A_79 = arith.constant 0 : i32
        %dma_start3A_80 = arith.constant 0 : i32
        %dma_start3A_81 = tpu.memref_slice %arg4[%arg1, %scan3A_45, %dma_start3A_79, %dma_start3A_80] : memref<16x5x32x125xi32, #tpu.memory_space<hbm>> -> memref<1x1x32x125xi32, #tpu.memory_space<hbm>>
        %dma_start3A_82 = tpu.memref_squeeze %dma_start3A_81 : memref<1x1x32x125xi32, #tpu.memory_space<hbm>> -> memref<32x125xi32, #tpu.memory_space<hbm>>
        %dma_start3A_83 = arith.constant 0 : i32
        %dma_start3A_84 = arith.constant 0 : i32
        %dma_start3A_85 = tpu.memref_slice %arg4[%arg1, %scan3A_45, %dma_start3A_83, %dma_start3A_84] : memref<16x5x32x125xi32, #tpu.memory_space<hbm>> -> memref<1x1x32x125xi32, #tpu.memory_space<hbm>>
        %dma_start3A_86 = tpu.memref_squeeze %dma_start3A_85 : memref<1x1x32x125xi32, #tpu.memory_space<hbm>> -> memref<32x125xi32, #tpu.memory_space<hbm>>
        tpu.enqueue_dma source(%dma_start3A_86 : memref<32x125xi32, #tpu.memory_space<hbm>>) target(%arg7 : memref<32x125xi32, #tpu.memory_space<vmem>>) target_semaphore(%run_scoped3A : memref<!tpu.dma_semaphore, #tpu.memory_space<semaphore_mem>>)
        %dma_wait3A_87 = arith.constant 0 : i32
        %dma_wait3A_88 = arith.constant 0 : i32
        %dma_wait3A_89 = tpu.memref_slice %arg4[%arg1, %scan3A_45, %dma_wait3A_87, %dma_wait3A_88] : memref<16x5x32x125xi32, #tpu.memory_space<hbm>> -> memref<1x1x32x125xi32, #tpu.memory_space<hbm>>
        %dma_wait3A_90 = tpu.memref_squeeze %dma_wait3A_89 : memref<1x1x32x125xi32, #tpu.memory_space<hbm>> -> memref<32x125xi32, #tpu.memory_space<hbm>>
        %dma_wait3A_91 = arith.constant 0 : i32
        %dma_wait3A_92 = arith.constant 0 : i32
        %dma_wait3A_93 = tpu.memref_slice %arg4[%arg1, %scan3A_45, %dma_wait3A_91, %dma_wait3A_92] : memref<16x5x32x125xi32, #tpu.memory_space<hbm>> -> memref<1x1x32x125xi32, #tpu.memory_space<hbm>>
        %dma_wait3A_94 = tpu.memref_squeeze %dma_wait3A_93 : memref<1x1x32x125xi32, #tpu.memory_space<hbm>> -> memref<32x125xi32, #tpu.memory_space<hbm>>
        tpu.wait_dma2 semaphore(%run_scoped3A : memref<!tpu.dma_semaphore, #tpu.memory_space<semaphore_mem>>) src(%dma_wait3A_94 : memref<32x125xi32, #tpu.memory_space<hbm>>) dst(%arg7 : memref<32x125xi32, #tpu.memory_space<vmem>>)
        tpu.yield
      }) : () -> ()
      %mul3A_46 = arith.constant 5120 : i32
      %mul3A_47 = arith.muli %arg0, %mul3A_46 : i32
      %scan3A_48 = arith.constant 0 : i32
      %scan3A_49 = arith.constant 0 : i32
      %scan3A_50 = arith.constant 32 : i32
      %scan3A_51 = arith.addi %scan3A_49, %scan3A_50 : i32
      %scan3A_52 = arith.constant 1 : i32
      scf.for %scan3A_79 = %scan3A_49 to %scan3A_51 step %scan3A_52  : i32 {
        %get3A = arith.index_cast %scan3A_79 : i32 to index
        %get3A_80 = arith.constant 0 : index
        %get3A_81 = tpu.vector_load %arg7[%get3A, %get3A_80] {strides = array<i32>} : memref<32x125xi32, #tpu.memory_space<vmem>>, vector<1x16xi32>,
        %get3A_82 = vector.shape_cast %get3A_81 : vector<1x16xi32> to vector<16xi32>
        %sub3A = vector.broadcast %mul3A_47 : i32 to vector<16xi32>
        %sub3A_83 = arith.subi %get3A_82, %sub3A : vector<16xi32>
        %ge3A = arith.constant 0 : i32
        %ge3A_84 = vector.broadcast %ge3A : i32 to vector<16xi32>
        %ge3A_85 = arith.cmpi sge, %sub3A_83, %ge3A_84 : vector<16xi32>
        %lt3A = arith.constant 5120 : i32
        %lt3A_86 = vector.broadcast %lt3A : i32 to vector<16xi32>
        %lt3A_87 = arith.cmpi slt, %sub3A_83, %lt3A_86 : vector<16xi32>
        %and3A = arith.andi %ge3A_85, %lt3A_87 : vector<16xi1>
        %and3A_88 = arith.constant 127 : i32
        %and3A_89 = vector.broadcast %and3A_88 : i32 to vector<16xi32>
        %and3A_90 = arith.andi %sub3A_83, %and3A_89 : vector<16xi32>
        %add3A_91 = arith.constant 5120 : i32
        %add3A_92 = vector.broadcast %add3A_91 : i32 to vector<16xi32>
        %add3A_93 = arith.addi %add3A_92, %and3A_90 : vector<16xi32>
        %select_n3A = arith.select %and3A, %sub3A_83, %add3A_93 : vector<16xi1>, vector<16xi32>
        %swap3A = arith.index_cast %scan3A_79 : i32 to index
        %swap3A_94 = arith.constant 0 : index
        %swap3A_95 = tpu.vector_load %arg8[%swap3A, %swap3A_94] {strides = array<i32>} : memref<32x125xi32, #tpu.memory_space<vmem>>, vector<1x16xi32>,
        %swap3A_96 = vector.shape_cast %swap3A_95 : vector<1x16xi32> to vector<16xi32>
        %swap3A_97 = vector.shape_cast %select_n3A : vector<16xi32> to vector<1x16xi32>
        tpu.vector_store %arg8[%swap3A, %swap3A_94], %swap3A_97 {strides = array<i32>} : memref<32x125xi32, #tpu.memory_space<vmem>>, vector<1x16xi32>,
        %get3A_98 = arith.index_cast %scan3A_79 : i32 to index
        %get3A_99 = arith.constant 16 : index
        %get3A_100 = tpu.vector_load %arg7[%get3A_98, %get3A_99] {strides = array<i32>} : memref<32x125xi32, #tpu.memory_space<vmem>>, vector<1x16xi32>,
        %get3A_101 = vector.shape_cast %get3A_100 : vector<1x16xi32> to vector<16xi32>
        %sub3A_102 = vector.broadcast %mul3A_47 : i32 to vector<16xi32>
        %sub3A_103 = arith.subi %get3A_101, %sub3A_102 : vector<16xi32>
        %ge3A_104 = arith.constant 0 : i32
        %ge3A_105 = vector.broadcast %ge3A_104 : i32 to vector<16xi32>
        %ge3A_106 = arith.cmpi sge, %sub3A_103, %ge3A_105 : vector<16xi32>
        %lt3A_107 = arith.constant 5120 : i32
        %lt3A_108 = vector.broadcast %lt3A_107 : i32 to vector<16xi32>
        %lt3A_109 = arith.cmpi slt, %sub3A_103, %lt3A_108 : vector<16xi32>
        %and3A_110 = arith.andi %ge3A_106, %lt3A_109 : vector<16xi1>
        %and3A_111 = arith.constant 127 : i32
        %and3A_112 = vector.broadcast %and3A_111 : i32 to vector<16xi32>
        %and3A_113 = arith.andi %sub3A_103, %and3A_112 : vector<16xi32>
        %add3A_114 = arith.constant 5120 : i32
        %add3A_115 = vector.broadcast %add3A_114 : i32 to vector<16xi32>
        %add3A_116 = arith.addi %add3A_115, %and3A_113 : vector<16xi32>
        %select_n3A_117 = arith.select %and3A_110, %sub3A_103, %add3A_116 : vector<16xi1>, vector<16xi32>
        %swap3A_118 = arith.index_cast %scan3A_79 : i32 to index
        %swap3A_119 = arith.constant 16 : index
        %swap3A_120 = tpu.vector_load %arg8[%swap3A_118, %swap3A_119] {strides = array<i32>} : memref<32x125xi32, #tpu.memory_space<vmem>>, vector<1x16xi32>,
        %swap3A_121 = vector.shape_cast %swap3A_120 : vector<1x16xi32> to vector<16xi32>
        %swap3A_122 = vector.shape_cast %select_n3A_117 : vector<16xi32> to vector<1x16xi32>
        tpu.vector_store %arg8[%swap3A_118, %swap3A_119], %swap3A_122 {strides = array<i32>} : memref<32x125xi32, #tpu.memory_space<vmem>>, vector<1x16xi32>,
        %get3A_123 = arith.index_cast %scan3A_79 : i32 to index
        %get3A_124 = arith.constant 32 : index
        %get3A_125 = tpu.vector_load %arg7[%get3A_123, %get3A_124] {strides = array<i32>} : memref<32x125xi32, #tpu.memory_space<vmem>>, vector<1x16xi32>,
        %get3A_126 = vector.shape_cast %get3A_125 : vector<1x16xi32> to vector<16xi32>
        %sub3A_127 = vector.broadcast %mul3A_47 : i32 to vector<16xi32>
        %sub3A_128 = arith.subi %get3A_126, %sub3A_127 : vector<16xi32>
        %ge3A_129 = arith.constant 0 : i32
        %ge3A_130 = vector.broadcast %ge3A_129 : i32 to vector<16xi32>
        %ge3A_131 = arith.cmpi sge, %sub3A_128, %ge3A_130 : vector<16xi32>
        %lt3A_132 = arith.constant 5120 : i32
        %lt3A_133 = vector.broadcast %lt3A_132 : i32 to vector<16xi32>
        %lt3A_134 = arith.cmpi slt, %sub3A_128, %lt3A_133 : vector<16xi32>
        %and3A_135 = arith.andi %ge3A_131, %lt3A_134 : vector<16xi1>
        %and3A_136 = arith.constant 127 : i32
        %and3A_137 = vector.broadcast %and3A_136 : i32 to vector<16xi32>
        %and3A_138 = arith.andi %sub3A_128, %and3A_137 : vector<16xi32>
        %add3A_139 = arith.constant 5120 : i32
        %add3A_140 = vector.broadcast %add3A_139 : i32 to vector<16xi32>
        %add3A_141 = arith.addi %add3A_140, %and3A_138 : vector<16xi32>
        %select_n3A_142 = arith.select %and3A_135, %sub3A_128, %add3A_141 : vector<16xi1>, vector<16xi32>
        %swap3A_143 = arith.index_cast %scan3A_79 : i32 to index
        %swap3A_144 = arith.constant 32 : index
        %swap3A_145 = tpu.vector_load %arg8[%swap3A_143, %swap3A_144] {strides = array<i32>} : memref<32x125xi32, #tpu.memory_space<vmem>>, vector<1x16xi32>,
        %swap3A_146 = vector.shape_cast %swap3A_145 : vector<1x16xi32> to vector<16xi32>
        %swap3A_147 = vector.shape_cast %select_n3A_142 : vector<16xi32> to vector<1x16xi32>
        tpu.vector_store %arg8[%swap3A_143, %swap3A_144], %swap3A_147 {strides = array<i32>} : memref<32x125xi32, #tpu.memory_space<vmem>>, vector<1x16xi32>,
        %get3A_148 = arith.index_cast %scan3A_79 : i32 to index
        %get3A_149 = arith.constant 48 : index
        %get3A_150 = tpu.vector_load %arg7[%get3A_148, %get3A_149] {strides = array<i32>} : memref<32x125xi32, #tpu.memory_space<vmem>>, vector<1x16xi32>,
        %get3A_151 = vector.shape_cast %get3A_150 : vector<1x16xi32> to vector<16xi32>
        %sub3A_152 = vector.broadcast %mul3A_47 : i32 to vector<16xi32>
        %sub3A_153 = arith.subi %get3A_151, %sub3A_152 : vector<16xi32>
        %ge3A_154 = arith.constant 0 : i32
        %ge3A_155 = vector.broadcast %ge3A_154 : i32 to vector<16xi32>
        %ge3A_156 = arith.cmpi sge, %sub3A_153, %ge3A_155 : vector<16xi32>
        %lt3A_157 = arith.constant 5120 : i32
        %lt3A_158 = vector.broadcast %lt3A_157 : i32 to vector<16xi32>
        %lt3A_159 = arith.cmpi slt, %sub3A_153, %lt3A_158 : vector<16xi32>
        %and3A_160 = arith.andi %ge3A_156, %lt3A_159 : vector<16xi1>
        %and3A_161 = arith.constant 127 : i32
        %and3A_162 = vector.broadcast %and3A_161 : i32 to vector<16xi32>
        %and3A_163 = arith.andi %sub3A_153, %and3A_162 : vector<16xi32>
        %add3A_164 = arith.constant 5120 : i32
        %add3A_165 = vector.broadcast %add3A_164 : i32 to vector<16xi32>
        %add3A_166 = arith.addi %add3A_165, %and3A_163 : vector<16xi32>
        %select_n3A_167 = arith.select %and3A_160, %sub3A_153, %add3A_166 : vector<16xi1>, vector<16xi32>
        %swap3A_168 = arith.index_cast %scan3A_79 : i32 to index
        %swap3A_169 = arith.constant 48 : index
        %swap3A_170 = tpu.vector_load %arg8[%swap3A_168, %swap3A_169] {strides = array<i32>} : memref<32x125xi32, #tpu.memory_space<vmem>>, vector<1x16xi32>,
        %swap3A_171 = vector.shape_cast %swap3A_170 : vector<1x16xi32> to vector<16xi32>
        %swap3A_172 = vector.shape_cast %select_n3A_167 : vector<16xi32> to vector<1x16xi32>
        tpu.vector_store %arg8[%swap3A_168, %swap3A_169], %swap3A_172 {strides = array<i32>} : memref<32x125xi32, #tpu.memory_space<vmem>>, vector<1x16xi32>,
        %get3A_173 = arith.index_cast %scan3A_79 : i32 to index
        %get3A_174 = arith.constant 64 : index
        %get3A_175 = tpu.vector_load %arg7[%get3A_173, %get3A_174] {strides = array<i32>} : memref<32x125xi32, #tpu.memory_space<vmem>>, vector<1x16xi32>,
        %get3A_176 = vector.shape_cast %get3A_175 : vector<1x16xi32> to vector<16xi32>
        %sub3A_177 = vector.broadcast %mul3A_47 : i32 to vector<16xi32>
        %sub3A_178 = arith.subi %get3A_176, %sub3A_177 : vector<16xi32>
        %ge3A_179 = arith.constant 0 : i32
        %ge3A_180 = vector.broadcast %ge3A_179 : i32 to vector<16xi32>
        %ge3A_181 = arith.cmpi sge, %sub3A_178, %ge3A_180 : vector<16xi32>
        %lt3A_182 = arith.constant 5120 : i32
        %lt3A_183 = vector.broadcast %lt3A_182 : i32 to vector<16xi32>
        %lt3A_184 = arith.cmpi slt, %sub3A_178, %lt3A_183 : vector<16xi32>
        %and3A_185 = arith.andi %ge3A_181, %lt3A_184 : vector<16xi1>
        %and3A_186 = arith.constant 127 : i32
        %and3A_187 = vector.broadcast %and3A_186 : i32 to vector<16xi32>
        %and3A_188 = arith.andi %sub3A_178, %and3A_187 : vector<16xi32>
        %add3A_189 = arith.constant 5120 : i32
        %add3A_190 = vector.broadcast %add3A_189 : i32 to vector<16xi32>
        %add3A_191 = arith.addi %add3A_190, %and3A_188 : vector<16xi32>
        %select_n3A_192 = arith.select %and3A_185, %sub3A_178, %add3A_191 : vector<16xi1>, vector<16xi32>
        %swap3A_193 = arith.index_cast %scan3A_79 : i32 to index
        %swap3A_194 = arith.constant 64 : index
        %swap3A_195 = tpu.vector_load %arg8[%swap3A_193, %swap3A_194] {strides = array<i32>} : memref<32x125xi32, #tpu.memory_space<vmem>>, vector<1x16xi32>,
        %swap3A_196 = vector.shape_cast %swap3A_195 : vector<1x16xi32> to vector<16xi32>
        %swap3A_197 = vector.shape_cast %select_n3A_192 : vector<16xi32> to vector<1x16xi32>
        tpu.vector_store %arg8[%swap3A_193, %swap3A_194], %swap3A_197 {strides = array<i32>} : memref<32x125xi32, #tpu.memory_space<vmem>>, vector<1x16xi32>,
        %get3A_198 = arith.index_cast %scan3A_79 : i32 to index
        %get3A_199 = arith.constant 80 : index
        %get3A_200 = tpu.vector_load %arg7[%get3A_198, %get3A_199] {strides = array<i32>} : memref<32x125xi32, #tpu.memory_space<vmem>>, vector<1x16xi32>,
        %get3A_201 = vector.shape_cast %get3A_200 : vector<1x16xi32> to vector<16xi32>
        %sub3A_202 = vector.broadcast %mul3A_47 : i32 to vector<16xi32>
        %sub3A_203 = arith.subi %get3A_201, %sub3A_202 : vector<16xi32>
        %ge3A_204 = arith.constant 0 : i32
        %ge3A_205 = vector.broadcast %ge3A_204 : i32 to vector<16xi32>
        %ge3A_206 = arith.cmpi sge, %sub3A_203, %ge3A_205 : vector<16xi32>
        %lt3A_207 = arith.constant 5120 : i32
        %lt3A_208 = vector.broadcast %lt3A_207 : i32 to vector<16xi32>
        %lt3A_209 = arith.cmpi slt, %sub3A_203, %lt3A_208 : vector<16xi32>
        %and3A_210 = arith.andi %ge3A_206, %lt3A_209 : vector<16xi1>
        %and3A_211 = arith.constant 127 : i32
        %and3A_212 = vector.broadcast %and3A_211 : i32 to vector<16xi32>
        %and3A_213 = arith.andi %sub3A_203, %and3A_212 : vector<16xi32>
        %add3A_214 = arith.constant 5120 : i32
        %add3A_215 = vector.broadcast %add3A_214 : i32 to vector<16xi32>
        %add3A_216 = arith.addi %add3A_215, %and3A_213 : vector<16xi32>
        %select_n3A_217 = arith.select %and3A_210, %sub3A_203, %add3A_216 : vector<16xi1>, vector<16xi32>
        %swap3A_218 = arith.index_cast %scan3A_79 : i32 to index
        %swap3A_219 = arith.constant 80 : index
        %swap3A_220 = tpu.vector_load %arg8[%swap3A_218, %swap3A_219] {strides = array<i32>} : memref<32x125xi32, #tpu.memory_space<vmem>>, vector<1x16xi32>,
        %swap3A_221 = vector.shape_cast %swap3A_220 : vector<1x16xi32> to vector<16xi32>
        %swap3A_222 = vector.shape_cast %select_n3A_217 : vector<16xi32> to vector<1x16xi32>
        tpu.vector_store %arg8[%swap3A_218, %swap3A_219], %swap3A_222 {strides = array<i32>} : memref<32x125xi32, #tpu.memory_space<vmem>>, vector<1x16xi32>,
        %get3A_223 = arith.index_cast %scan3A_79 : i32 to index
        %get3A_224 = arith.constant 96 : index
        %get3A_225 = tpu.vector_load %arg7[%get3A_223, %get3A_224] {strides = array<i32>} : memref<32x125xi32, #tpu.memory_space<vmem>>, vector<1x16xi32>,
        %get3A_226 = vector.shape_cast %get3A_225 : vector<1x16xi32> to vector<16xi32>
        %sub3A_227 = vector.broadcast %mul3A_47 : i32 to vector<16xi32>
        %sub3A_228 = arith.subi %get3A_226, %sub3A_227 : vector<16xi32>
        %ge3A_229 = arith.constant 0 : i32
        %ge3A_230 = vector.broadcast %ge3A_229 : i32 to vector<16xi32>
        %ge3A_231 = arith.cmpi sge, %sub3A_228, %ge3A_230 : vector<16xi32>
        %lt3A_232 = arith.constant 5120 : i32
        %lt3A_233 = vector.broadcast %lt3A_232 : i32 to vector<16xi32>
        %lt3A_234 = arith.cmpi slt, %sub3A_228, %lt3A_233 : vector<16xi32>
        %and3A_235 = arith.andi %ge3A_231, %lt3A_234 : vector<16xi1>
        %and3A_236 = arith.constant 127 : i32
        %and3A_237 = vector.broadcast %and3A_236 : i32 to vector<16xi32>
        %and3A_238 = arith.andi %sub3A_228, %and3A_237 : vector<16xi32>
        %add3A_239 = arith.constant 5120 : i32
        %add3A_240 = vector.broadcast %add3A_239 : i32 to vector<16xi32>
        %add3A_241 = arith.addi %add3A_240, %and3A_238 : vector<16xi32>
        %select_n3A_242 = arith.select %and3A_235, %sub3A_228, %add3A_241 : vector<16xi1>, vector<16xi32>
        %swap3A_243 = arith.index_cast %scan3A_79 : i32 to index
        %swap3A_244 = arith.constant 96 : index
        %swap3A_245 = tpu.vector_load %arg8[%swap3A_243, %swap3A_244] {strides = array<i32>} : memref<32x125xi32, #tpu.memory_space<vmem>>, vector<1x16xi32>,
        %swap3A_246 = vector.shape_cast %swap3A_245 : vector<1x16xi32> to vector<16xi32>
        %swap3A_247 = vector.shape_cast %select_n3A_242 : vector<16xi32> to vector<1x16xi32>
        tpu.vector_store %arg8[%swap3A_243, %swap3A_244], %swap3A_247 {strides = array<i32>} : memref<32x125xi32, #tpu.memory_space<vmem>>, vector<1x16xi32>,
        %get3A_248 = arith.index_cast %scan3A_79 : i32 to index
        %get3A_249 = arith.constant 109 : index
        %get3A_250 = tpu.vector_load %arg7[%get3A_248, %get3A_249] {strides = array<i32>} : memref<32x125xi32, #tpu.memory_space<vmem>>, vector<1x16xi32>,
        %get3A_251 = vector.shape_cast %get3A_250 : vector<1x16xi32> to vector<16xi32>
        %sub3A_252 = vector.broadcast %mul3A_47 : i32 to vector<16xi32>
        %sub3A_253 = arith.subi %get3A_251, %sub3A_252 : vector<16xi32>
        %ge3A_254 = arith.constant 0 : i32
        %ge3A_255 = vector.broadcast %ge3A_254 : i32 to vector<16xi32>
        %ge3A_256 = arith.cmpi sge, %sub3A_253, %ge3A_255 : vector<16xi32>
        %lt3A_257 = arith.constant 5120 : i32
        %lt3A_258 = vector.broadcast %lt3A_257 : i32 to vector<16xi32>
        %lt3A_259 = arith.cmpi slt, %sub3A_253, %lt3A_258 : vector<16xi32>
        %and3A_260 = arith.andi %ge3A_256, %lt3A_259 : vector<16xi1>
        %and3A_261 = arith.constant 127 : i32
        %and3A_262 = vector.broadcast %and3A_261 : i32 to vector<16xi32>
        %and3A_263 = arith.andi %sub3A_253, %and3A_262 : vector<16xi32>
        %add3A_264 = arith.constant 5120 : i32
        %add3A_265 = vector.broadcast %add3A_264 : i32 to vector<16xi32>
        %add3A_266 = arith.addi %add3A_265, %and3A_263 : vector<16xi32>
        %select_n3A_267 = arith.select %and3A_260, %sub3A_253, %add3A_266 : vector<16xi1>, vector<16xi32>
        %swap3A_268 = arith.index_cast %scan3A_79 : i32 to index
        %swap3A_269 = arith.constant 109 : index
        %swap3A_270 = tpu.vector_load %arg8[%swap3A_268, %swap3A_269] {strides = array<i32>} : memref<32x125xi32, #tpu.memory_space<vmem>>, vector<1x16xi32>,
        %swap3A_271 = vector.shape_cast %swap3A_270 : vector<1x16xi32> to vector<16xi32>
        %swap3A_272 = vector.shape_cast %select_n3A_267 : vector<16xi32> to vector<1x16xi32>
        tpu.vector_store %arg8[%swap3A_268, %swap3A_269], %swap3A_272 {strides = array<i32>} : memref<32x125xi32, #tpu.memory_space<vmem>>, vector<1x16xi32>,
      }
      %scan3A_53 = arith.constant 32 : i32
      %dma_start3A = arith.constant 0 : i32
      %dma_start3A_54 = arith.constant 0 : i32
      %dma_start3A_55 = tpu.memref_slice %arg6[%dma_start3A, %dma_start3A_54] : memref<32x125xi32, #tpu.memory_space<vmem>> -> memref<1x125xi32, #tpu.memory_space<vmem>>
      %dma_start3A_56 = tpu.memref_squeeze %dma_start3A_55 : memref<1x125xi32, #tpu.memory_space<vmem>> -> memref<125xi32, #tpu.memory_space<vmem>>
      %dma_start3A_57 = arith.constant 0 : i32
      %dma_start3A_58 = arith.constant 0 : i32
      %dma_start3A_59 = tpu.memref_slice %arg2[%dma_start3A_57, %dma_start3A_58] : memref<10000x128xf32, #tpu.memory_space<hbm>> -> memref<10000x128xf32, #tpu.memory_space<hbm>>
      tpu.enqueue_indirect_dma source(%dma_start3A_59 : memref<10000x128xf32, #tpu.memory_space<hbm>>) target(%arg9 : memref<125x128xf32, #tpu.memory_space<vmem>>) offsets(%dma_start3A_56 : memref<125xi32, #tpu.memory_space<vmem>>) semaphore(%arg12 : memref<!tpu.dma_semaphore, #tpu.memory_space<semaphore_mem>>)
      %scan3A_60 = arith.constant 0 : i32
      %scan3A_61 = arith.constant 0 : i32
      %scan3A_62 = arith.constant 16 : i32
      %scan3A_63 = arith.addi %scan3A_61, %scan3A_62 : i32
      %scan3A_64 = arith.constant 1 : i32
      scf.for %scan3A_79 = %scan3A_61 to %scan3A_63 step %scan3A_64  : i32 {
        %mul3A_80 = arith.constant 2 : i32
        %mul3A_81 = arith.muli %mul3A_80, %scan3A_79 : i32
        %add3A_82 = arith.constant 1 : i32
        %add3A_83 = arith.addi %mul3A_81, %add3A_82 : i32
        %dma_start3A_84 = arith.constant 0 : i32
        %dma_start3A_85 = tpu.memref_slice %arg6[%add3A_83, %dma_start3A_84] : memref<32x125xi32, #tpu.memory_space<vmem>> -> memref<1x125xi32, #tpu.memory_space<vmem>>
        %dma_start3A_86 = tpu.memref_squeeze %dma_start3A_85 : memref<1x125xi32, #tpu.memory_space<vmem>> -> memref<125xi32, #tpu.memory_space<vmem>>
        %dma_start3A_87 = arith.constant 0 : i32
        %dma_start3A_88 = arith.constant 0 : i32
        %dma_start3A_89 = tpu.memref_slice %arg2[%dma_start3A_87, %dma_start3A_88] : memref<10000x128xf32, #tpu.memory_space<hbm>> -> memref<10000x128xf32, #tpu.memory_space<hbm>>
        tpu.enqueue_indirect_dma source(%dma_start3A_89 : memref<10000x128xf32, #tpu.memory_space<hbm>>) target(%arg10 : memref<125x128xf32, #tpu.memory_space<vmem>>) offsets(%dma_start3A_86 : memref<125xi32, #tpu.memory_space<vmem>>) semaphore(%arg13 : memref<!tpu.dma_semaphore, #tpu.memory_space<semaphore_mem>>)
        %dma_wait3A_90 = arith.constant 0 : i32
        %dma_wait3A_91 = arith.constant 0 : i32
        %dma_wait3A_92 = tpu.memref_slice %arg6[%dma_wait3A_90, %dma_wait3A_91] : memref<32x125xi32, #tpu.memory_space<vmem>> -> memref<1x125xi32, #tpu.memory_space<vmem>>
        %dma_wait3A_93 = tpu.memref_squeeze %dma_wait3A_92 : memref<1x125xi32, #tpu.memory_space<vmem>> -> memref<125xi32, #tpu.memory_space<vmem>>
        %dma_wait3A_94 = arith.constant 0 : i32
        %dma_wait3A_95 = arith.constant 0 : i32
        %dma_wait3A_96 = tpu.memref_slice %arg2[%dma_wait3A_94, %dma_wait3A_95] : memref<10000x128xf32, #tpu.memory_space<hbm>> -> memref<10000x128xf32, #tpu.memory_space<hbm>>
        tpu.wait_indirect_dma semaphore(%arg12 : memref<!tpu.dma_semaphore, #tpu.memory_space<semaphore_mem>>) src(%dma_wait3A_96 : memref<10000x128xf32, #tpu.memory_space<hbm>>) dst(%arg9 : memref<125x128xf32, #tpu.memory_space<vmem>>)
        %mul3A_97 = arith.constant 2 : i32
        %mul3A_98 = arith.muli %mul3A_97, %scan3A_79 : i32
        %dma_start3A_99 = arith.constant 0 : i32
        %dma_start3A_100 = tpu.memref_slice %arg8[%mul3A_98, %dma_start3A_99] : memref<32x125xi32, #tpu.memory_space<vmem>> -> memref<1x125xi32, #tpu.memory_space<vmem>>
        %dma_start3A_101 = tpu.memref_squeeze %dma_start3A_100 : memref<1x125xi32, #tpu.memory_space<vmem>> -> memref<125xi32, #tpu.memory_space<vmem>>
        %dma_start3A_102 = arith.constant 0 : i32
        %dma_start3A_103 = arith.constant 0 : i32
        %dma_start3A_104 = tpu.memref_slice %arg11[%dma_start3A_102, %dma_start3A_103] : memref<5248x128xf32, #tpu.memory_space<vmem_shared>> -> memref<5248x128xf32, #tpu.memory_space<vmem_shared>>
        tpu.enqueue_indirect_dma source(%arg9 : memref<125x128xf32, #tpu.memory_space<vmem>>) target(%dma_start3A_104 : memref<5248x128xf32, #tpu.memory_space<vmem_shared>>) offsets(%dma_start3A_101 : memref<125xi32, #tpu.memory_space<vmem>>) semaphore(%arg14 : memref<!tpu.dma_semaphore, #tpu.memory_space<semaphore_mem>>) {add = true}
        %lt3A = arith.constant 15 : i32
        %lt3A_105 = arith.cmpi slt, %scan3A_79, %lt3A : i32
        %convert_element_type3A = arith.extui %lt3A_105 : i1 to i32
        %cond3A = arith.constant 0 : i32
        %cond3A_106 = arith.cmpi ne, %convert_element_type3A, %cond3A : i32
        scf.if %cond3A_106 {
          %dma_wait3A_129 = arith.constant 0 : i32
          %dma_wait3A_130 = arith.constant 0 : i32
          %dma_wait3A_131 = tpu.memref_slice %arg6[%dma_wait3A_129, %dma_wait3A_130] : memref<32x125xi32, #tpu.memory_space<vmem>> -> memref<1x125xi32, #tpu.memory_space<vmem>>
          %dma_wait3A_132 = tpu.memref_squeeze %dma_wait3A_131 : memref<1x125xi32, #tpu.memory_space<vmem>> -> memref<125xi32, #tpu.memory_space<vmem>>
          %dma_wait3A_133 = arith.constant 0 : i32
          %dma_wait3A_134 = arith.constant 0 : i32
          %dma_wait3A_135 = tpu.memref_slice %arg2[%dma_wait3A_133, %dma_wait3A_134] : memref<10000x128xf32, #tpu.memory_space<hbm>> -> memref<10000x128xf32, #tpu.memory_space<hbm>>
          tpu.wait_indirect_dma semaphore(%arg14 : memref<!tpu.dma_semaphore, #tpu.memory_space<semaphore_mem>>) src(%dma_wait3A_135 : memref<10000x128xf32, #tpu.memory_space<hbm>>) dst(%arg9 : memref<125x128xf32, #tpu.memory_space<vmem>>)
          %mul3A_136 = arith.constant 2 : i32
          %mul3A_137 = arith.muli %mul3A_136, %scan3A_79 : i32
          %add3A_138 = arith.constant 2 : i32
          %add3A_139 = arith.addi %mul3A_137, %add3A_138 : i32
          %dma_start3A_140 = arith.constant 0 : i32
          %dma_start3A_141 = tpu.memref_slice %arg6[%add3A_139, %dma_start3A_140] : memref<32x125xi32, #tpu.memory_space<vmem>> -> memref<1x125xi32, #tpu.memory_space<vmem>>
          %dma_start3A_142 = tpu.memref_squeeze %dma_start3A_141 : memref<1x125xi32, #tpu.memory_space<vmem>> -> memref<125xi32, #tpu.memory_space<vmem>>
          %dma_start3A_143 = arith.constant 0 : i32
          %dma_start3A_144 = arith.constant 0 : i32
          %dma_start3A_145 = tpu.memref_slice %arg2[%dma_start3A_143, %dma_start3A_144] : memref<10000x128xf32, #tpu.memory_space<hbm>> -> memref<10000x128xf32, #tpu.memory_space<hbm>>
          tpu.enqueue_indirect_dma source(%dma_start3A_145 : memref<10000x128xf32, #tpu.memory_space<hbm>>) target(%arg9 : memref<125x128xf32, #tpu.memory_space<vmem>>) offsets(%dma_start3A_142 : memref<125xi32, #tpu.memory_space<vmem>>) semaphore(%arg12 : memref<!tpu.dma_semaphore, #tpu.memory_space<semaphore_mem>>)
        } else {
        }
        %dma_wait3A_107 = arith.constant 0 : i32
        %dma_wait3A_108 = arith.constant 0 : i32
        %dma_wait3A_109 = tpu.memref_slice %arg6[%dma_wait3A_107, %dma_wait3A_108] : memref<32x125xi32, #tpu.memory_space<vmem>> -> memref<1x125xi32, #tpu.memory_space<vmem>>
        %dma_wait3A_110 = tpu.memref_squeeze %dma_wait3A_109 : memref<1x125xi32, #tpu.memory_space<vmem>> -> memref<125xi32, #tpu.memory_space<vmem>>
        %dma_wait3A_111 = arith.constant 0 : i32
        %dma_wait3A_112 = arith.constant 0 : i32
        %dma_wait3A_113 = tpu.memref_slice %arg2[%dma_wait3A_111, %dma_wait3A_112] : memref<10000x128xf32, #tpu.memory_space<hbm>> -> memref<10000x128xf32, #tpu.memory_space<hbm>>
        tpu.wait_indirect_dma semaphore(%arg13 : memref<!tpu.dma_semaphore, #tpu.memory_space<semaphore_mem>>) src(%dma_wait3A_113 : memref<10000x128xf32, #tpu.memory_space<hbm>>) dst(%arg10 : memref<125x128xf32, #tpu.memory_space<vmem>>)
        %mul3A_114 = arith.constant 2 : i32
        %mul3A_115 = arith.muli %mul3A_114, %scan3A_79 : i32
        %add3A_116 = arith.constant 1 : i32
        %add3A_117 = arith.addi %mul3A_115, %add3A_116 : i32
        %dma_start3A_118 = arith.constant 0 : i32
        %dma_start3A_119 = tpu.memref_slice %arg8[%add3A_117, %dma_start3A_118] : memref<32x125xi32, #tpu.memory_space<vmem>> -> memref<1x125xi32, #tpu.memory_space<vmem>>
        %dma_start3A_120 = tpu.memref_squeeze %dma_start3A_119 : memref<1x125xi32, #tpu.memory_space<vmem>> -> memref<125xi32, #tpu.memory_space<vmem>>
        %dma_start3A_121 = arith.constant 0 : i32
        %dma_start3A_122 = arith.constant 0 : i32
        %dma_start3A_123 = tpu.memref_slice %arg11[%dma_start3A_121, %dma_start3A_122] : memref<5248x128xf32, #tpu.memory_space<vmem_shared>> -> memref<5248x128xf32, #tpu.memory_space<vmem_shared>>
        tpu.enqueue_indirect_dma source(%arg10 : memref<125x128xf32, #tpu.memory_space<vmem>>) target(%dma_start3A_123 : memref<5248x128xf32, #tpu.memory_space<vmem_shared>>) offsets(%dma_start3A_120 : memref<125xi32, #tpu.memory_space<vmem>>) semaphore(%arg15 : memref<!tpu.dma_semaphore, #tpu.memory_space<semaphore_mem>>) {add = true}
        %lt3A_124 = arith.constant 15 : i32
        %lt3A_125 = arith.cmpi slt, %scan3A_79, %lt3A_124 : i32
        %convert_element_type3A_126 = arith.extui %lt3A_125 : i1 to i32
        %cond3A_127 = arith.constant 0 : i32
        %cond3A_128 = arith.cmpi ne, %convert_element_type3A_126, %cond3A_127 : i32
        scf.if %cond3A_128 {
          %dma_wait3A_129 = arith.constant 0 : i32
          %dma_wait3A_130 = arith.constant 0 : i32
          %dma_wait3A_131 = tpu.memref_slice %arg6[%dma_wait3A_129, %dma_wait3A_130] : memref<32x125xi32, #tpu.memory_space<vmem>> -> memref<1x125xi32, #tpu.memory_space<vmem>>
          %dma_wait3A_132 = tpu.memref_squeeze %dma_wait3A_131 : memref<1x125xi32, #tpu.memory_space<vmem>> -> memref<125xi32, #tpu.memory_space<vmem>>
          %dma_wait3A_133 = arith.constant 0 : i32
          %dma_wait3A_134 = arith.constant 0 : i32
          %dma_wait3A_135 = tpu.memref_slice %arg2[%dma_wait3A_133, %dma_wait3A_134] : memref<10000x128xf32, #tpu.memory_space<hbm>> -> memref<10000x128xf32, #tpu.memory_space<hbm>>
          tpu.wait_indirect_dma semaphore(%arg15 : memref<!tpu.dma_semaphore, #tpu.memory_space<semaphore_mem>>) src(%dma_wait3A_135 : memref<10000x128xf32, #tpu.memory_space<hbm>>) dst(%arg10 : memref<125x128xf32, #tpu.memory_space<vmem>>)
        } else {
        }
      }
      %scan3A_65 = arith.constant 16 : i32
      %dma_wait3A = arith.constant 0 : i32
      %dma_wait3A_66 = arith.constant 0 : i32
      %dma_wait3A_67 = tpu.memref_slice %arg6[%dma_wait3A, %dma_wait3A_66] : memref<32x125xi32, #tpu.memory_space<vmem>> -> memref<1x125xi32, #tpu.memory_space<vmem>>
      %dma_wait3A_68 = tpu.memref_squeeze %dma_wait3A_67 : memref<1x125xi32, #tpu.memory_space<vmem>> -> memref<125xi32, #tpu.memory_space<vmem>>
      %dma_wait3A_69 = arith.constant 0 : i32
      %dma_wait3A_70 = arith.constant 0 : i32
      %dma_wait3A_71 = tpu.memref_slice %arg2[%dma_wait3A_69, %dma_wait3A_70] : memref<10000x128xf32, #tpu.memory_space<hbm>> -> memref<10000x128xf32, #tpu.memory_space<hbm>>
      tpu.wait_indirect_dma semaphore(%arg14 : memref<!tpu.dma_semaphore, #tpu.memory_space<semaphore_mem>>) src(%dma_wait3A_71 : memref<10000x128xf32, #tpu.memory_space<hbm>>) dst(%arg9 : memref<125x128xf32, #tpu.memory_space<vmem>>)
      %dma_wait3A_72 = arith.constant 0 : i32
      %dma_wait3A_73 = arith.constant 0 : i32
      %dma_wait3A_74 = tpu.memref_slice %arg6[%dma_wait3A_72, %dma_wait3A_73] : memref<32x125xi32, #tpu.memory_space<vmem>> -> memref<1x125xi32, #tpu.memory_space<vmem>>
      %dma_wait3A_75 = tpu.memref_squeeze %dma_wait3A_74 : memref<1x125xi32, #tpu.memory_space<vmem>> -> memref<125xi32, #tpu.memory_space<vmem>>
      %dma_wait3A_76 = arith.constant 0 : i32
      %dma_wait3A_77 = arith.constant 0 : i32
      %dma_wait3A_78 = tpu.memref_slice %arg2[%dma_wait3A_76, %dma_wait3A_77] : memref<10000x128xf32, #tpu.memory_space<hbm>> -> memref<10000x128xf32, #tpu.memory_space<hbm>>
      tpu.wait_indirect_dma semaphore(%arg15 : memref<!tpu.dma_semaphore, #tpu.memory_space<semaphore_mem>>) src(%dma_wait3A_78 : memref<10000x128xf32, #tpu.memory_space<hbm>>) dst(%arg10 : memref<125x128xf32, #tpu.memory_space<vmem>>)
    }
    %scan3A_15 = arith.constant 5 : i32
    %barrier3A_16 = arith.constant 0 : index
    tpu.barrier barrier_id(%barrier3A_16)
    %mul3A_17 = arith.constant 320 : i32
    %mul3A_18 = arith.muli %arg1, %mul3A_17 : i32
    %add3A_19 = arith.constant 0 : i32
    %add3A_20 = arith.addi %mul3A_18, %add3A_19 : i32
    "tpu.region"() ({
      %run_scoped3A = tpu.sem_alloc : memref<!tpu.dma_semaphore, #tpu.memory_space<semaphore_mem>>
      %dma_start3A = arith.constant 0 : i32
      %dma_start3A_45 = arith.constant 0 : i32
      %dma_start3A_46 = tpu.memref_slice %arg9[%dma_start3A, %dma_start3A_45] : memref<125x128xf32, #tpu.memory_space<vmem>> -> memref<80x128xf32, #tpu.memory_space<vmem>>
      %dma_start3A_47 = arith.constant 0 : i32
      %dma_start3A_48 = tpu.memref_slice %arg11[%add3A_20, %dma_start3A_47] : memref<5248x128xf32, #tpu.memory_space<vmem_shared>> -> memref<80x128xf32, #tpu.memory_space<vmem_shared>>
      %dma_start3A_49 = arith.constant 0 : i32
      %dma_start3A_50 = arith.constant 0 : i32
      %dma_start3A_51 = tpu.memref_slice %arg9[%dma_start3A_49, %dma_start3A_50] : memref<125x128xf32, #tpu.memory_space<vmem>> -> memref<80x128xf32, #tpu.memory_space<vmem>>
      %dma_start3A_52 = arith.constant 0 : i32
      %dma_start3A_53 = tpu.memref_slice %arg11[%add3A_20, %dma_start3A_52] : memref<5248x128xf32, #tpu.memory_space<vmem_shared>> -> memref<80x128xf32, #tpu.memory_space<vmem_shared>>
      tpu.enqueue_dma source(%dma_start3A_53 : memref<80x128xf32, #tpu.memory_space<vmem_shared>>) target(%dma_start3A_51 : memref<80x128xf32, #tpu.memory_space<vmem>>) target_semaphore(%run_scoped3A : memref<!tpu.dma_semaphore, #tpu.memory_space<semaphore_mem>>)
      %dma_wait3A = arith.constant 0 : i32
      %dma_wait3A_54 = arith.constant 0 : i32
      %dma_wait3A_55 = tpu.memref_slice %arg9[%dma_wait3A, %dma_wait3A_54] : memref<125x128xf32, #tpu.memory_space<vmem>> -> memref<80x128xf32, #tpu.memory_space<vmem>>
      %dma_wait3A_56 = arith.constant 0 : i32
      %dma_wait3A_57 = tpu.memref_slice %arg11[%add3A_20, %dma_wait3A_56] : memref<5248x128xf32, #tpu.memory_space<vmem_shared>> -> memref<80x128xf32, #tpu.memory_space<vmem_shared>>
      %dma_wait3A_58 = arith.constant 0 : i32
      %dma_wait3A_59 = arith.constant 0 : i32
      %dma_wait3A_60 = tpu.memref_slice %arg9[%dma_wait3A_58, %dma_wait3A_59] : memref<125x128xf32, #tpu.memory_space<vmem>> -> memref<80x128xf32, #tpu.memory_space<vmem>>
      %dma_wait3A_61 = arith.constant 0 : i32
      %dma_wait3A_62 = tpu.memref_slice %arg11[%add3A_20, %dma_wait3A_61] : memref<5248x128xf32, #tpu.memory_space<vmem_shared>> -> memref<80x128xf32, #tpu.memory_space<vmem_shared>>
      tpu.wait_dma2 semaphore(%run_scoped3A : memref<!tpu.dma_semaphore, #tpu.memory_space<semaphore_mem>>) src(%dma_wait3A_62 : memref<80x128xf32, #tpu.memory_space<vmem_shared>>) dst(%dma_wait3A_60 : memref<80x128xf32, #tpu.memory_space<vmem>>)
      tpu.yield
    }) : () -> ()
    %mul3A_21 = arith.constant 5120 : i32
    %mul3A_22 = arith.muli %arg0, %mul3A_21 : i32
    %add3A_23 = arith.addi %mul3A_22, %add3A_20 : i32
    "tpu.region"() ({
      %run_scoped3A = tpu.sem_alloc : memref<!tpu.dma_semaphore, #tpu.memory_space<semaphore_mem>>
      %dma_start3A = arith.constant 0 : i32
      %dma_start3A_45 = arith.constant 0 : i32
      %dma_start3A_46 = tpu.memref_slice %arg9[%dma_start3A, %dma_start3A_45] : memref<125x128xf32, #tpu.memory_space<vmem>> -> memref<80x128xf32, #tpu.memory_space<vmem>>
      %dma_start3A_47 = arith.constant 0 : i32
      %dma_start3A_48 = tpu.memref_slice %arg5[%add3A_23, %dma_start3A_47] : memref<10240x128xf32, #tpu.memory_space<hbm>> -> memref<80x128xf32, #tpu.memory_space<hbm>>
      %dma_start3A_49 = arith.constant 0 : i32
      %dma_start3A_50 = tpu.memref_slice %arg5[%add3A_23, %dma_start3A_49] : memref<10240x128xf32, #tpu.memory_space<hbm>> -> memref<80x128xf32, #tpu.memory_space<hbm>>
      %dma_start3A_51 = arith.constant 0 : i32
      %dma_start3A_52 = arith.constant 0 : i32
      %dma_start3A_53 = tpu.memref_slice %arg9[%dma_start3A_51, %dma_start3A_52] : memref<125x128xf32, #tpu.memory_space<vmem>> -> memref<80x128xf32, #tpu.memory_space<vmem>>
      tpu.enqueue_dma source(%dma_start3A_53 : memref<80x128xf32, #tpu.memory_space<vmem>>) target(%dma_start3A_50 : memref<80x128xf32, #tpu.memory_space<hbm>>) target_semaphore(%run_scoped3A : memref<!tpu.dma_semaphore, #tpu.memory_space<semaphore_mem>>)
      %dma_wait3A = arith.constant 0 : i32
      %dma_wait3A_54 = arith.constant 0 : i32
      %dma_wait3A_55 = tpu.memref_slice %arg9[%dma_wait3A, %dma_wait3A_54] : memref<125x128xf32, #tpu.memory_space<vmem>> -> memref<80x128xf32, #tpu.memory_space<vmem>>
      %dma_wait3A_56 = arith.constant 0 : i32
      %dma_wait3A_57 = tpu.memref_slice %arg5[%add3A_23, %dma_wait3A_56] : memref<10240x128xf32, #tpu.memory_space<hbm>> -> memref<80x128xf32, #tpu.memory_space<hbm>>
      %dma_wait3A_58 = arith.constant 0 : i32
      %dma_wait3A_59 = tpu.memref_slice %arg5[%add3A_23, %dma_wait3A_58] : memref<10240x128xf32, #tpu.memory_space<hbm>> -> memref<80x128xf32, #tpu.memory_space<hbm>>
      %dma_wait3A_60 = arith.constant 0 : i32
      %dma_wait3A_61 = arith.constant 0 : i32
      %dma_wait3A_62 = tpu.memref_slice %arg9[%dma_wait3A_60, %dma_wait3A_61] : memref<125x128xf32, #tpu.memory_space<vmem>> -> memref<80x128xf32, #tpu.memory_space<vmem>>
      tpu.wait_dma2 semaphore(%run_scoped3A : memref<!tpu.dma_semaphore, #tpu.memory_space<semaphore_mem>>) src(%dma_wait3A_62 : memref<80x128xf32, #tpu.memory_space<vmem>>) dst(%dma_wait3A_59 : memref<80x128xf32, #tpu.memory_space<hbm>>)
      tpu.yield
    }) : () -> ()
    %mul3A_24 = arith.constant 320 : i32
    %mul3A_25 = arith.muli %arg1, %mul3A_24 : i32
    %add3A_26 = arith.constant 80 : i32
    %add3A_27 = arith.addi %mul3A_25, %add3A_26 : i32
    "tpu.region"() ({
      %run_scoped3A = tpu.sem_alloc : memref<!tpu.dma_semaphore, #tpu.memory_space<semaphore_mem>>
      %dma_start3A = arith.constant 0 : i32
      %dma_start3A_45 = arith.constant 0 : i32
      %dma_start3A_46 = tpu.memref_slice %arg9[%dma_start3A, %dma_start3A_45] : memref<125x128xf32, #tpu.memory_space<vmem>> -> memref<80x128xf32, #tpu.memory_space<vmem>>
      %dma_start3A_47 = arith.constant 0 : i32
      %dma_start3A_48 = tpu.memref_slice %arg11[%add3A_27, %dma_start3A_47] : memref<5248x128xf32, #tpu.memory_space<vmem_shared>> -> memref<80x128xf32, #tpu.memory_space<vmem_shared>>
      %dma_start3A_49 = arith.constant 0 : i32
      %dma_start3A_50 = arith.constant 0 : i32
      %dma_start3A_51 = tpu.memref_slice %arg9[%dma_start3A_49, %dma_start3A_50] : memref<125x128xf32, #tpu.memory_space<vmem>> -> memref<80x128xf32, #tpu.memory_space<vmem>>
      %dma_start3A_52 = arith.constant 0 : i32
      %dma_start3A_53 = tpu.memref_slice %arg11[%add3A_27, %dma_start3A_52] : memref<5248x128xf32, #tpu.memory_space<vmem_shared>> -> memref<80x128xf32, #tpu.memory_space<vmem_shared>>
      tpu.enqueue_dma source(%dma_start3A_53 : memref<80x128xf32, #tpu.memory_space<vmem_shared>>) target(%dma_start3A_51 : memref<80x128xf32, #tpu.memory_space<vmem>>) target_semaphore(%run_scoped3A : memref<!tpu.dma_semaphore, #tpu.memory_space<semaphore_mem>>)
      %dma_wait3A = arith.constant 0 : i32
      %dma_wait3A_54 = arith.constant 0 : i32
      %dma_wait3A_55 = tpu.memref_slice %arg9[%dma_wait3A, %dma_wait3A_54] : memref<125x128xf32, #tpu.memory_space<vmem>> -> memref<80x128xf32, #tpu.memory_space<vmem>>
      %dma_wait3A_56 = arith.constant 0 : i32
      %dma_wait3A_57 = tpu.memref_slice %arg11[%add3A_27, %dma_wait3A_56] : memref<5248x128xf32, #tpu.memory_space<vmem_shared>> -> memref<80x128xf32, #tpu.memory_space<vmem_shared>>
      %dma_wait3A_58 = arith.constant 0 : i32
      %dma_wait3A_59 = arith.constant 0 : i32
      %dma_wait3A_60 = tpu.memref_slice %arg9[%dma_wait3A_58, %dma_wait3A_59] : memref<125x128xf32, #tpu.memory_space<vmem>> -> memref<80x128xf32, #tpu.memory_space<vmem>>
      %dma_wait3A_61 = arith.constant 0 : i32
      %dma_wait3A_62 = tpu.memref_slice %arg11[%add3A_27, %dma_wait3A_61] : memref<5248x128xf32, #tpu.memory_space<vmem_shared>> -> memref<80x128xf32, #tpu.memory_space<vmem_shared>>
      tpu.wait_dma2 semaphore(%run_scoped3A : memref<!tpu.dma_semaphore, #tpu.memory_space<semaphore_mem>>) src(%dma_wait3A_62 : memref<80x128xf32, #tpu.memory_space<vmem_shared>>) dst(%dma_wait3A_60 : memref<80x128xf32, #tpu.memory_space<vmem>>)
      tpu.yield
    }) : () -> ()
    %mul3A_28 = arith.constant 5120 : i32
    %mul3A_29 = arith.muli %arg0, %mul3A_28 : i32
    %add3A_30 = arith.addi %mul3A_29, %add3A_27 : i32
    "tpu.region"() ({
      %run_scoped3A = tpu.sem_alloc : memref<!tpu.dma_semaphore, #tpu.memory_space<semaphore_mem>>
      %dma_start3A = arith.constant 0 : i32
      %dma_start3A_45 = arith.constant 0 : i32
      %dma_start3A_46 = tpu.memref_slice %arg9[%dma_start3A, %dma_start3A_45] : memref<125x128xf32, #tpu.memory_space<vmem>> -> memref<80x128xf32, #tpu.memory_space<vmem>>
      %dma_start3A_47 = arith.constant 0 : i32
      %dma_start3A_48 = tpu.memref_slice %arg5[%add3A_30, %dma_start3A_47] : memref<10240x128xf32, #tpu.memory_space<hbm>> -> memref<80x128xf32, #tpu.memory_space<hbm>>
      %dma_start3A_49 = arith.constant 0 : i32
      %dma_start3A_50 = tpu.memref_slice %arg5[%add3A_30, %dma_start3A_49] : memref<10240x128xf32, #tpu.memory_space<hbm>> -> memref<80x128xf32, #tpu.memory_space<hbm>>
      %dma_start3A_51 = arith.constant 0 : i32
      %dma_start3A_52 = arith.constant 0 : i32
      %dma_start3A_53 = tpu.memref_slice %arg9[%dma_start3A_51, %dma_start3A_52] : memref<125x128xf32, #tpu.memory_space<vmem>> -> memref<80x128xf32, #tpu.memory_space<vmem>>
      tpu.enqueue_dma source(%dma_start3A_53 : memref<80x128xf32, #tpu.memory_space<vmem>>) target(%dma_start3A_50 : memref<80x128xf32, #tpu.memory_space<hbm>>) target_semaphore(%run_scoped3A : memref<!tpu.dma_semaphore, #tpu.memory_space<semaphore_mem>>)
      %dma_wait3A = arith.constant 0 : i32
      %dma_wait3A_54 = arith.constant 0 : i32
      %dma_wait3A_55 = tpu.memref_slice %arg9[%dma_wait3A, %dma_wait3A_54] : memref<125x128xf32, #tpu.memory_space<vmem>> -> memref<80x128xf32, #tpu.memory_space<vmem>>
      %dma_wait3A_56 = arith.constant 0 : i32
      %dma_wait3A_57 = tpu.memref_slice %arg5[%add3A_30, %dma_wait3A_56] : memref<10240x128xf32, #tpu.memory_space<hbm>> -> memref<80x128xf32, #tpu.memory_space<hbm>>
      %dma_wait3A_58 = arith.constant 0 : i32
      %dma_wait3A_59 = tpu.memref_slice %arg5[%add3A_30, %dma_wait3A_58] : memref<10240x128xf32, #tpu.memory_space<hbm>> -> memref<80x128xf32, #tpu.memory_space<hbm>>
      %dma_wait3A_60 = arith.constant 0 : i32
      %dma_wait3A_61 = arith.constant 0 : i32
      %dma_wait3A_62 = tpu.memref_slice %arg9[%dma_wait3A_60, %dma_wait3A_61] : memref<125x128xf32, #tpu.memory_space<vmem>> -> memref<80x128xf32, #tpu.memory_space<vmem>>
      tpu.wait_dma2 semaphore(%run_scoped3A : memref<!tpu.dma_semaphore, #tpu.memory_space<semaphore_mem>>) src(%dma_wait3A_62 : memref<80x128xf32, #tpu.memory_space<vmem>>) dst(%dma_wait3A_59 : memref<80x128xf32, #tpu.memory_space<hbm>>)
      tpu.yield
    }) : () -> ()
    %mul3A_31 = arith.constant 320 : i32
    %mul3A_32 = arith.muli %arg1, %mul3A_31 : i32
    %add3A_33 = arith.constant 160 : i32
    %add3A_34 = arith.addi %mul3A_32, %add3A_33 : i32
    "tpu.region"() ({
      %run_scoped3A = tpu.sem_alloc : memref<!tpu.dma_semaphore, #tpu.memory_space<semaphore_mem>>
      %dma_start3A = arith.constant 0 : i32
      %dma_start3A_45 = arith.constant 0 : i32
      %dma_start3A_46 = tpu.memref_slice %arg9[%dma_start3A, %dma_start3A_45] : memref<125x128xf32, #tpu.memory_space<vmem>> -> memref<80x128xf32, #tpu.memory_space<vmem>>
      %dma_start3A_47 = arith.constant 0 : i32
      %dma_start3A_48 = tpu.memref_slice %arg11[%add3A_34, %dma_start3A_47] : memref<5248x128xf32, #tpu.memory_space<vmem_shared>> -> memref<80x128xf32, #tpu.memory_space<vmem_shared>>
      %dma_start3A_49 = arith.constant 0 : i32
      %dma_start3A_50 = arith.constant 0 : i32
      %dma_start3A_51 = tpu.memref_slice %arg9[%dma_start3A_49, %dma_start3A_50] : memref<125x128xf32, #tpu.memory_space<vmem>> -> memref<80x128xf32, #tpu.memory_space<vmem>>
      %dma_start3A_52 = arith.constant 0 : i32
      %dma_start3A_53 = tpu.memref_slice %arg11[%add3A_34, %dma_start3A_52] : memref<5248x128xf32, #tpu.memory_space<vmem_shared>> -> memref<80x128xf32, #tpu.memory_space<vmem_shared>>
      tpu.enqueue_dma source(%dma_start3A_53 : memref<80x128xf32, #tpu.memory_space<vmem_shared>>) target(%dma_start3A_51 : memref<80x128xf32, #tpu.memory_space<vmem>>) target_semaphore(%run_scoped3A : memref<!tpu.dma_semaphore, #tpu.memory_space<semaphore_mem>>)
      %dma_wait3A = arith.constant 0 : i32
      %dma_wait3A_54 = arith.constant 0 : i32
      %dma_wait3A_55 = tpu.memref_slice %arg9[%dma_wait3A, %dma_wait3A_54] : memref<125x128xf32, #tpu.memory_space<vmem>> -> memref<80x128xf32, #tpu.memory_space<vmem>>
      %dma_wait3A_56 = arith.constant 0 : i32
      %dma_wait3A_57 = tpu.memref_slice %arg11[%add3A_34, %dma_wait3A_56] : memref<5248x128xf32, #tpu.memory_space<vmem_shared>> -> memref<80x128xf32, #tpu.memory_space<vmem_shared>>
      %dma_wait3A_58 = arith.constant 0 : i32
      %dma_wait3A_59 = arith.constant 0 : i32
      %dma_wait3A_60 = tpu.memref_slice %arg9[%dma_wait3A_58, %dma_wait3A_59] : memref<125x128xf32, #tpu.memory_space<vmem>> -> memref<80x128xf32, #tpu.memory_space<vmem>>
      %dma_wait3A_61 = arith.constant 0 : i32
      %dma_wait3A_62 = tpu.memref_slice %arg11[%add3A_34, %dma_wait3A_61] : memref<5248x128xf32, #tpu.memory_space<vmem_shared>> -> memref<80x128xf32, #tpu.memory_space<vmem_shared>>
      tpu.wait_dma2 semaphore(%run_scoped3A : memref<!tpu.dma_semaphore, #tpu.memory_space<semaphore_mem>>) src(%dma_wait3A_62 : memref<80x128xf32, #tpu.memory_space<vmem_shared>>) dst(%dma_wait3A_60 : memref<80x128xf32, #tpu.memory_space<vmem>>)
      tpu.yield
    }) : () -> ()
    %mul3A_35 = arith.constant 5120 : i32
    %mul3A_36 = arith.muli %arg0, %mul3A_35 : i32
    %add3A_37 = arith.addi %mul3A_36, %add3A_34 : i32
    "tpu.region"() ({
      %run_scoped3A = tpu.sem_alloc : memref<!tpu.dma_semaphore, #tpu.memory_space<semaphore_mem>>
      %dma_start3A = arith.constant 0 : i32
      %dma_start3A_45 = arith.constant 0 : i32
      %dma_start3A_46 = tpu.memref_slice %arg9[%dma_start3A, %dma_start3A_45] : memref<125x128xf32, #tpu.memory_space<vmem>> -> memref<80x128xf32, #tpu.memory_space<vmem>>
      %dma_start3A_47 = arith.constant 0 : i32
      %dma_start3A_48 = tpu.memref_slice %arg5[%add3A_37, %dma_start3A_47] : memref<10240x128xf32, #tpu.memory_space<hbm>> -> memref<80x128xf32, #tpu.memory_space<hbm>>
      %dma_start3A_49 = arith.constant 0 : i32
      %dma_start3A_50 = tpu.memref_slice %arg5[%add3A_37, %dma_start3A_49] : memref<10240x128xf32, #tpu.memory_space<hbm>> -> memref<80x128xf32, #tpu.memory_space<hbm>>
      %dma_start3A_51 = arith.constant 0 : i32
      %dma_start3A_52 = arith.constant 0 : i32
      %dma_start3A_53 = tpu.memref_slice %arg9[%dma_start3A_51, %dma_start3A_52] : memref<125x128xf32, #tpu.memory_space<vmem>> -> memref<80x128xf32, #tpu.memory_space<vmem>>
      tpu.enqueue_dma source(%dma_start3A_53 : memref<80x128xf32, #tpu.memory_space<vmem>>) target(%dma_start3A_50 : memref<80x128xf32, #tpu.memory_space<hbm>>) target_semaphore(%run_scoped3A : memref<!tpu.dma_semaphore, #tpu.memory_space<semaphore_mem>>)
      %dma_wait3A = arith.constant 0 : i32
      %dma_wait3A_54 = arith.constant 0 : i32
      %dma_wait3A_55 = tpu.memref_slice %arg9[%dma_wait3A, %dma_wait3A_54] : memref<125x128xf32, #tpu.memory_space<vmem>> -> memref<80x128xf32, #tpu.memory_space<vmem>>
      %dma_wait3A_56 = arith.constant 0 : i32
      %dma_wait3A_57 = tpu.memref_slice %arg5[%add3A_37, %dma_wait3A_56] : memref<10240x128xf32, #tpu.memory_space<hbm>> -> memref<80x128xf32, #tpu.memory_space<hbm>>
      %dma_wait3A_58 = arith.constant 0 : i32
      %dma_wait3A_59 = tpu.memref_slice %arg5[%add3A_37, %dma_wait3A_58] : memref<10240x128xf32, #tpu.memory_space<hbm>> -> memref<80x128xf32, #tpu.memory_space<hbm>>
      %dma_wait3A_60 = arith.constant 0 : i32
      %dma_wait3A_61 = arith.constant 0 : i32
      %dma_wait3A_62 = tpu.memref_slice %arg9[%dma_wait3A_60, %dma_wait3A_61] : memref<125x128xf32, #tpu.memory_space<vmem>> -> memref<80x128xf32, #tpu.memory_space<vmem>>
      tpu.wait_dma2 semaphore(%run_scoped3A : memref<!tpu.dma_semaphore, #tpu.memory_space<semaphore_mem>>) src(%dma_wait3A_62 : memref<80x128xf32, #tpu.memory_space<vmem>>) dst(%dma_wait3A_59 : memref<80x128xf32, #tpu.memory_space<hbm>>)
      tpu.yield
    }) : () -> ()
    %mul3A_38 = arith.constant 320 : i32
    %mul3A_39 = arith.muli %arg1, %mul3A_38 : i32
    %add3A_40 = arith.constant 240 : i32
    %add3A_41 = arith.addi %mul3A_39, %add3A_40 : i32
    "tpu.region"() ({
      %run_scoped3A = tpu.sem_alloc : memref<!tpu.dma_semaphore, #tpu.memory_space<semaphore_mem>>
      %dma_start3A = arith.constant 0 : i32
      %dma_start3A_45 = arith.constant 0 : i32
      %dma_start3A_46 = tpu.memref_slice %arg9[%dma_start3A, %dma_start3A_45] : memref<125x128xf32, #tpu.memory_space<vmem>> -> memref<80x128xf32, #tpu.memory_space<vmem>>
      %dma_start3A_47 = arith.constant 0 : i32
      %dma_start3A_48 = tpu.memref_slice %arg11[%add3A_41, %dma_start3A_47] : memref<5248x128xf32, #tpu.memory_space<vmem_shared>> -> memref<80x128xf32, #tpu.memory_space<vmem_shared>>
      %dma_start3A_49 = arith.constant 0 : i32
      %dma_start3A_50 = arith.constant 0 : i32
      %dma_start3A_51 = tpu.memref_slice %arg9[%dma_start3A_49, %dma_start3A_50] : memref<125x128xf32, #tpu.memory_space<vmem>> -> memref<80x128xf32, #tpu.memory_space<vmem>>
      %dma_start3A_52 = arith.constant 0 : i32
      %dma_start3A_53 = tpu.memref_slice %arg11[%add3A_41, %dma_start3A_52] : memref<5248x128xf32, #tpu.memory_space<vmem_shared>> -> memref<80x128xf32, #tpu.memory_space<vmem_shared>>
      tpu.enqueue_dma source(%dma_start3A_53 : memref<80x128xf32, #tpu.memory_space<vmem_shared>>) target(%dma_start3A_51 : memref<80x128xf32, #tpu.memory_space<vmem>>) target_semaphore(%run_scoped3A : memref<!tpu.dma_semaphore, #tpu.memory_space<semaphore_mem>>)
      %dma_wait3A = arith.constant 0 : i32
      %dma_wait3A_54 = arith.constant 0 : i32
      %dma_wait3A_55 = tpu.memref_slice %arg9[%dma_wait3A, %dma_wait3A_54] : memref<125x128xf32, #tpu.memory_space<vmem>> -> memref<80x128xf32, #tpu.memory_space<vmem>>
      %dma_wait3A_56 = arith.constant 0 : i32
      %dma_wait3A_57 = tpu.memref_slice %arg11[%add3A_41, %dma_wait3A_56] : memref<5248x128xf32, #tpu.memory_space<vmem_shared>> -> memref<80x128xf32, #tpu.memory_space<vmem_shared>>
      %dma_wait3A_58 = arith.constant 0 : i32
      %dma_wait3A_59 = arith.constant 0 : i32
      %dma_wait3A_60 = tpu.memref_slice %arg9[%dma_wait3A_58, %dma_wait3A_59] : memref<125x128xf32, #tpu.memory_space<vmem>> -> memref<80x128xf32, #tpu.memory_space<vmem>>
      %dma_wait3A_61 = arith.constant 0 : i32
      %dma_wait3A_62 = tpu.memref_slice %arg11[%add3A_41, %dma_wait3A_61] : memref<5248x128xf32, #tpu.memory_space<vmem_shared>> -> memref<80x128xf32, #tpu.memory_space<vmem_shared>>
      tpu.wait_dma2 semaphore(%run_scoped3A : memref<!tpu.dma_semaphore, #tpu.memory_space<semaphore_mem>>) src(%dma_wait3A_62 : memref<80x128xf32, #tpu.memory_space<vmem_shared>>) dst(%dma_wait3A_60 : memref<80x128xf32, #tpu.memory_space<vmem>>)
      tpu.yield
    }) : () -> ()
    %mul3A_42 = arith.constant 5120 : i32
    %mul3A_43 = arith.muli %arg0, %mul3A_42 : i32
    %add3A_44 = arith.addi %mul3A_43, %add3A_41 : i32
    "tpu.region"() ({
      %run_scoped3A = tpu.sem_alloc : memref<!tpu.dma_semaphore, #tpu.memory_space<semaphore_mem>>
      %dma_start3A = arith.constant 0 : i32
      %dma_start3A_45 = arith.constant 0 : i32
      %dma_start3A_46 = tpu.memref_slice %arg9[%dma_start3A, %dma_start3A_45] : memref<125x128xf32, #tpu.memory_space<vmem>> -> memref<80x128xf32, #tpu.memory_space<vmem>>
      %dma_start3A_47 = arith.constant 0 : i32
      %dma_start3A_48 = tpu.memref_slice %arg5[%add3A_44, %dma_start3A_47] : memref<10240x128xf32, #tpu.memory_space<hbm>> -> memref<80x128xf32, #tpu.memory_space<hbm>>
      %dma_start3A_49 = arith.constant 0 : i32
      %dma_start3A_50 = tpu.memref_slice %arg5[%add3A_44, %dma_start3A_49] : memref<10240x128xf32, #tpu.memory_space<hbm>> -> memref<80x128xf32, #tpu.memory_space<hbm>>
      %dma_start3A_51 = arith.constant 0 : i32
      %dma_start3A_52 = arith.constant 0 : i32
      %dma_start3A_53 = tpu.memref_slice %arg9[%dma_start3A_51, %dma_start3A_52] : memref<125x128xf32, #tpu.memory_space<vmem>> -> memref<80x128xf32, #tpu.memory_space<vmem>>
      tpu.enqueue_dma source(%dma_start3A_53 : memref<80x128xf32, #tpu.memory_space<vmem>>) target(%dma_start3A_50 : memref<80x128xf32, #tpu.memory_space<hbm>>) target_semaphore(%run_scoped3A : memref<!tpu.dma_semaphore, #tpu.memory_space<semaphore_mem>>)
      %dma_wait3A = arith.constant 0 : i32
      %dma_wait3A_54 = arith.constant 0 : i32
      %dma_wait3A_55 = tpu.memref_slice %arg9[%dma_wait3A, %dma_wait3A_54] : memref<125x128xf32, #tpu.memory_space<vmem>> -> memref<80x128xf32, #tpu.memory_space<vmem>>
      %dma_wait3A_56 = arith.constant 0 : i32
      %dma_wait3A_57 = tpu.memref_slice %arg5[%add3A_44, %dma_wait3A_56] : memref<10240x128xf32, #tpu.memory_space<hbm>> -> memref<80x128xf32, #tpu.memory_space<hbm>>
      %dma_wait3A_58 = arith.constant 0 : i32
      %dma_wait3A_59 = tpu.memref_slice %arg5[%add3A_44, %dma_wait3A_58] : memref<10240x128xf32, #tpu.memory_space<hbm>> -> memref<80x128xf32, #tpu.memory_space<hbm>>
      %dma_wait3A_60 = arith.constant 0 : i32
      %dma_wait3A_61 = arith.constant 0 : i32
      %dma_wait3A_62 = tpu.memref_slice %arg9[%dma_wait3A_60, %dma_wait3A_61] : memref<125x128xf32, #tpu.memory_space<vmem>> -> memref<80x128xf32, #tpu.memory_space<vmem>>
      tpu.wait_dma2 semaphore(%run_scoped3A : memref<!tpu.dma_semaphore, #tpu.memory_space<semaphore_mem>>) src(%dma_wait3A_62 : memref<80x128xf32, #tpu.memory_space<vmem>>) dst(%dma_wait3A_59 : memref<80x128xf32, #tpu.memory_space<hbm>>)
      tpu.yield
    }) : () -> ()
    return
  }
}

#map = affine_map<(d0, d1) -> (0, 0)>
#map1 = affine_map<(d0, d1) -> (0, 0, 0, 0)>
module attributes {stable_mosaic.version = 14 : i64} {
  func.func @_scatter_kernel(%arg0: i32, %arg1: i32, %arg2: memref<10000x128xf32, #tpu.memory_space<hbm>>, %arg3: memref<16x5x32x125xi32, #tpu.memory_space<hbm>>, %arg4: memref<16x5x32x125xi32, #tpu.memory_space<hbm>>, %arg5: memref<10240x128xf32, #tpu.memory_space<hbm>>, %arg6: memref<32x125xi32, #tpu.memory_space<vmem>>, %arg7: memref<32x125xi32, #tpu.memory_space<vmem>>, %arg8: memref<32x125xi32, #tpu.memory_space<vmem>>, %arg9: memref<125x128xf32, #tpu.memory_space<vmem>>, %arg10: memref<125x128xf32, #tpu.memory_space<vmem>>, %arg11: memref<5248x128xf32, #tpu.memory_space<vmem_shared>>, %arg12: memref<!tpu.dma_semaphore, #tpu.memory_space<semaphore_mem>>, %arg13: memref<!tpu.dma_semaphore, #tpu.memory_space<semaphore_mem>>, %arg14: memref<!tpu.dma_semaphore, #tpu.memory_space<semaphore_mem>>, %arg15: memref<!tpu.dma_semaphore, #tpu.memory_space<semaphore_mem>>) attributes {dimension_semantics = [#tpu.dimension_semantics<core_parallel>, #tpu.dimension_semantics<subcore_parallel>], iteration_bounds = array<i64: 2, 16>, scalar_prefetch = 0 : i64, scratch_operands = 10 : i64, tpu.core_type = #tpu.core_type<sc_vector_subcore>, window_params = [{transform_indices = #map}, {transform_indices = #map1}, {transform_indices = #map1}, {transform_indices = #map}]} {
    %broadcast_in_dim3A = arith.constant 0.000000e+00 : f32
    %broadcast_in_dim3A_0 = vector.broadcast %broadcast_in_dim3A : f32 to vector<16xf32>
    %scan3A = arith.constant 0 : i32
    %scan3A_1 = arith.constant 0 : i32
    %scan3A_2 = arith.constant 125 : i32
    %scan3A_3 = arith.addi %scan3A_1, %scan3A_2 : i32
    %scan3A_4 = arith.constant 1 : i32
    scf.for %scan3A_45 = %scan3A_1 to %scan3A_3 step %scan3A_4  : i32 {
      %swap3A = arith.index_cast %scan3A_45 : i32 to index
      %swap3A_46 = arith.constant 0 : index
      %swap3A_47 = tpu.vector_load %arg9[%swap3A, %swap3A_46] {strides = array<i32>} : memref<125x128xf32, #tpu.memory_space<vmem>>, vector<1x16xf32>,
      %swap3A_48 = vector.shape_cast %swap3A_47 : vector<1x16xf32> to vector<16xf32>
      %swap3A_49 = vector.shape_cast %broadcast_in_dim3A_0 : vector<16xf32> to vector<1x16xf32>
      tpu.vector_store %arg9[%swap3A, %swap3A_46], %swap3A_49 {strides = array<i32>} : memref<125x128xf32, #tpu.memory_space<vmem>>, vector<1x16xf32>,
      %swap3A_50 = arith.index_cast %scan3A_45 : i32 to index
      %swap3A_51 = arith.constant 16 : index
      %swap3A_52 = tpu.vector_load %arg9[%swap3A_50, %swap3A_51] {strides = array<i32>} : memref<125x128xf32, #tpu.memory_space<vmem>>, vector<1x16xf32>,
      %swap3A_53 = vector.shape_cast %swap3A_52 : vector<1x16xf32> to vector<16xf32>
      %swap3A_54 = vector.shape_cast %broadcast_in_dim3A_0 : vector<16xf32> to vector<1x16xf32>
      tpu.vector_store %arg9[%swap3A_50, %swap3A_51], %swap3A_54 {strides = array<i32>} : memref<125x128xf32, #tpu.memory_space<vmem>>, vector<1x16xf32>,
      %swap3A_55 = arith.index_cast %scan3A_45 : i32 to index
      %swap3A_56 = arith.constant 32 : index
      %swap3A_57 = tpu.vector_load %arg9[%swap3A_55, %swap3A_56] {strides = array<i32>} : memref<125x128xf32, #tpu.memory_space<vmem>>, vector<1x16xf32>,
      %swap3A_58 = vector.shape_cast %swap3A_57 : vector<1x16xf32> to vector<16xf32>
      %swap3A_59 = vector.shape_cast %broadcast_in_dim3A_0 : vector<16xf32> to vector<1x16xf32>
      tpu.vector_store %arg9[%swap3A_55, %swap3A_56], %swap3A_59 {strides = array<i32>} : memref<125x128xf32, #tpu.memory_space<vmem>>, vector<1x16xf32>,
      %swap3A_60 = arith.index_cast %scan3A_45 : i32 to index
      %swap3A_61 = arith.constant 48 : index
      %swap3A_62 = tpu.vector_load %arg9[%swap3A_60, %swap3A_61] {strides = array<i32>} : memref<125x128xf32, #tpu.memory_space<vmem>>, vector<1x16xf32>,
      %swap3A_63 = vector.shape_cast %swap3A_62 : vector<1x16xf32> to vector<16xf32>
      %swap3A_64 = vector.shape_cast %broadcast_in_dim3A_0 : vector<16xf32> to vector<1x16xf32>
      tpu.vector_store %arg9[%swap3A_60, %swap3A_61], %swap3A_64 {strides = array<i32>} : memref<125x128xf32, #tpu.memory_space<vmem>>, vector<1x16xf32>,
      %swap3A_65 = arith.index_cast %scan3A_45 : i32 to index
      %swap3A_66 = arith.constant 64 : index
      %swap3A_67 = tpu.vector_load %arg9[%swap3A_65, %swap3A_66] {strides = array<i32>} : memref<125x128xf32, #tpu.memory_space<vmem>>, vector<1x16xf32>,
      %swap3A_68 = vector.shape_cast %swap3A_67 : vector<1x16xf32> to vector<16xf32>
      %swap3A_69 = vector.shape_cast %broadcast_in_dim3A_0 : vector<16xf32> to vector<1x16xf32>
      tpu.vector_store %arg9[%swap3A_65, %swap3A_66], %swap3A_69 {strides = array<i32>} : memref<125x128xf32, #tpu.memory_space<vmem>>, vector<1x16xf32>,
      %swap3A_70 = arith.index_cast %scan3A_45 : i32 to index
      %swap3A_71 = arith.constant 80 : index
      %swap3A_72 = tpu.vector_load %arg9[%swap3A_70, %swap3A_71] {strides = array<i32>} : memref<125x128xf32, #tpu.memory_space<vmem>>, vector<1x16xf32>,
      %swap3A_73 = vector.shape_cast %swap3A_72 : vector<1x16xf32> to vector<16xf32>
      %swap3A_74 = vector.shape_cast %broadcast_in_dim3A_0 : vector<16xf32> to vector<1x16xf32>
      tpu.vector_store %arg9[%swap3A_70, %swap3A_71], %swap3A_74 {strides = array<i32>} : memref<125x128xf32, #tpu.memory_space<vmem>>, vector<1x16xf32>,
      %swap3A_75 = arith.index_cast %scan3A_45 : i32 to index
      %swap3A_76 = arith.constant 96 : index
      %swap3A_77 = tpu.vector_load %arg9[%swap3A_75, %swap3A_76] {strides = array<i32>} : memref<125x128xf32, #tpu.memory_space<vmem>>, vector<1x16xf32>,
      %swap3A_78 = vector.shape_cast %swap3A_77 : vector<1x16xf32> to vector<16xf32>
      %swap3A_79 = vector.shape_cast %broadcast_in_dim3A_0 : vector<16xf32> to vector<1x16xf32>
      tpu.vector_store %arg9[%swap3A_75, %swap3A_76], %swap3A_79 {strides = array<i32>} : memref<125x128xf32, #tpu.memory_space<vmem>>, vector<1x16xf32>,
      %swap3A_80 = arith.index_cast %scan3A_45 : i32 to index
      %swap3A_81 = arith.constant 112 : index
      %swap3A_82 = tpu.vector_load %arg9[%swap3A_80, %swap3A_81] {strides = array<i32>} : memref<125x128xf32, #tpu.memory_space<vmem>>, vector<1x16xf32>,
      %swap3A_83 = vector.shape_cast %swap3A_82 : vector<1x16xf32> to vector<16xf32>
      %swap3A_84 = vector.shape_cast %broadcast_in_dim3A_0 : vector<16xf32> to vector<1x16xf32>
      tpu.vector_store %arg9[%swap3A_80, %swap3A_81], %swap3A_84 {strides = array<i32>} : memref<125x128xf32, #tpu.memory_space<vmem>>, vector<1x16xf32>,
    }
    %scan3A_5 = arith.constant 125 : i32
    %mul3A = arith.constant 328 : i32
    %mul3A_6 = arith.muli %arg1, %mul3A : i32
    "tpu.region"() ({
      %run_scoped3A = tpu.sem_alloc : memref<!tpu.dma_semaphore, #tpu.memory_space<semaphore_mem>>
      %dma_start3A = arith.constant 0 : i32
      %dma_start3A_45 = arith.constant 0 : i32
      %dma_start3A_46 = tpu.memref_slice %arg9[%dma_start3A, %dma_start3A_45] : memref<125x128xf32, #tpu.memory_space<vmem>> -> memref<120x128xf32, #tpu.memory_space<vmem>>
      %dma_start3A_47 = arith.constant 0 : i32
      %dma_start3A_48 = tpu.memref_slice %arg11[%mul3A_6, %dma_start3A_47] : memref<5248x128xf32, #tpu.memory_space<vmem_shared>> -> memref<120x128xf32, #tpu.memory_space<vmem_shared>>
      %dma_start3A_49 = arith.constant 0 : i32
      %dma_start3A_50 = tpu.memref_slice %arg11[%mul3A_6, %dma_start3A_49] : memref<5248x128xf32, #tpu.memory_space<vmem_shared>> -> memref<120x128xf32, #tpu.memory_space<vmem_shared>>
      %dma_start3A_51 = arith.constant 0 : i32
      %dma_start3A_52 = arith.constant 0 : i32
      %dma_start3A_53 = tpu.memref_slice %arg9[%dma_start3A_51, %dma_start3A_52] : memref<125x128xf32, #tpu.memory_space<vmem>> -> memref<120x128xf32, #tpu.memory_space<vmem>>
      tpu.enqueue_dma source(%dma_start3A_53 : memref<120x128xf32, #tpu.memory_space<vmem>>) target(%dma_start3A_50 : memref<120x128xf32, #tpu.memory_space<vmem_shared>>) target_semaphore(%run_scoped3A : memref<!tpu.dma_semaphore, #tpu.memory_space<semaphore_mem>>)
      %dma_wait3A = arith.constant 0 : i32
      %dma_wait3A_54 = arith.constant 0 : i32
      %dma_wait3A_55 = tpu.memref_slice %arg9[%dma_wait3A, %dma_wait3A_54] : memref<125x128xf32, #tpu.memory_space<vmem>> -> memref<120x128xf32, #tpu.memory_space<vmem>>
      %dma_wait3A_56 = arith.constant 0 : i32
      %dma_wait3A_57 = tpu.memref_slice %arg11[%mul3A_6, %dma_wait3A_56] : memref<5248x128xf32, #tpu.memory_space<vmem_shared>> -> memref<120x128xf32, #tpu.memory_space<vmem_shared>>
      %dma_wait3A_58 = arith.constant 0 : i32
      %dma_wait3A_59 = tpu.memref_slice %arg11[%mul3A_6, %dma_wait3A_58] : memref<5248x128xf32, #tpu.memory_space<vmem_shared>> -> memref<120x128xf32, #tpu.memory_space<vmem_shared>>
      %dma_wait3A_60 = arith.constant 0 : i32
      %dma_wait3A_61 = arith.constant 0 : i32
      %dma_wait3A_62 = tpu.memref_slice %arg9[%dma_wait3A_60, %dma_wait3A_61] : memref<125x128xf32, #tpu.memory_space<vmem>> -> memref<120x128xf32, #tpu.memory_space<vmem>>
      tpu.wait_dma2 semaphore(%run_scoped3A : memref<!tpu.dma_semaphore, #tpu.memory_space<semaphore_mem>>) src(%dma_wait3A_62 : memref<120x128xf32, #tpu.memory_space<vmem>>) dst(%dma_wait3A_59 : memref<120x128xf32, #tpu.memory_space<vmem_shared>>)
      tpu.yield
    }) : () -> ()
    %add3A = arith.constant 120 : i32
    %add3A_7 = arith.addi %mul3A_6, %add3A : i32
    "tpu.region"() ({
      %run_scoped3A = tpu.sem_alloc : memref<!tpu.dma_semaphore, #tpu.memory_space<semaphore_mem>>
      %dma_start3A = arith.constant 0 : i32
      %dma_start3A_45 = arith.constant 0 : i32
      %dma_start3A_46 = tpu.memref_slice %arg9[%dma_start3A, %dma_start3A_45] : memref<125x128xf32, #tpu.memory_space<vmem>> -> memref<120x128xf32, #tpu.memory_space<vmem>>
      %dma_start3A_47 = arith.constant 0 : i32
      %dma_start3A_48 = tpu.memref_slice %arg11[%add3A_7, %dma_start3A_47] : memref<5248x128xf32, #tpu.memory_space<vmem_shared>> -> memref<120x128xf32, #tpu.memory_space<vmem_shared>>
      %dma_start3A_49 = arith.constant 0 : i32
      %dma_start3A_50 = tpu.memref_slice %arg11[%add3A_7, %dma_start3A_49] : memref<5248x128xf32, #tpu.memory_space<vmem_shared>> -> memref<120x128xf32, #tpu.memory_space<vmem_shared>>
      %dma_start3A_51 = arith.constant 0 : i32
      %dma_start3A_52 = arith.constant 0 : i32
      %dma_start3A_53 = tpu.memref_slice %arg9[%dma_start3A_51, %dma_start3A_52] : memref<125x128xf32, #tpu.memory_space<vmem>> -> memref<120x128xf32, #tpu.memory_space<vmem>>
      tpu.enqueue_dma source(%dma_start3A_53 : memref<120x128xf32, #tpu.memory_space<vmem>>) target(%dma_start3A_50 : memref<120x128xf32, #tpu.memory_space<vmem_shared>>) target_semaphore(%run_scoped3A : memref<!tpu.dma_semaphore, #tpu.memory_space<semaphore_mem>>)
      %dma_wait3A = arith.constant 0 : i32
      %dma_wait3A_54 = arith.constant 0 : i32
      %dma_wait3A_55 = tpu.memref_slice %arg9[%dma_wait3A, %dma_wait3A_54] : memref<125x128xf32, #tpu.memory_space<vmem>> -> memref<120x128xf32, #tpu.memory_space<vmem>>
      %dma_wait3A_56 = arith.constant 0 : i32
      %dma_wait3A_57 = tpu.memref_slice %arg11[%add3A_7, %dma_wait3A_56] : memref<5248x128xf32, #tpu.memory_space<vmem_shared>> -> memref<120x128xf32, #tpu.memory_space<vmem_shared>>
      %dma_wait3A_58 = arith.constant 0 : i32
      %dma_wait3A_59 = tpu.memref_slice %arg11[%add3A_7, %dma_wait3A_58] : memref<5248x128xf32, #tpu.memory_space<vmem_shared>> -> memref<120x128xf32, #tpu.memory_space<vmem_shared>>
      %dma_wait3A_60 = arith.constant 0 : i32
      %dma_wait3A_61 = arith.constant 0 : i32
      %dma_wait3A_62 = tpu.memref_slice %arg9[%dma_wait3A_60, %dma_wait3A_61] : memref<125x128xf32, #tpu.memory_space<vmem>> -> memref<120x128xf32, #tpu.memory_space<vmem>>
      tpu.wait_dma2 semaphore(%run_scoped3A : memref<!tpu.dma_semaphore, #tpu.memory_space<semaphore_mem>>) src(%dma_wait3A_62 : memref<120x128xf32, #tpu.memory_space<vmem>>) dst(%dma_wait3A_59 : memref<120x128xf32, #tpu.memory_space<vmem_shared>>)
      tpu.yield
    }) : () -> ()
    %add3A_8 = arith.constant 240 : i32
    %add3A_9 = arith.addi %mul3A_6, %add3A_8 : i32
    "tpu.region"() ({
      %run_scoped3A = tpu.sem_alloc : memref<!tpu.dma_semaphore, #tpu.memory_space<semaphore_mem>>
      %dma_start3A = arith.constant 0 : i32
      %dma_start3A_45 = arith.constant 0 : i32
      %dma_start3A_46 = tpu.memref_slice %arg9[%dma_start3A, %dma_start3A_45] : memref<125x128xf32, #tpu.memory_space<vmem>> -> memref<88x128xf32, #tpu.memory_space<vmem>>
      %dma_start3A_47 = arith.constant 0 : i32
      %dma_start3A_48 = tpu.memref_slice %arg11[%add3A_9, %dma_start3A_47] : memref<5248x128xf32, #tpu.memory_space<vmem_shared>> -> memref<88x128xf32, #tpu.memory_space<vmem_shared>>
      %dma_start3A_49 = arith.constant 0 : i32
      %dma_start3A_50 = tpu.memref_slice %arg11[%add3A_9, %dma_start3A_49] : memref<5248x128xf32, #tpu.memory_space<vmem_shared>> -> memref<88x128xf32, #tpu.memory_space<vmem_shared>>
      %dma_start3A_51 = arith.constant 0 : i32
      %dma_start3A_52 = arith.constant 0 : i32
      %dma_start3A_53 = tpu.memref_slice %arg9[%dma_start3A_51, %dma_start3A_52] : memref<125x128xf32, #tpu.memory_space<vmem>> -> memref<88x128xf32, #tpu.memory_space<vmem>>
      tpu.enqueue_dma source(%dma_start3A_53 : memref<88x128xf32, #tpu.memory_space<vmem>>) target(%dma_start3A_50 : memref<88x128xf32, #tpu.memory_space<vmem_shared>>) target_semaphore(%run_scoped3A : memref<!tpu.dma_semaphore, #tpu.memory_space<semaphore_mem>>)
      %dma_wait3A = arith.constant 0 : i32
      %dma_wait3A_54 = arith.constant 0 : i32
      %dma_wait3A_55 = tpu.memref_slice %arg9[%dma_wait3A, %dma_wait3A_54] : memref<125x128xf32, #tpu.memory_space<vmem>> -> memref<88x128xf32, #tpu.memory_space<vmem>>
      %dma_wait3A_56 = arith.constant 0 : i32
      %dma_wait3A_57 = tpu.memref_slice %arg11[%add3A_9, %dma_wait3A_56] : memref<5248x128xf32, #tpu.memory_space<vmem_shared>> -> memref<88x128xf32, #tpu.memory_space<vmem_shared>>
      %dma_wait3A_58 = arith.constant 0 : i32
      %dma_wait3A_59 = tpu.memref_slice %arg11[%add3A_9, %dma_wait3A_58] : memref<5248x128xf32, #tpu.memory_space<vmem_shared>> -> memref<88x128xf32, #tpu.memory_space<vmem_shared>>
      %dma_wait3A_60 = arith.constant 0 : i32
      %dma_wait3A_61 = arith.constant 0 : i32
      %dma_wait3A_62 = tpu.memref_slice %arg9[%dma_wait3A_60, %dma_wait3A_61] : memref<125x128xf32, #tpu.memory_space<vmem>> -> memref<88x128xf32, #tpu.memory_space<vmem>>
      tpu.wait_dma2 semaphore(%run_scoped3A : memref<!tpu.dma_semaphore, #tpu.memory_space<semaphore_mem>>) src(%dma_wait3A_62 : memref<88x128xf32, #tpu.memory_space<vmem>>) dst(%dma_wait3A_59 : memref<88x128xf32, #tpu.memory_space<vmem_shared>>)
      tpu.yield
    }) : () -> ()
    %barrier3A = arith.constant 0 : index
    tpu.barrier barrier_id(%barrier3A)
    %scan3A_10 = arith.constant 0 : i32
    %scan3A_11 = arith.constant 0 : i32
    %scan3A_12 = arith.constant 5 : i32
    %scan3A_13 = arith.addi %scan3A_11, %scan3A_12 : i32
    %scan3A_14 = arith.constant 1 : i32
    scf.for %scan3A_45 = %scan3A_11 to %scan3A_13 step %scan3A_14  : i32 {
      "tpu.region"() ({
        %run_scoped3A = tpu.sem_alloc : memref<!tpu.dma_semaphore, #tpu.memory_space<semaphore_mem>>
        %dma_start3A_79 = arith.constant 0 : i32
        %dma_start3A_80 = arith.constant 0 : i32
        %dma_start3A_81 = tpu.memref_slice %arg3[%arg1, %scan3A_45, %dma_start3A_79, %dma_start3A_80] : memref<16x5x32x125xi32, #tpu.memory_space<hbm>> -> memref<1x1x32x125xi32, #tpu.memory_space<hbm>>
        %dma_start3A_82 = tpu.memref_squeeze %dma_start3A_81 : memref<1x1x32x125xi32, #tpu.memory_space<hbm>> -> memref<32x125xi32, #tpu.memory_space<hbm>>
        %dma_start3A_83 = arith.constant 0 : i32
        %dma_start3A_84 = arith.constant 0 : i32
        %dma_start3A_85 = tpu.memref_slice %arg3[%arg1, %scan3A_45, %dma_start3A_83, %dma_start3A_84] : memref<16x5x32x125xi32, #tpu.memory_space<hbm>> -> memref<1x1x32x125xi32, #tpu.memory_space<hbm>>
        %dma_start3A_86 = tpu.memref_squeeze %dma_start3A_85 : memref<1x1x32x125xi32, #tpu.memory_space<hbm>> -> memref<32x125xi32, #tpu.memory_space<hbm>>
        tpu.enqueue_dma source(%dma_start3A_86 : memref<32x125xi32, #tpu.memory_space<hbm>>) target(%arg6 : memref<32x125xi32, #tpu.memory_space<vmem>>) target_semaphore(%run_scoped3A : memref<!tpu.dma_semaphore, #tpu.memory_space<semaphore_mem>>)
        %dma_wait3A_87 = arith.constant 0 : i32
        %dma_wait3A_88 = arith.constant 0 : i32
        %dma_wait3A_89 = tpu.memref_slice %arg3[%arg1, %scan3A_45, %dma_wait3A_87, %dma_wait3A_88] : memref<16x5x32x125xi32, #tpu.memory_space<hbm>> -> memref<1x1x32x125xi32, #tpu.memory_space<hbm>>
        %dma_wait3A_90 = tpu.memref_squeeze %dma_wait3A_89 : memref<1x1x32x125xi32, #tpu.memory_space<hbm>> -> memref<32x125xi32, #tpu.memory_space<hbm>>
        %dma_wait3A_91 = arith.constant 0 : i32
        %dma_wait3A_92 = arith.constant 0 : i32
        %dma_wait3A_93 = tpu.memref_slice %arg3[%arg1, %scan3A_45, %dma_wait3A_91, %dma_wait3A_92] : memref<16x5x32x125xi32, #tpu.memory_space<hbm>> -> memref<1x1x32x125xi32, #tpu.memory_space<hbm>>
        %dma_wait3A_94 = tpu.memref_squeeze %dma_wait3A_93 : memref<1x1x32x125xi32, #tpu.memory_space<hbm>> -> memref<32x125xi32, #tpu.memory_space<hbm>>
        tpu.wait_dma2 semaphore(%run_scoped3A : memref<!tpu.dma_semaphore, #tpu.memory_space<semaphore_mem>>) src(%dma_wait3A_94 : memref<32x125xi32, #tpu.memory_space<hbm>>) dst(%arg6 : memref<32x125xi32, #tpu.memory_space<vmem>>)
        tpu.yield
      }) : () -> ()
      "tpu.region"() ({
        %run_scoped3A = tpu.sem_alloc : memref<!tpu.dma_semaphore, #tpu.memory_space<semaphore_mem>>
        %dma_start3A_79 = arith.constant 0 : i32
        %dma_start3A_80 = arith.constant 0 : i32
        %dma_start3A_81 = tpu.memref_slice %arg4[%arg1, %scan3A_45, %dma_start3A_79, %dma_start3A_80] : memref<16x5x32x125xi32, #tpu.memory_space<hbm>> -> memref<1x1x32x125xi32, #tpu.memory_space<hbm>>
        %dma_start3A_82 = tpu.memref_squeeze %dma_start3A_81 : memref<1x1x32x125xi32, #tpu.memory_space<hbm>> -> memref<32x125xi32, #tpu.memory_space<hbm>>
        %dma_start3A_83 = arith.constant 0 : i32
        %dma_start3A_84 = arith.constant 0 : i32
        %dma_start3A_85 = tpu.memref_slice %arg4[%arg1, %scan3A_45, %dma_start3A_83, %dma_start3A_84] : memref<16x5x32x125xi32, #tpu.memory_space<hbm>> -> memref<1x1x32x125xi32, #tpu.memory_space<hbm>>
        %dma_start3A_86 = tpu.memref_squeeze %dma_start3A_85 : memref<1x1x32x125xi32, #tpu.memory_space<hbm>> -> memref<32x125xi32, #tpu.memory_space<hbm>>
        tpu.enqueue_dma source(%dma_start3A_86 : memref<32x125xi32, #tpu.memory_space<hbm>>) target(%arg7 : memref<32x125xi32, #tpu.memory_space<vmem>>) target_semaphore(%run_scoped3A : memref<!tpu.dma_semaphore, #tpu.memory_space<semaphore_mem>>)
        %dma_wait3A_87 = arith.constant 0 : i32
        %dma_wait3A_88 = arith.constant 0 : i32
        %dma_wait3A_89 = tpu.memref_slice %arg4[%arg1, %scan3A_45, %dma_wait3A_87, %dma_wait3A_88] : memref<16x5x32x125xi32, #tpu.memory_space<hbm>> -> memref<1x1x32x125xi32, #tpu.memory_space<hbm>>
        %dma_wait3A_90 = tpu.memref_squeeze %dma_wait3A_89 : memref<1x1x32x125xi32, #tpu.memory_space<hbm>> -> memref<32x125xi32, #tpu.memory_space<hbm>>
        %dma_wait3A_91 = arith.constant 0 : i32
        %dma_wait3A_92 = arith.constant 0 : i32
        %dma_wait3A_93 = tpu.memref_slice %arg4[%arg1, %scan3A_45, %dma_wait3A_91, %dma_wait3A_92] : memref<16x5x32x125xi32, #tpu.memory_space<hbm>> -> memref<1x1x32x125xi32, #tpu.memory_space<hbm>>
        %dma_wait3A_94 = tpu.memref_squeeze %dma_wait3A_93 : memref<1x1x32x125xi32, #tpu.memory_space<hbm>> -> memref<32x125xi32, #tpu.memory_space<hbm>>
        tpu.wait_dma2 semaphore(%run_scoped3A : memref<!tpu.dma_semaphore, #tpu.memory_space<semaphore_mem>>) src(%dma_wait3A_94 : memref<32x125xi32, #tpu.memory_space<hbm>>) dst(%arg7 : memref<32x125xi32, #tpu.memory_space<vmem>>)
        tpu.yield
      }) : () -> ()
      %mul3A_46 = arith.constant 5120 : i32
      %mul3A_47 = arith.muli %arg0, %mul3A_46 : i32
      %scan3A_48 = arith.constant 0 : i32
      %scan3A_49 = arith.constant 0 : i32
      %scan3A_50 = arith.constant 32 : i32
      %scan3A_51 = arith.addi %scan3A_49, %scan3A_50 : i32
      %scan3A_52 = arith.constant 1 : i32
      scf.for %scan3A_79 = %scan3A_49 to %scan3A_51 step %scan3A_52  : i32 {
        %get3A = arith.index_cast %scan3A_79 : i32 to index
        %get3A_80 = arith.constant 0 : index
        %get3A_81 = tpu.vector_load %arg7[%get3A, %get3A_80] {strides = array<i32>} : memref<32x125xi32, #tpu.memory_space<vmem>>, vector<1x16xi32>,
        %get3A_82 = vector.shape_cast %get3A_81 : vector<1x16xi32> to vector<16xi32>
        %sub3A = vector.broadcast %mul3A_47 : i32 to vector<16xi32>
        %sub3A_83 = arith.subi %get3A_82, %sub3A : vector<16xi32>
        %ge3A = arith.constant 0 : i32
        %ge3A_84 = vector.broadcast %ge3A : i32 to vector<16xi32>
        %ge3A_85 = arith.cmpi sge, %sub3A_83, %ge3A_84 : vector<16xi32>
        %lt3A = arith.constant 5120 : i32
        %lt3A_86 = vector.broadcast %lt3A : i32 to vector<16xi32>
        %lt3A_87 = arith.cmpi slt, %sub3A_83, %lt3A_86 : vector<16xi32>
        %and3A = arith.andi %ge3A_85, %lt3A_87 : vector<16xi1>
        %and3A_88 = arith.constant 127 : i32
        %and3A_89 = vector.broadcast %and3A_88 : i32 to vector<16xi32>
        %and3A_90 = arith.andi %sub3A_83, %and3A_89 : vector<16xi32>
        %add3A_91 = arith.constant 5120 : i32
        %add3A_92 = vector.broadcast %add3A_91 : i32 to vector<16xi32>
        %add3A_93 = arith.addi %add3A_92, %and3A_90 : vector<16xi32>
        %select_n3A = arith.select %and3A, %sub3A_83, %add3A_93 : vector<16xi1>, vector<16xi32>
        %swap3A = arith.index_cast %scan3A_79 : i32 to index
        %swap3A_94 = arith.constant 0 : index
        %swap3A_95 = tpu.vector_load %arg8[%swap3A, %swap3A_94] {strides = array<i32>} : memref<32x125xi32, #tpu.memory_space<vmem>>, vector<1x16xi32>,
        %swap3A_96 = vector.shape_cast %swap3A_95 : vector<1x16xi32> to vector<16xi32>
        %swap3A_97 = vector.shape_cast %select_n3A : vector<16xi32> to vector<1x16xi32>
        tpu.vector_store %arg8[%swap3A, %swap3A_94], %swap3A_97 {strides = array<i32>} : memref<32x125xi32, #tpu.memory_space<vmem>>, vector<1x16xi32>,
        %get3A_98 = arith.index_cast %scan3A_79 : i32 to index
        %get3A_99 = arith.constant 16 : index
        %get3A_100 = tpu.vector_load %arg7[%get3A_98, %get3A_99] {strides = array<i32>} : memref<32x125xi32, #tpu.memory_space<vmem>>, vector<1x16xi32>,
        %get3A_101 = vector.shape_cast %get3A_100 : vector<1x16xi32> to vector<16xi32>
        %sub3A_102 = vector.broadcast %mul3A_47 : i32 to vector<16xi32>
        %sub3A_103 = arith.subi %get3A_101, %sub3A_102 : vector<16xi32>
        %ge3A_104 = arith.constant 0 : i32
        %ge3A_105 = vector.broadcast %ge3A_104 : i32 to vector<16xi32>
        %ge3A_106 = arith.cmpi sge, %sub3A_103, %ge3A_105 : vector<16xi32>
        %lt3A_107 = arith.constant 5120 : i32
        %lt3A_108 = vector.broadcast %lt3A_107 : i32 to vector<16xi32>
        %lt3A_109 = arith.cmpi slt, %sub3A_103, %lt3A_108 : vector<16xi32>
        %and3A_110 = arith.andi %ge3A_106, %lt3A_109 : vector<16xi1>
        %and3A_111 = arith.constant 127 : i32
        %and3A_112 = vector.broadcast %and3A_111 : i32 to vector<16xi32>
        %and3A_113 = arith.andi %sub3A_103, %and3A_112 : vector<16xi32>
        %add3A_114 = arith.constant 5120 : i32
        %add3A_115 = vector.broadcast %add3A_114 : i32 to vector<16xi32>
        %add3A_116 = arith.addi %add3A_115, %and3A_113 : vector<16xi32>
        %select_n3A_117 = arith.select %and3A_110, %sub3A_103, %add3A_116 : vector<16xi1>, vector<16xi32>
        %swap3A_118 = arith.index_cast %scan3A_79 : i32 to index
        %swap3A_119 = arith.constant 16 : index
        %swap3A_120 = tpu.vector_load %arg8[%swap3A_118, %swap3A_119] {strides = array<i32>} : memref<32x125xi32, #tpu.memory_space<vmem>>, vector<1x16xi32>,
        %swap3A_121 = vector.shape_cast %swap3A_120 : vector<1x16xi32> to vector<16xi32>
        %swap3A_122 = vector.shape_cast %select_n3A_117 : vector<16xi32> to vector<1x16xi32>
        tpu.vector_store %arg8[%swap3A_118, %swap3A_119], %swap3A_122 {strides = array<i32>} : memref<32x125xi32, #tpu.memory_space<vmem>>, vector<1x16xi32>,
        %get3A_123 = arith.index_cast %scan3A_79 : i32 to index
        %get3A_124 = arith.constant 32 : index
        %get3A_125 = tpu.vector_load %arg7[%get3A_123, %get3A_124] {strides = array<i32>} : memref<32x125xi32, #tpu.memory_space<vmem>>, vector<1x16xi32>,
        %get3A_126 = vector.shape_cast %get3A_125 : vector<1x16xi32> to vector<16xi32>
        %sub3A_127 = vector.broadcast %mul3A_47 : i32 to vector<16xi32>
        %sub3A_128 = arith.subi %get3A_126, %sub3A_127 : vector<16xi32>
        %ge3A_129 = arith.constant 0 : i32
        %ge3A_130 = vector.broadcast %ge3A_129 : i32 to vector<16xi32>
        %ge3A_131 = arith.cmpi sge, %sub3A_128, %ge3A_130 : vector<16xi32>
        %lt3A_132 = arith.constant 5120 : i32
        %lt3A_133 = vector.broadcast %lt3A_132 : i32 to vector<16xi32>
        %lt3A_134 = arith.cmpi slt, %sub3A_128, %lt3A_133 : vector<16xi32>
        %and3A_135 = arith.andi %ge3A_131, %lt3A_134 : vector<16xi1>
        %and3A_136 = arith.constant 127 : i32
        %and3A_137 = vector.broadcast %and3A_136 : i32 to vector<16xi32>
        %and3A_138 = arith.andi %sub3A_128, %and3A_137 : vector<16xi32>
        %add3A_139 = arith.constant 5120 : i32
        %add3A_140 = vector.broadcast %add3A_139 : i32 to vector<16xi32>
        %add3A_141 = arith.addi %add3A_140, %and3A_138 : vector<16xi32>
        %select_n3A_142 = arith.select %and3A_135, %sub3A_128, %add3A_141 : vector<16xi1>, vector<16xi32>
        %swap3A_143 = arith.index_cast %scan3A_79 : i32 to index
        %swap3A_144 = arith.constant 32 : index
        %swap3A_145 = tpu.vector_load %arg8[%swap3A_143, %swap3A_144] {strides = array<i32>} : memref<32x125xi32, #tpu.memory_space<vmem>>, vector<1x16xi32>,
        %swap3A_146 = vector.shape_cast %swap3A_145 : vector<1x16xi32> to vector<16xi32>
        %swap3A_147 = vector.shape_cast %select_n3A_142 : vector<16xi32> to vector<1x16xi32>
        tpu.vector_store %arg8[%swap3A_143, %swap3A_144], %swap3A_147 {strides = array<i32>} : memref<32x125xi32, #tpu.memory_space<vmem>>, vector<1x16xi32>,
        %get3A_148 = arith.index_cast %scan3A_79 : i32 to index
        %get3A_149 = arith.constant 48 : index
        %get3A_150 = tpu.vector_load %arg7[%get3A_148, %get3A_149] {strides = array<i32>} : memref<32x125xi32, #tpu.memory_space<vmem>>, vector<1x16xi32>,
        %get3A_151 = vector.shape_cast %get3A_150 : vector<1x16xi32> to vector<16xi32>
        %sub3A_152 = vector.broadcast %mul3A_47 : i32 to vector<16xi32>
        %sub3A_153 = arith.subi %get3A_151, %sub3A_152 : vector<16xi32>
        %ge3A_154 = arith.constant 0 : i32
        %ge3A_155 = vector.broadcast %ge3A_154 : i32 to vector<16xi32>
        %ge3A_156 = arith.cmpi sge, %sub3A_153, %ge3A_155 : vector<16xi32>
        %lt3A_157 = arith.constant 5120 : i32
        %lt3A_158 = vector.broadcast %lt3A_157 : i32 to vector<16xi32>
        %lt3A_159 = arith.cmpi slt, %sub3A_153, %lt3A_158 : vector<16xi32>
        %and3A_160 = arith.andi %ge3A_156, %lt3A_159 : vector<16xi1>
        %and3A_161 = arith.constant 127 : i32
        %and3A_162 = vector.broadcast %and3A_161 : i32 to vector<16xi32>
        %and3A_163 = arith.andi %sub3A_153, %and3A_162 : vector<16xi32>
        %add3A_164 = arith.constant 5120 : i32
        %add3A_165 = vector.broadcast %add3A_164 : i32 to vector<16xi32>
        %add3A_166 = arith.addi %add3A_165, %and3A_163 : vector<16xi32>
        %select_n3A_167 = arith.select %and3A_160, %sub3A_153, %add3A_166 : vector<16xi1>, vector<16xi32>
        %swap3A_168 = arith.index_cast %scan3A_79 : i32 to index
        %swap3A_169 = arith.constant 48 : index
        %swap3A_170 = tpu.vector_load %arg8[%swap3A_168, %swap3A_169] {strides = array<i32>} : memref<32x125xi32, #tpu.memory_space<vmem>>, vector<1x16xi32>,
        %swap3A_171 = vector.shape_cast %swap3A_170 : vector<1x16xi32> to vector<16xi32>
        %swap3A_172 = vector.shape_cast %select_n3A_167 : vector<16xi32> to vector<1x16xi32>
        tpu.vector_store %arg8[%swap3A_168, %swap3A_169], %swap3A_172 {strides = array<i32>} : memref<32x125xi32, #tpu.memory_space<vmem>>, vector<1x16xi32>,
        %get3A_173 = arith.index_cast %scan3A_79 : i32 to index
        %get3A_174 = arith.constant 64 : index
        %get3A_175 = tpu.vector_load %arg7[%get3A_173, %get3A_174] {strides = array<i32>} : memref<32x125xi32, #tpu.memory_space<vmem>>, vector<1x16xi32>,
        %get3A_176 = vector.shape_cast %get3A_175 : vector<1x16xi32> to vector<16xi32>
        %sub3A_177 = vector.broadcast %mul3A_47 : i32 to vector<16xi32>
        %sub3A_178 = arith.subi %get3A_176, %sub3A_177 : vector<16xi32>
        %ge3A_179 = arith.constant 0 : i32
        %ge3A_180 = vector.broadcast %ge3A_179 : i32 to vector<16xi32>
        %ge3A_181 = arith.cmpi sge, %sub3A_178, %ge3A_180 : vector<16xi32>
        %lt3A_182 = arith.constant 5120 : i32
        %lt3A_183 = vector.broadcast %lt3A_182 : i32 to vector<16xi32>
        %lt3A_184 = arith.cmpi slt, %sub3A_178, %lt3A_183 : vector<16xi32>
        %and3A_185 = arith.andi %ge3A_181, %lt3A_184 : vector<16xi1>
        %and3A_186 = arith.constant 127 : i32
        %and3A_187 = vector.broadcast %and3A_186 : i32 to vector<16xi32>
        %and3A_188 = arith.andi %sub3A_178, %and3A_187 : vector<16xi32>
        %add3A_189 = arith.constant 5120 : i32
        %add3A_190 = vector.broadcast %add3A_189 : i32 to vector<16xi32>
        %add3A_191 = arith.addi %add3A_190, %and3A_188 : vector<16xi32>
        %select_n3A_192 = arith.select %and3A_185, %sub3A_178, %add3A_191 : vector<16xi1>, vector<16xi32>
        %swap3A_193 = arith.index_cast %scan3A_79 : i32 to index
        %swap3A_194 = arith.constant 64 : index
        %swap3A_195 = tpu.vector_load %arg8[%swap3A_193, %swap3A_194] {strides = array<i32>} : memref<32x125xi32, #tpu.memory_space<vmem>>, vector<1x16xi32>,
        %swap3A_196 = vector.shape_cast %swap3A_195 : vector<1x16xi32> to vector<16xi32>
        %swap3A_197 = vector.shape_cast %select_n3A_192 : vector<16xi32> to vector<1x16xi32>
        tpu.vector_store %arg8[%swap3A_193, %swap3A_194], %swap3A_197 {strides = array<i32>} : memref<32x125xi32, #tpu.memory_space<vmem>>, vector<1x16xi32>,
        %get3A_198 = arith.index_cast %scan3A_79 : i32 to index
        %get3A_199 = arith.constant 80 : index
        %get3A_200 = tpu.vector_load %arg7[%get3A_198, %get3A_199] {strides = array<i32>} : memref<32x125xi32, #tpu.memory_space<vmem>>, vector<1x16xi32>,
        %get3A_201 = vector.shape_cast %get3A_200 : vector<1x16xi32> to vector<16xi32>
        %sub3A_202 = vector.broadcast %mul3A_47 : i32 to vector<16xi32>
        %sub3A_203 = arith.subi %get3A_201, %sub3A_202 : vector<16xi32>
        %ge3A_204 = arith.constant 0 : i32
        %ge3A_205 = vector.broadcast %ge3A_204 : i32 to vector<16xi32>
        %ge3A_206 = arith.cmpi sge, %sub3A_203, %ge3A_205 : vector<16xi32>
        %lt3A_207 = arith.constant 5120 : i32
        %lt3A_208 = vector.broadcast %lt3A_207 : i32 to vector<16xi32>
        %lt3A_209 = arith.cmpi slt, %sub3A_203, %lt3A_208 : vector<16xi32>
        %and3A_210 = arith.andi %ge3A_206, %lt3A_209 : vector<16xi1>
        %and3A_211 = arith.constant 127 : i32
        %and3A_212 = vector.broadcast %and3A_211 : i32 to vector<16xi32>
        %and3A_213 = arith.andi %sub3A_203, %and3A_212 : vector<16xi32>
        %add3A_214 = arith.constant 5120 : i32
        %add3A_215 = vector.broadcast %add3A_214 : i32 to vector<16xi32>
        %add3A_216 = arith.addi %add3A_215, %and3A_213 : vector<16xi32>
        %select_n3A_217 = arith.select %and3A_210, %sub3A_203, %add3A_216 : vector<16xi1>, vector<16xi32>
        %swap3A_218 = arith.index_cast %scan3A_79 : i32 to index
        %swap3A_219 = arith.constant 80 : index
        %swap3A_220 = tpu.vector_load %arg8[%swap3A_218, %swap3A_219] {strides = array<i32>} : memref<32x125xi32, #tpu.memory_space<vmem>>, vector<1x16xi32>,
        %swap3A_221 = vector.shape_cast %swap3A_220 : vector<1x16xi32> to vector<16xi32>
        %swap3A_222 = vector.shape_cast %select_n3A_217 : vector<16xi32> to vector<1x16xi32>
        tpu.vector_store %arg8[%swap3A_218, %swap3A_219], %swap3A_222 {strides = array<i32>} : memref<32x125xi32, #tpu.memory_space<vmem>>, vector<1x16xi32>,
        %get3A_223 = arith.index_cast %scan3A_79 : i32 to index
        %get3A_224 = arith.constant 96 : index
        %get3A_225 = tpu.vector_load %arg7[%get3A_223, %get3A_224] {strides = array<i32>} : memref<32x125xi32, #tpu.memory_space<vmem>>, vector<1x16xi32>,
        %get3A_226 = vector.shape_cast %get3A_225 : vector<1x16xi32> to vector<16xi32>
        %sub3A_227 = vector.broadcast %mul3A_47 : i32 to vector<16xi32>
        %sub3A_228 = arith.subi %get3A_226, %sub3A_227 : vector<16xi32>
        %ge3A_229 = arith.constant 0 : i32
        %ge3A_230 = vector.broadcast %ge3A_229 : i32 to vector<16xi32>
        %ge3A_231 = arith.cmpi sge, %sub3A_228, %ge3A_230 : vector<16xi32>
        %lt3A_232 = arith.constant 5120 : i32
        %lt3A_233 = vector.broadcast %lt3A_232 : i32 to vector<16xi32>
        %lt3A_234 = arith.cmpi slt, %sub3A_228, %lt3A_233 : vector<16xi32>
        %and3A_235 = arith.andi %ge3A_231, %lt3A_234 : vector<16xi1>
        %and3A_236 = arith.constant 127 : i32
        %and3A_237 = vector.broadcast %and3A_236 : i32 to vector<16xi32>
        %and3A_238 = arith.andi %sub3A_228, %and3A_237 : vector<16xi32>
        %add3A_239 = arith.constant 5120 : i32
        %add3A_240 = vector.broadcast %add3A_239 : i32 to vector<16xi32>
        %add3A_241 = arith.addi %add3A_240, %and3A_238 : vector<16xi32>
        %select_n3A_242 = arith.select %and3A_235, %sub3A_228, %add3A_241 : vector<16xi1>, vector<16xi32>
        %swap3A_243 = arith.index_cast %scan3A_79 : i32 to index
        %swap3A_244 = arith.constant 96 : index
        %swap3A_245 = tpu.vector_load %arg8[%swap3A_243, %swap3A_244] {strides = array<i32>} : memref<32x125xi32, #tpu.memory_space<vmem>>, vector<1x16xi32>,
        %swap3A_246 = vector.shape_cast %swap3A_245 : vector<1x16xi32> to vector<16xi32>
        %swap3A_247 = vector.shape_cast %select_n3A_242 : vector<16xi32> to vector<1x16xi32>
        tpu.vector_store %arg8[%swap3A_243, %swap3A_244], %swap3A_247 {strides = array<i32>} : memref<32x125xi32, #tpu.memory_space<vmem>>, vector<1x16xi32>,
        %get3A_248 = arith.index_cast %scan3A_79 : i32 to index
        %get3A_249 = arith.constant 109 : index
        %get3A_250 = tpu.vector_load %arg7[%get3A_248, %get3A_249] {strides = array<i32>} : memref<32x125xi32, #tpu.memory_space<vmem>>, vector<1x16xi32>,
        %get3A_251 = vector.shape_cast %get3A_250 : vector<1x16xi32> to vector<16xi32>
        %sub3A_252 = vector.broadcast %mul3A_47 : i32 to vector<16xi32>
        %sub3A_253 = arith.subi %get3A_251, %sub3A_252 : vector<16xi32>
        %ge3A_254 = arith.constant 0 : i32
        %ge3A_255 = vector.broadcast %ge3A_254 : i32 to vector<16xi32>
        %ge3A_256 = arith.cmpi sge, %sub3A_253, %ge3A_255 : vector<16xi32>
        %lt3A_257 = arith.constant 5120 : i32
        %lt3A_258 = vector.broadcast %lt3A_257 : i32 to vector<16xi32>
        %lt3A_259 = arith.cmpi slt, %sub3A_253, %lt3A_258 : vector<16xi32>
        %and3A_260 = arith.andi %ge3A_256, %lt3A_259 : vector<16xi1>
        %and3A_261 = arith.constant 127 : i32
        %and3A_262 = vector.broadcast %and3A_261 : i32 to vector<16xi32>
        %and3A_263 = arith.andi %sub3A_253, %and3A_262 : vector<16xi32>
        %add3A_264 = arith.constant 5120 : i32
        %add3A_265 = vector.broadcast %add3A_264 : i32 to vector<16xi32>
        %add3A_266 = arith.addi %add3A_265, %and3A_263 : vector<16xi32>
        %select_n3A_267 = arith.select %and3A_260, %sub3A_253, %add3A_266 : vector<16xi1>, vector<16xi32>
        %swap3A_268 = arith.index_cast %scan3A_79 : i32 to index
        %swap3A_269 = arith.constant 109 : index
        %swap3A_270 = tpu.vector_load %arg8[%swap3A_268, %swap3A_269] {strides = array<i32>} : memref<32x125xi32, #tpu.memory_space<vmem>>, vector<1x16xi32>,
        %swap3A_271 = vector.shape_cast %swap3A_270 : vector<1x16xi32> to vector<16xi32>
        %swap3A_272 = vector.shape_cast %select_n3A_267 : vector<16xi32> to vector<1x16xi32>
        tpu.vector_store %arg8[%swap3A_268, %swap3A_269], %swap3A_272 {strides = array<i32>} : memref<32x125xi32, #tpu.memory_space<vmem>>, vector<1x16xi32>,
      }
      %scan3A_53 = arith.constant 32 : i32
      %dma_start3A = arith.constant 0 : i32
      %dma_start3A_54 = arith.constant 0 : i32
      %dma_start3A_55 = tpu.memref_slice %arg6[%dma_start3A, %dma_start3A_54] : memref<32x125xi32, #tpu.memory_space<vmem>> -> memref<1x125xi32, #tpu.memory_space<vmem>>
      %dma_start3A_56 = tpu.memref_squeeze %dma_start3A_55 : memref<1x125xi32, #tpu.memory_space<vmem>> -> memref<125xi32, #tpu.memory_space<vmem>>
      %dma_start3A_57 = arith.constant 0 : i32
      %dma_start3A_58 = arith.constant 0 : i32
      %dma_start3A_59 = tpu.memref_slice %arg2[%dma_start3A_57, %dma_start3A_58] : memref<10000x128xf32, #tpu.memory_space<hbm>> -> memref<10000x128xf32, #tpu.memory_space<hbm>>
      tpu.enqueue_indirect_dma source(%dma_start3A_59 : memref<10000x128xf32, #tpu.memory_space<hbm>>) target(%arg9 : memref<125x128xf32, #tpu.memory_space<vmem>>) offsets(%dma_start3A_56 : memref<125xi32, #tpu.memory_space<vmem>>) semaphore(%arg12 : memref<!tpu.dma_semaphore, #tpu.memory_space<semaphore_mem>>)
      %scan3A_60 = arith.constant 0 : i32
      %scan3A_61 = arith.constant 0 : i32
      %scan3A_62 = arith.constant 16 : i32
      %scan3A_63 = arith.addi %scan3A_61, %scan3A_62 : i32
      %scan3A_64 = arith.constant 1 : i32
      scf.for %scan3A_79 = %scan3A_61 to %scan3A_63 step %scan3A_64  : i32 {
        %mul3A_80 = arith.constant 2 : i32
        %mul3A_81 = arith.muli %mul3A_80, %scan3A_79 : i32
        %add3A_82 = arith.constant 1 : i32
        %add3A_83 = arith.addi %mul3A_81, %add3A_82 : i32
        %dma_start3A_84 = arith.constant 0 : i32
        %dma_start3A_85 = tpu.memref_slice %arg6[%add3A_83, %dma_start3A_84] : memref<32x125xi32, #tpu.memory_space<vmem>> -> memref<1x125xi32, #tpu.memory_space<vmem>>
        %dma_start3A_86 = tpu.memref_squeeze %dma_start3A_85 : memref<1x125xi32, #tpu.memory_space<vmem>> -> memref<125xi32, #tpu.memory_space<vmem>>
        %dma_start3A_87 = arith.constant 0 : i32
        %dma_start3A_88 = arith.constant 0 : i32
        %dma_start3A_89 = tpu.memref_slice %arg2[%dma_start3A_87, %dma_start3A_88] : memref<10000x128xf32, #tpu.memory_space<hbm>> -> memref<10000x128xf32, #tpu.memory_space<hbm>>
        tpu.enqueue_indirect_dma source(%dma_start3A_89 : memref<10000x128xf32, #tpu.memory_space<hbm>>) target(%arg10 : memref<125x128xf32, #tpu.memory_space<vmem>>) offsets(%dma_start3A_86 : memref<125xi32, #tpu.memory_space<vmem>>) semaphore(%arg13 : memref<!tpu.dma_semaphore, #tpu.memory_space<semaphore_mem>>)
        %dma_wait3A_90 = arith.constant 0 : i32
        %dma_wait3A_91 = arith.constant 0 : i32
        %dma_wait3A_92 = tpu.memref_slice %arg6[%dma_wait3A_90, %dma_wait3A_91] : memref<32x125xi32, #tpu.memory_space<vmem>> -> memref<1x125xi32, #tpu.memory_space<vmem>>
        %dma_wait3A_93 = tpu.memref_squeeze %dma_wait3A_92 : memref<1x125xi32, #tpu.memory_space<vmem>> -> memref<125xi32, #tpu.memory_space<vmem>>
        %dma_wait3A_94 = arith.constant 0 : i32
        %dma_wait3A_95 = arith.constant 0 : i32
        %dma_wait3A_96 = tpu.memref_slice %arg2[%dma_wait3A_94, %dma_wait3A_95] : memref<10000x128xf32, #tpu.memory_space<hbm>> -> memref<10000x128xf32, #tpu.memory_space<hbm>>
        tpu.wait_indirect_dma semaphore(%arg12 : memref<!tpu.dma_semaphore, #tpu.memory_space<semaphore_mem>>) src(%dma_wait3A_96 : memref<10000x128xf32, #tpu.memory_space<hbm>>) dst(%arg9 : memref<125x128xf32, #tpu.memory_space<vmem>>)
        %mul3A_97 = arith.constant 2 : i32
        %mul3A_98 = arith.muli %mul3A_97, %scan3A_79 : i32
        %dma_start3A_99 = arith.constant 0 : i32
        %dma_start3A_100 = tpu.memref_slice %arg8[%mul3A_98, %dma_start3A_99] : memref<32x125xi32, #tpu.memory_space<vmem>> -> memref<1x125xi32, #tpu.memory_space<vmem>>
        %dma_start3A_101 = tpu.memref_squeeze %dma_start3A_100 : memref<1x125xi32, #tpu.memory_space<vmem>> -> memref<125xi32, #tpu.memory_space<vmem>>
        %dma_start3A_102 = arith.constant 0 : i32
        %dma_start3A_103 = arith.constant 0 : i32
        %dma_start3A_104 = tpu.memref_slice %arg11[%dma_start3A_102, %dma_start3A_103] : memref<5248x128xf32, #tpu.memory_space<vmem_shared>> -> memref<5248x128xf32, #tpu.memory_space<vmem_shared>>
        tpu.enqueue_indirect_dma source(%arg9 : memref<125x128xf32, #tpu.memory_space<vmem>>) target(%dma_start3A_104 : memref<5248x128xf32, #tpu.memory_space<vmem_shared>>) offsets(%dma_start3A_101 : memref<125xi32, #tpu.memory_space<vmem>>) semaphore(%arg14 : memref<!tpu.dma_semaphore, #tpu.memory_space<semaphore_mem>>) {add = true}
        %lt3A = arith.constant 15 : i32
        %lt3A_105 = arith.cmpi slt, %scan3A_79, %lt3A : i32
        %convert_element_type3A = arith.extui %lt3A_105 : i1 to i32
        %cond3A = arith.constant 0 : i32
        %cond3A_106 = arith.cmpi ne, %convert_element_type3A, %cond3A : i32
        scf.if %cond3A_106 {
          %dma_wait3A_129 = arith.constant 0 : i32
          %dma_wait3A_130 = arith.constant 0 : i32
          %dma_wait3A_131 = tpu.memref_slice %arg6[%dma_wait3A_129, %dma_wait3A_130] : memref<32x125xi32, #tpu.memory_space<vmem>> -> memref<1x125xi32, #tpu.memory_space<vmem>>
          %dma_wait3A_132 = tpu.memref_squeeze %dma_wait3A_131 : memref<1x125xi32, #tpu.memory_space<vmem>> -> memref<125xi32, #tpu.memory_space<vmem>>
          %dma_wait3A_133 = arith.constant 0 : i32
          %dma_wait3A_134 = arith.constant 0 : i32
          %dma_wait3A_135 = tpu.memref_slice %arg2[%dma_wait3A_133, %dma_wait3A_134] : memref<10000x128xf32, #tpu.memory_space<hbm>> -> memref<10000x128xf32, #tpu.memory_space<hbm>>
          tpu.wait_indirect_dma semaphore(%arg14 : memref<!tpu.dma_semaphore, #tpu.memory_space<semaphore_mem>>) src(%dma_wait3A_135 : memref<10000x128xf32, #tpu.memory_space<hbm>>) dst(%arg9 : memref<125x128xf32, #tpu.memory_space<vmem>>)
          %mul3A_136 = arith.constant 2 : i32
          %mul3A_137 = arith.muli %mul3A_136, %scan3A_79 : i32
          %add3A_138 = arith.constant 2 : i32
          %add3A_139 = arith.addi %mul3A_137, %add3A_138 : i32
          %dma_start3A_140 = arith.constant 0 : i32
          %dma_start3A_141 = tpu.memref_slice %arg6[%add3A_139, %dma_start3A_140] : memref<32x125xi32, #tpu.memory_space<vmem>> -> memref<1x125xi32, #tpu.memory_space<vmem>>
          %dma_start3A_142 = tpu.memref_squeeze %dma_start3A_141 : memref<1x125xi32, #tpu.memory_space<vmem>> -> memref<125xi32, #tpu.memory_space<vmem>>
          %dma_start3A_143 = arith.constant 0 : i32
          %dma_start3A_144 = arith.constant 0 : i32
          %dma_start3A_145 = tpu.memref_slice %arg2[%dma_start3A_143, %dma_start3A_144] : memref<10000x128xf32, #tpu.memory_space<hbm>> -> memref<10000x128xf32, #tpu.memory_space<hbm>>
          tpu.enqueue_indirect_dma source(%dma_start3A_145 : memref<10000x128xf32, #tpu.memory_space<hbm>>) target(%arg9 : memref<125x128xf32, #tpu.memory_space<vmem>>) offsets(%dma_start3A_142 : memref<125xi32, #tpu.memory_space<vmem>>) semaphore(%arg12 : memref<!tpu.dma_semaphore, #tpu.memory_space<semaphore_mem>>)
        } else {
        }
        %dma_wait3A_107 = arith.constant 0 : i32
        %dma_wait3A_108 = arith.constant 0 : i32
        %dma_wait3A_109 = tpu.memref_slice %arg6[%dma_wait3A_107, %dma_wait3A_108] : memref<32x125xi32, #tpu.memory_space<vmem>> -> memref<1x125xi32, #tpu.memory_space<vmem>>
        %dma_wait3A_110 = tpu.memref_squeeze %dma_wait3A_109 : memref<1x125xi32, #tpu.memory_space<vmem>> -> memref<125xi32, #tpu.memory_space<vmem>>
        %dma_wait3A_111 = arith.constant 0 : i32
        %dma_wait3A_112 = arith.constant 0 : i32
        %dma_wait3A_113 = tpu.memref_slice %arg2[%dma_wait3A_111, %dma_wait3A_112] : memref<10000x128xf32, #tpu.memory_space<hbm>> -> memref<10000x128xf32, #tpu.memory_space<hbm>>
        tpu.wait_indirect_dma semaphore(%arg13 : memref<!tpu.dma_semaphore, #tpu.memory_space<semaphore_mem>>) src(%dma_wait3A_113 : memref<10000x128xf32, #tpu.memory_space<hbm>>) dst(%arg10 : memref<125x128xf32, #tpu.memory_space<vmem>>)
        %mul3A_114 = arith.constant 2 : i32
        %mul3A_115 = arith.muli %mul3A_114, %scan3A_79 : i32
        %add3A_116 = arith.constant 1 : i32
        %add3A_117 = arith.addi %mul3A_115, %add3A_116 : i32
        %dma_start3A_118 = arith.constant 0 : i32
        %dma_start3A_119 = tpu.memref_slice %arg8[%add3A_117, %dma_start3A_118] : memref<32x125xi32, #tpu.memory_space<vmem>> -> memref<1x125xi32, #tpu.memory_space<vmem>>
        %dma_start3A_120 = tpu.memref_squeeze %dma_start3A_119 : memref<1x125xi32, #tpu.memory_space<vmem>> -> memref<125xi32, #tpu.memory_space<vmem>>
        %dma_start3A_121 = arith.constant 0 : i32
        %dma_start3A_122 = arith.constant 0 : i32
        %dma_start3A_123 = tpu.memref_slice %arg11[%dma_start3A_121, %dma_start3A_122] : memref<5248x128xf32, #tpu.memory_space<vmem_shared>> -> memref<5248x128xf32, #tpu.memory_space<vmem_shared>>
        tpu.enqueue_indirect_dma source(%arg10 : memref<125x128xf32, #tpu.memory_space<vmem>>) target(%dma_start3A_123 : memref<5248x128xf32, #tpu.memory_space<vmem_shared>>) offsets(%dma_start3A_120 : memref<125xi32, #tpu.memory_space<vmem>>) semaphore(%arg15 : memref<!tpu.dma_semaphore, #tpu.memory_space<semaphore_mem>>) {add = true}
        %lt3A_124 = arith.constant 15 : i32
        %lt3A_125 = arith.cmpi slt, %scan3A_79, %lt3A_124 : i32
        %convert_element_type3A_126 = arith.extui %lt3A_125 : i1 to i32
        %cond3A_127 = arith.constant 0 : i32
        %cond3A_128 = arith.cmpi ne, %convert_element_type3A_126, %cond3A_127 : i32
        scf.if %cond3A_128 {
          %dma_wait3A_129 = arith.constant 0 : i32
          %dma_wait3A_130 = arith.constant 0 : i32
          %dma_wait3A_131 = tpu.memref_slice %arg6[%dma_wait3A_129, %dma_wait3A_130] : memref<32x125xi32, #tpu.memory_space<vmem>> -> memref<1x125xi32, #tpu.memory_space<vmem>>
          %dma_wait3A_132 = tpu.memref_squeeze %dma_wait3A_131 : memref<1x125xi32, #tpu.memory_space<vmem>> -> memref<125xi32, #tpu.memory_space<vmem>>
          %dma_wait3A_133 = arith.constant 0 : i32
          %dma_wait3A_134 = arith.constant 0 : i32
          %dma_wait3A_135 = tpu.memref_slice %arg2[%dma_wait3A_133, %dma_wait3A_134] : memref<10000x128xf32, #tpu.memory_space<hbm>> -> memref<10000x128xf32, #tpu.memory_space<hbm>>
          tpu.wait_indirect_dma semaphore(%arg15 : memref<!tpu.dma_semaphore, #tpu.memory_space<semaphore_mem>>) src(%dma_wait3A_135 : memref<10000x128xf32, #tpu.memory_space<hbm>>) dst(%arg10 : memref<125x128xf32, #tpu.memory_space<vmem>>)
        } else {
        }
      }
      %scan3A_65 = arith.constant 16 : i32
      %dma_wait3A = arith.constant 0 : i32
      %dma_wait3A_66 = arith.constant 0 : i32
      %dma_wait3A_67 = tpu.memref_slice %arg6[%dma_wait3A, %dma_wait3A_66] : memref<32x125xi32, #tpu.memory_space<vmem>> -> memref<1x125xi32, #tpu.memory_space<vmem>>
      %dma_wait3A_68 = tpu.memref_squeeze %dma_wait3A_67 : memref<1x125xi32, #tpu.memory_space<vmem>> -> memref<125xi32, #tpu.memory_space<vmem>>
      %dma_wait3A_69 = arith.constant 0 : i32
      %dma_wait3A_70 = arith.constant 0 : i32
      %dma_wait3A_71 = tpu.memref_slice %arg2[%dma_wait3A_69, %dma_wait3A_70] : memref<10000x128xf32, #tpu.memory_space<hbm>> -> memref<10000x128xf32, #tpu.memory_space<hbm>>
      tpu.wait_indirect_dma semaphore(%arg14 : memref<!tpu.dma_semaphore, #tpu.memory_space<semaphore_mem>>) src(%dma_wait3A_71 : memref<10000x128xf32, #tpu.memory_space<hbm>>) dst(%arg9 : memref<125x128xf32, #tpu.memory_space<vmem>>)
      %dma_wait3A_72 = arith.constant 0 : i32
      %dma_wait3A_73 = arith.constant 0 : i32
      %dma_wait3A_74 = tpu.memref_slice %arg6[%dma_wait3A_72, %dma_wait3A_73] : memref<32x125xi32, #tpu.memory_space<vmem>> -> memref<1x125xi32, #tpu.memory_space<vmem>>
      %dma_wait3A_75 = tpu.memref_squeeze %dma_wait3A_74 : memref<1x125xi32, #tpu.memory_space<vmem>> -> memref<125xi32, #tpu.memory_space<vmem>>
      %dma_wait3A_76 = arith.constant 0 : i32
      %dma_wait3A_77 = arith.constant 0 : i32
      %dma_wait3A_78 = tpu.memref_slice %arg2[%dma_wait3A_76, %dma_wait3A_77] : memref<10000x128xf32, #tpu.memory_space<hbm>> -> memref<10000x128xf32, #tpu.memory_space<hbm>>
      tpu.wait_indirect_dma semaphore(%arg15 : memref<!tpu.dma_semaphore, #tpu.memory_space<semaphore_mem>>) src(%dma_wait3A_78 : memref<10000x128xf32, #tpu.memory_space<hbm>>) dst(%arg10 : memref<125x128xf32, #tpu.memory_space<vmem>>)
    }
    %scan3A_15 = arith.constant 5 : i32
    %barrier3A_16 = arith.constant 0 : index
    tpu.barrier barrier_id(%barrier3A_16)
    %mul3A_17 = arith.constant 320 : i32
    %mul3A_18 = arith.muli %arg1, %mul3A_17 : i32
    %add3A_19 = arith.constant 0 : i32
    %add3A_20 = arith.addi %mul3A_18, %add3A_19 : i32
    "tpu.region"() ({
      %run_scoped3A = tpu.sem_alloc : memref<!tpu.dma_semaphore, #tpu.memory_space<semaphore_mem>>
      %dma_start3A = arith.constant 0 : i32
      %dma_start3A_45 = arith.constant 0 : i32
      %dma_start3A_46 = tpu.memref_slice %arg9[%dma_start3A, %dma_start3A_45] : memref<125x128xf32, #tpu.memory_space<vmem>> -> memref<80x128xf32, #tpu.memory_space<vmem>>
      %dma_start3A_47 = arith.constant 0 : i32
      %dma_start3A_48 = tpu.memref_slice %arg11[%add3A_20, %dma_start3A_47] : memref<5248x128xf32, #tpu.memory_space<vmem_shared>> -> memref<80x128xf32, #tpu.memory_space<vmem_shared>>
      %dma_start3A_49 = arith.constant 0 : i32
      %dma_start3A_50 = arith.constant 0 : i32
      %dma_start3A_51 = tpu.memref_slice %arg9[%dma_start3A_49, %dma_start3A_50] : memref<125x128xf32, #tpu.memory_space<vmem>> -> memref<80x128xf32, #tpu.memory_space<vmem>>
      %dma_start3A_52 = arith.constant 0 : i32
      %dma_start3A_53 = tpu.memref_slice %arg11[%add3A_20, %dma_start3A_52] : memref<5248x128xf32, #tpu.memory_space<vmem_shared>> -> memref<80x128xf32, #tpu.memory_space<vmem_shared>>
      tpu.enqueue_dma source(%dma_start3A_53 : memref<80x128xf32, #tpu.memory_space<vmem_shared>>) target(%dma_start3A_51 : memref<80x128xf32, #tpu.memory_space<vmem>>) target_semaphore(%run_scoped3A : memref<!tpu.dma_semaphore, #tpu.memory_space<semaphore_mem>>)
      %dma_wait3A = arith.constant 0 : i32
      %dma_wait3A_54 = arith.constant 0 : i32
      %dma_wait3A_55 = tpu.memref_slice %arg9[%dma_wait3A, %dma_wait3A_54] : memref<125x128xf32, #tpu.memory_space<vmem>> -> memref<80x128xf32, #tpu.memory_space<vmem>>
      %dma_wait3A_56 = arith.constant 0 : i32
      %dma_wait3A_57 = tpu.memref_slice %arg11[%add3A_20, %dma_wait3A_56] : memref<5248x128xf32, #tpu.memory_space<vmem_shared>> -> memref<80x128xf32, #tpu.memory_space<vmem_shared>>
      %dma_wait3A_58 = arith.constant 0 : i32
      %dma_wait3A_59 = arith.constant 0 : i32
      %dma_wait3A_60 = tpu.memref_slice %arg9[%dma_wait3A_58, %dma_wait3A_59] : memref<125x128xf32, #tpu.memory_space<vmem>> -> memref<80x128xf32, #tpu.memory_space<vmem>>
      %dma_wait3A_61 = arith.constant 0 : i32
      %dma_wait3A_62 = tpu.memref_slice %arg11[%add3A_20, %dma_wait3A_61] : memref<5248x128xf32, #tpu.memory_space<vmem_shared>> -> memref<80x128xf32, #tpu.memory_space<vmem_shared>>
      tpu.wait_dma2 semaphore(%run_scoped3A : memref<!tpu.dma_semaphore, #tpu.memory_space<semaphore_mem>>) src(%dma_wait3A_62 : memref<80x128xf32, #tpu.memory_space<vmem_shared>>) dst(%dma_wait3A_60 : memref<80x128xf32, #tpu.memory_space<vmem>>)
      tpu.yield
    }) : () -> ()
    %mul3A_21 = arith.constant 5120 : i32
    %mul3A_22 = arith.muli %arg0, %mul3A_21 : i32
    %add3A_23 = arith.addi %mul3A_22, %add3A_20 : i32
    "tpu.region"() ({
      %run_scoped3A = tpu.sem_alloc : memref<!tpu.dma_semaphore, #tpu.memory_space<semaphore_mem>>
      %dma_start3A = arith.constant 0 : i32
      %dma_start3A_45 = arith.constant 0 : i32
      %dma_start3A_46 = tpu.memref_slice %arg9[%dma_start3A, %dma_start3A_45] : memref<125x128xf32, #tpu.memory_space<vmem>> -> memref<80x128xf32, #tpu.memory_space<vmem>>
      %dma_start3A_47 = arith.constant 0 : i32
      %dma_start3A_48 = tpu.memref_slice %arg5[%add3A_23, %dma_start3A_47] : memref<10240x128xf32, #tpu.memory_space<hbm>> -> memref<80x128xf32, #tpu.memory_space<hbm>>
      %dma_start3A_49 = arith.constant 0 : i32
      %dma_start3A_50 = tpu.memref_slice %arg5[%add3A_23, %dma_start3A_49] : memref<10240x128xf32, #tpu.memory_space<hbm>> -> memref<80x128xf32, #tpu.memory_space<hbm>>
      %dma_start3A_51 = arith.constant 0 : i32
      %dma_start3A_52 = arith.constant 0 : i32
      %dma_start3A_53 = tpu.memref_slice %arg9[%dma_start3A_51, %dma_start3A_52] : memref<125x128xf32, #tpu.memory_space<vmem>> -> memref<80x128xf32, #tpu.memory_space<vmem>>
      tpu.enqueue_dma source(%dma_start3A_53 : memref<80x128xf32, #tpu.memory_space<vmem>>) target(%dma_start3A_50 : memref<80x128xf32, #tpu.memory_space<hbm>>) target_semaphore(%run_scoped3A : memref<!tpu.dma_semaphore, #tpu.memory_space<semaphore_mem>>)
      %dma_wait3A = arith.constant 0 : i32
      %dma_wait3A_54 = arith.constant 0 : i32
      %dma_wait3A_55 = tpu.memref_slice %arg9[%dma_wait3A, %dma_wait3A_54] : memref<125x128xf32, #tpu.memory_space<vmem>> -> memref<80x128xf32, #tpu.memory_space<vmem>>
      %dma_wait3A_56 = arith.constant 0 : i32
      %dma_wait3A_57 = tpu.memref_slice %arg5[%add3A_23, %dma_wait3A_56] : memref<10240x128xf32, #tpu.memory_space<hbm>> -> memref<80x128xf32, #tpu.memory_space<hbm>>
      %dma_wait3A_58 = arith.constant 0 : i32
      %dma_wait3A_59 = tpu.memref_slice %arg5[%add3A_23, %dma_wait3A_58] : memref<10240x128xf32, #tpu.memory_space<hbm>> -> memref<80x128xf32, #tpu.memory_space<hbm>>
      %dma_wait3A_60 = arith.constant 0 : i32
      %dma_wait3A_61 = arith.constant 0 : i32
      %dma_wait3A_62 = tpu.memref_slice %arg9[%dma_wait3A_60, %dma_wait3A_61] : memref<125x128xf32, #tpu.memory_space<vmem>> -> memref<80x128xf32, #tpu.memory_space<vmem>>
      tpu.wait_dma2 semaphore(%run_scoped3A : memref<!tpu.dma_semaphore, #tpu.memory_space<semaphore_mem>>) src(%dma_wait3A_62 : memref<80x128xf32, #tpu.memory_space<vmem>>) dst(%dma_wait3A_59 : memref<80x128xf32, #tpu.memory_space<hbm>>)
      tpu.yield
    }) : () -> ()
    %mul3A_24 = arith.constant 320 : i32
    %mul3A_25 = arith.muli %arg1, %mul3A_24 : i32
    %add3A_26 = arith.constant 80 : i32
    %add3A_27 = arith.addi %mul3A_25, %add3A_26 : i32
    "tpu.region"() ({
      %run_scoped3A = tpu.sem_alloc : memref<!tpu.dma_semaphore, #tpu.memory_space<semaphore_mem>>
      %dma_start3A = arith.constant 0 : i32
      %dma_start3A_45 = arith.constant 0 : i32
      %dma_start3A_46 = tpu.memref_slice %arg9[%dma_start3A, %dma_start3A_45] : memref<125x128xf32, #tpu.memory_space<vmem>> -> memref<80x128xf32, #tpu.memory_space<vmem>>
      %dma_start3A_47 = arith.constant 0 : i32
      %dma_start3A_48 = tpu.memref_slice %arg11[%add3A_27, %dma_start3A_47] : memref<5248x128xf32, #tpu.memory_space<vmem_shared>> -> memref<80x128xf32, #tpu.memory_space<vmem_shared>>
      %dma_start3A_49 = arith.constant 0 : i32
      %dma_start3A_50 = arith.constant 0 : i32
      %dma_start3A_51 = tpu.memref_slice %arg9[%dma_start3A_49, %dma_start3A_50] : memref<125x128xf32, #tpu.memory_space<vmem>> -> memref<80x128xf32, #tpu.memory_space<vmem>>
      %dma_start3A_52 = arith.constant 0 : i32
      %dma_start3A_53 = tpu.memref_slice %arg11[%add3A_27, %dma_start3A_52] : memref<5248x128xf32, #tpu.memory_space<vmem_shared>> -> memref<80x128xf32, #tpu.memory_space<vmem_shared>>
      tpu.enqueue_dma source(%dma_start3A_53 : memref<80x128xf32, #tpu.memory_space<vmem_shared>>) target(%dma_start3A_51 : memref<80x128xf32, #tpu.memory_space<vmem>>) target_semaphore(%run_scoped3A : memref<!tpu.dma_semaphore, #tpu.memory_space<semaphore_mem>>)
      %dma_wait3A = arith.constant 0 : i32
      %dma_wait3A_54 = arith.constant 0 : i32
      %dma_wait3A_55 = tpu.memref_slice %arg9[%dma_wait3A, %dma_wait3A_54] : memref<125x128xf32, #tpu.memory_space<vmem>> -> memref<80x128xf32, #tpu.memory_space<vmem>>
      %dma_wait3A_56 = arith.constant 0 : i32
      %dma_wait3A_57 = tpu.memref_slice %arg11[%add3A_27, %dma_wait3A_56] : memref<5248x128xf32, #tpu.memory_space<vmem_shared>> -> memref<80x128xf32, #tpu.memory_space<vmem_shared>>
      %dma_wait3A_58 = arith.constant 0 : i32
      %dma_wait3A_59 = arith.constant 0 : i32
      %dma_wait3A_60 = tpu.memref_slice %arg9[%dma_wait3A_58, %dma_wait3A_59] : memref<125x128xf32, #tpu.memory_space<vmem>> -> memref<80x128xf32, #tpu.memory_space<vmem>>
      %dma_wait3A_61 = arith.constant 0 : i32
      %dma_wait3A_62 = tpu.memref_slice %arg11[%add3A_27, %dma_wait3A_61] : memref<5248x128xf32, #tpu.memory_space<vmem_shared>> -> memref<80x128xf32, #tpu.memory_space<vmem_shared>>
      tpu.wait_dma2 semaphore(%run_scoped3A : memref<!tpu.dma_semaphore, #tpu.memory_space<semaphore_mem>>) src(%dma_wait3A_62 : memref<80x128xf32, #tpu.memory_space<vmem_shared>>) dst(%dma_wait3A_60 : memref<80x128xf32, #tpu.memory_space<vmem>>)
      tpu.yield
    }) : () -> ()
    %mul3A_28 = arith.constant 5120 : i32
    %mul3A_29 = arith.muli %arg0, %mul3A_28 : i32
    %add3A_30 = arith.addi %mul3A_29, %add3A_27 : i32
    "tpu.region"() ({
      %run_scoped3A = tpu.sem_alloc : memref<!tpu.dma_semaphore, #tpu.memory_space<semaphore_mem>>
      %dma_start3A = arith.constant 0 : i32
      %dma_start3A_45 = arith.constant 0 : i32
      %dma_start3A_46 = tpu.memref_slice %arg9[%dma_start3A, %dma_start3A_45] : memref<125x128xf32, #tpu.memory_space<vmem>> -> memref<80x128xf32, #tpu.memory_space<vmem>>
      %dma_start3A_47 = arith.constant 0 : i32
      %dma_start3A_48 = tpu.memref_slice %arg5[%add3A_30, %dma_start3A_47] : memref<10240x128xf32, #tpu.memory_space<hbm>> -> memref<80x128xf32, #tpu.memory_space<hbm>>
      %dma_start3A_49 = arith.constant 0 : i32
      %dma_start3A_50 = tpu.memref_slice %arg5[%add3A_30, %dma_start3A_49] : memref<10240x128xf32, #tpu.memory_space<hbm>> -> memref<80x128xf32, #tpu.memory_space<hbm>>
      %dma_start3A_51 = arith.constant 0 : i32
      %dma_start3A_52 = arith.constant 0 : i32
      %dma_start3A_53 = tpu.memref_slice %arg9[%dma_start3A_51, %dma_start3A_52] : memref<125x128xf32, #tpu.memory_space<vmem>> -> memref<80x128xf32, #tpu.memory_space<vmem>>
      tpu.enqueue_dma source(%dma_start3A_53 : memref<80x128xf32, #tpu.memory_space<vmem>>) target(%dma_start3A_50 : memref<80x128xf32, #tpu.memory_space<hbm>>) target_semaphore(%run_scoped3A : memref<!tpu.dma_semaphore, #tpu.memory_space<semaphore_mem>>)
      %dma_wait3A = arith.constant 0 : i32
      %dma_wait3A_54 = arith.constant 0 : i32
      %dma_wait3A_55 = tpu.memref_slice %arg9[%dma_wait3A, %dma_wait3A_54] : memref<125x128xf32, #tpu.memory_space<vmem>> -> memref<80x128xf32, #tpu.memory_space<vmem>>
      %dma_wait3A_56 = arith.constant 0 : i32
      %dma_wait3A_57 = tpu.memref_slice %arg5[%add3A_30, %dma_wait3A_56] : memref<10240x128xf32, #tpu.memory_space<hbm>> -> memref<80x128xf32, #tpu.memory_space<hbm>>
      %dma_wait3A_58 = arith.constant 0 : i32
      %dma_wait3A_59 = tpu.memref_slice %arg5[%add3A_30, %dma_wait3A_58] : memref<10240x128xf32, #tpu.memory_space<hbm>> -> memref<80x128xf32, #tpu.memory_space<hbm>>
      %dma_wait3A_60 = arith.constant 0 : i32
      %dma_wait3A_61 = arith.constant 0 : i32
      %dma_wait3A_62 = tpu.memref_slice %arg9[%dma_wait3A_60, %dma_wait3A_61] : memref<125x128xf32, #tpu.memory_space<vmem>> -> memref<80x128xf32, #tpu.memory_space<vmem>>
      tpu.wait_dma2 semaphore(%run_scoped3A : memref<!tpu.dma_semaphore, #tpu.memory_space<semaphore_mem>>) src(%dma_wait3A_62 : memref<80x128xf32, #tpu.memory_space<vmem>>) dst(%dma_wait3A_59 : memref<80x128xf32, #tpu.memory_space<hbm>>)
      tpu.yield
    }) : () -> ()
    %mul3A_31 = arith.constant 320 : i32
    %mul3A_32 = arith.muli %arg1, %mul3A_31 : i32
    %add3A_33 = arith.constant 160 : i32
    %add3A_34 = arith.addi %mul3A_32, %add3A_33 : i32
    "tpu.region"() ({
      %run_scoped3A = tpu.sem_alloc : memref<!tpu.dma_semaphore, #tpu.memory_space<semaphore_mem>>
      %dma_start3A = arith.constant 0 : i32
      %dma_start3A_45 = arith.constant 0 : i32
      %dma_start3A_46 = tpu.memref_slice %arg9[%dma_start3A, %dma_start3A_45] : memref<125x128xf32, #tpu.memory_space<vmem>> -> memref<80x128xf32, #tpu.memory_space<vmem>>
      %dma_start3A_47 = arith.constant 0 : i32
      %dma_start3A_48 = tpu.memref_slice %arg11[%add3A_34, %dma_start3A_47] : memref<5248x128xf32, #tpu.memory_space<vmem_shared>> -> memref<80x128xf32, #tpu.memory_space<vmem_shared>>
      %dma_start3A_49 = arith.constant 0 : i32
      %dma_start3A_50 = arith.constant 0 : i32
      %dma_start3A_51 = tpu.memref_slice %arg9[%dma_start3A_49, %dma_start3A_50] : memref<125x128xf32, #tpu.memory_space<vmem>> -> memref<80x128xf32, #tpu.memory_space<vmem>>
      %dma_start3A_52 = arith.constant 0 : i32
      %dma_start3A_53 = tpu.memref_slice %arg11[%add3A_34, %dma_start3A_52] : memref<5248x128xf32, #tpu.memory_space<vmem_shared>> -> memref<80x128xf32, #tpu.memory_space<vmem_shared>>
      tpu.enqueue_dma source(%dma_start3A_53 : memref<80x128xf32, #tpu.memory_space<vmem_shared>>) target(%dma_start3A_51 : memref<80x128xf32, #tpu.memory_space<vmem>>) target_semaphore(%run_scoped3A : memref<!tpu.dma_semaphore, #tpu.memory_space<semaphore_mem>>)
      %dma_wait3A = arith.constant 0 : i32
      %dma_wait3A_54 = arith.constant 0 : i32
      %dma_wait3A_55 = tpu.memref_slice %arg9[%dma_wait3A, %dma_wait3A_54] : memref<125x128xf32, #tpu.memory_space<vmem>> -> memref<80x128xf32, #tpu.memory_space<vmem>>
      %dma_wait3A_56 = arith.constant 0 : i32
      %dma_wait3A_57 = tpu.memref_slice %arg11[%add3A_34, %dma_wait3A_56] : memref<5248x128xf32, #tpu.memory_space<vmem_shared>> -> memref<80x128xf32, #tpu.memory_space<vmem_shared>>
      %dma_wait3A_58 = arith.constant 0 : i32
      %dma_wait3A_59 = arith.constant 0 : i32
      %dma_wait3A_60 = tpu.memref_slice %arg9[%dma_wait3A_58, %dma_wait3A_59] : memref<125x128xf32, #tpu.memory_space<vmem>> -> memref<80x128xf32, #tpu.memory_space<vmem>>
      %dma_wait3A_61 = arith.constant 0 : i32
      %dma_wait3A_62 = tpu.memref_slice %arg11[%add3A_34, %dma_wait3A_61] : memref<5248x128xf32, #tpu.memory_space<vmem_shared>> -> memref<80x128xf32, #tpu.memory_space<vmem_shared>>
      tpu.wait_dma2 semaphore(%run_scoped3A : memref<!tpu.dma_semaphore, #tpu.memory_space<semaphore_mem>>) src(%dma_wait3A_62 : memref<80x128xf32, #tpu.memory_space<vmem_shared>>) dst(%dma_wait3A_60 : memref<80x128xf32, #tpu.memory_space<vmem>>)
      tpu.yield
    }) : () -> ()
    %mul3A_35 = arith.constant 5120 : i32
    %mul3A_36 = arith.muli %arg0, %mul3A_35 : i32
    %add3A_37 = arith.addi %mul3A_36, %add3A_34 : i32
    "tpu.region"() ({
      %run_scoped3A = tpu.sem_alloc : memref<!tpu.dma_semaphore, #tpu.memory_space<semaphore_mem>>
      %dma_start3A = arith.constant 0 : i32
      %dma_start3A_45 = arith.constant 0 : i32
      %dma_start3A_46 = tpu.memref_slice %arg9[%dma_start3A, %dma_start3A_45] : memref<125x128xf32, #tpu.memory_space<vmem>> -> memref<80x128xf32, #tpu.memory_space<vmem>>
      %dma_start3A_47 = arith.constant 0 : i32
      %dma_start3A_48 = tpu.memref_slice %arg5[%add3A_37, %dma_start3A_47] : memref<10240x128xf32, #tpu.memory_space<hbm>> -> memref<80x128xf32, #tpu.memory_space<hbm>>
      %dma_start3A_49 = arith.constant 0 : i32
      %dma_start3A_50 = tpu.memref_slice %arg5[%add3A_37, %dma_start3A_49] : memref<10240x128xf32, #tpu.memory_space<hbm>> -> memref<80x128xf32, #tpu.memory_space<hbm>>
      %dma_start3A_51 = arith.constant 0 : i32
      %dma_start3A_52 = arith.constant 0 : i32
      %dma_start3A_53 = tpu.memref_slice %arg9[%dma_start3A_51, %dma_start3A_52] : memref<125x128xf32, #tpu.memory_space<vmem>> -> memref<80x128xf32, #tpu.memory_space<vmem>>
      tpu.enqueue_dma source(%dma_start3A_53 : memref<80x128xf32, #tpu.memory_space<vmem>>) target(%dma_start3A_50 : memref<80x128xf32, #tpu.memory_space<hbm>>) target_semaphore(%run_scoped3A : memref<!tpu.dma_semaphore, #tpu.memory_space<semaphore_mem>>)
      %dma_wait3A = arith.constant 0 : i32
      %dma_wait3A_54 = arith.constant 0 : i32
      %dma_wait3A_55 = tpu.memref_slice %arg9[%dma_wait3A, %dma_wait3A_54] : memref<125x128xf32, #tpu.memory_space<vmem>> -> memref<80x128xf32, #tpu.memory_space<vmem>>
      %dma_wait3A_56 = arith.constant 0 : i32
      %dma_wait3A_57 = tpu.memref_slice %arg5[%add3A_37, %dma_wait3A_56] : memref<10240x128xf32, #tpu.memory_space<hbm>> -> memref<80x128xf32, #tpu.memory_space<hbm>>
      %dma_wait3A_58 = arith.constant 0 : i32
      %dma_wait3A_59 = tpu.memref_slice %arg5[%add3A_37, %dma_wait3A_58] : memref<10240x128xf32, #tpu.memory_space<hbm>> -> memref<80x128xf32, #tpu.memory_space<hbm>>
      %dma_wait3A_60 = arith.constant 0 : i32
      %dma_wait3A_61 = arith.constant 0 : i32
      %dma_wait3A_62 = tpu.memref_slice %arg9[%dma_wait3A_60, %dma_wait3A_61] : memref<125x128xf32, #tpu.memory_space<vmem>> -> memref<80x128xf32, #tpu.memory_space<vmem>>
      tpu.wait_dma2 semaphore(%run_scoped3A : memref<!tpu.dma_semaphore, #tpu.memory_space<semaphore_mem>>) src(%dma_wait3A_62 : memref<80x128xf32, #tpu.memory_space<vmem>>) dst(%dma_wait3A_59 : memref<80x128xf32, #tpu.memory_space<hbm>>)
      tpu.yield
    }) : () -> ()
    %mul3A_38 = arith.constant 320 : i32
    %mul3A_39 = arith.muli %arg1, %mul3A_38 : i32
    %add3A_40 = arith.constant 240 : i32
    %add3A_41 = arith.addi %mul3A_39, %add3A_40 : i32
    "tpu.region"() ({
      %run_scoped3A = tpu.sem_alloc : memref<!tpu.dma_semaphore, #tpu.memory_space<semaphore_mem>>
      %dma_start3A = arith.constant 0 : i32
      %dma_start3A_45 = arith.constant 0 : i32
      %dma_start3A_46 = tpu.memref_slice %arg9[%dma_start3A, %dma_start3A_45] : memref<125x128xf32, #tpu.memory_space<vmem>> -> memref<80x128xf32, #tpu.memory_space<vmem>>
      %dma_start3A_47 = arith.constant 0 : i32
      %dma_start3A_48 = tpu.memref_slice %arg11[%add3A_41, %dma_start3A_47] : memref<5248x128xf32, #tpu.memory_space<vmem_shared>> -> memref<80x128xf32, #tpu.memory_space<vmem_shared>>
      %dma_start3A_49 = arith.constant 0 : i32
      %dma_start3A_50 = arith.constant 0 : i32
      %dma_start3A_51 = tpu.memref_slice %arg9[%dma_start3A_49, %dma_start3A_50] : memref<125x128xf32, #tpu.memory_space<vmem>> -> memref<80x128xf32, #tpu.memory_space<vmem>>
      %dma_start3A_52 = arith.constant 0 : i32
      %dma_start3A_53 = tpu.memref_slice %arg11[%add3A_41, %dma_start3A_52] : memref<5248x128xf32, #tpu.memory_space<vmem_shared>> -> memref<80x128xf32, #tpu.memory_space<vmem_shared>>
      tpu.enqueue_dma source(%dma_start3A_53 : memref<80x128xf32, #tpu.memory_space<vmem_shared>>) target(%dma_start3A_51 : memref<80x128xf32, #tpu.memory_space<vmem>>) target_semaphore(%run_scoped3A : memref<!tpu.dma_semaphore, #tpu.memory_space<semaphore_mem>>)
      %dma_wait3A = arith.constant 0 : i32
      %dma_wait3A_54 = arith.constant 0 : i32
      %dma_wait3A_55 = tpu.memref_slice %arg9[%dma_wait3A, %dma_wait3A_54] : memref<125x128xf32, #tpu.memory_space<vmem>> -> memref<80x128xf32, #tpu.memory_space<vmem>>
      %dma_wait3A_56 = arith.constant 0 : i32
      %dma_wait3A_57 = tpu.memref_slice %arg11[%add3A_41, %dma_wait3A_56] : memref<5248x128xf32, #tpu.memory_space<vmem_shared>> -> memref<80x128xf32, #tpu.memory_space<vmem_shared>>
      %dma_wait3A_58 = arith.constant 0 : i32
      %dma_wait3A_59 = arith.constant 0 : i32
      %dma_wait3A_60 = tpu.memref_slice %arg9[%dma_wait3A_58, %dma_wait3A_59] : memref<125x128xf32, #tpu.memory_space<vmem>> -> memref<80x128xf32, #tpu.memory_space<vmem>>
      %dma_wait3A_61 = arith.constant 0 : i32
      %dma_wait3A_62 = tpu.memref_slice %arg11[%add3A_41, %dma_wait3A_61] : memref<5248x128xf32, #tpu.memory_space<vmem_shared>> -> memref<80x128xf32, #tpu.memory_space<vmem_shared>>
      tpu.wait_dma2 semaphore(%run_scoped3A : memref<!tpu.dma_semaphore, #tpu.memory_space<semaphore_mem>>) src(%dma_wait3A_62 : memref<80x128xf32, #tpu.memory_space<vmem_shared>>) dst(%dma_wait3A_60 : memref<80x128xf32, #tpu.memory_space<vmem>>)
      tpu.yield
    }) : () -> ()
    %mul3A_42 = arith.constant 5120 : i32
    %mul3A_43 = arith.muli %arg0, %mul3A_42 : i32
    %add3A_44 = arith.addi %mul3A_43, %add3A_41 : i32
    "tpu.region"() ({
      %run_scoped3A = tpu.sem_alloc : memref<!tpu.dma_semaphore, #tpu.memory_space<semaphore_mem>>
      %dma_start3A = arith.constant 0 : i32
      %dma_start3A_45 = arith.constant 0 : i32
      %dma_start3A_46 = tpu.memref_slice %arg9[%dma_start3A, %dma_start3A_45] : memref<125x128xf32, #tpu.memory_space<vmem>> -> memref<80x128xf32, #tpu.memory_space<vmem>>
      %dma_start3A_47 = arith.constant 0 : i32
      %dma_start3A_48 = tpu.memref_slice %arg5[%add3A_44, %dma_start3A_47] : memref<10240x128xf32, #tpu.memory_space<hbm>> -> memref<80x128xf32, #tpu.memory_space<hbm>>
      %dma_start3A_49 = arith.constant 0 : i32
      %dma_start3A_50 = tpu.memref_slice %arg5[%add3A_44, %dma_start3A_49] : memref<10240x128xf32, #tpu.memory_space<hbm>> -> memref<80x128xf32, #tpu.memory_space<hbm>>
      %dma_start3A_51 = arith.constant 0 : i32
      %dma_start3A_52 = arith.constant 0 : i32
      %dma_start3A_53 = tpu.memref_slice %arg9[%dma_start3A_51, %dma_start3A_52] : memref<125x128xf32, #tpu.memory_space<vmem>> -> memref<80x128xf32, #tpu.memory_space<vmem>>
      tpu.enqueue_dma source(%dma_start3A_53 : memref<80x128xf32, #tpu.memory_space<vmem>>) target(%dma_start3A_50 : memref<80x128xf32, #tpu.memory_space<hbm>>) target_semaphore(%run_scoped3A : memref<!tpu.dma_semaphore, #tpu.memory_space<semaphore_mem>>)
      %dma_wait3A = arith.constant 0 : i32
      %dma_wait3A_54 = arith.constant 0 : i32
      %dma_wait3A_55 = tpu.memref_slice %arg9[%dma_wait3A, %dma_wait3A_54] : memref<125x128xf32, #tpu.memory_space<vmem>> -> memref<80x128xf32, #tpu.memory_space<vmem>>
      %dma_wait3A_56 = arith.constant 0 : i32
      %dma_wait3A_57 = tpu.memref_slice %arg5[%add3A_44, %dma_wait3A_56] : memref<10240x128xf32, #tpu.memory_space<hbm>> -> memref<80x128xf32, #tpu.memory_space<hbm>>
      %dma_wait3A_58 = arith.constant 0 : i32
      %dma_wait3A_59 = tpu.memref_slice %arg5[%add3A_44, %dma_wait3A_58] : memref<10240x128xf32, #tpu.memory_space<hbm>> -> memref<80x128xf32, #tpu.memory_space<hbm>>
      %dma_wait3A_60 = arith.constant 0 : i32
      %dma_wait3A_61 = arith.constant 0 : i32
      %dma_wait3A_62 = tpu.memref_slice %arg9[%dma_wait3A_60, %dma_wait3A_61] : memref<125x128xf32, #tpu.memory_space<vmem>> -> memref<80x128xf32, #tpu.memory_space<vmem>>
      tpu.wait_dma2 semaphore(%run_scoped3A : memref<!tpu.dma_semaphore, #tpu.memory_space<semaphore_mem>>) src(%dma_wait3A_62 : memref<80x128xf32, #tpu.memory_space<vmem>>) dst(%dma_wait3A_59 : memref<80x128xf32, #tpu.memory_space<hbm>>)
      tpu.yield
    }) : () -> ()
    return
  }
}

module attributes {stable_mosaic.version = 14 : i64} {
  func.func @_tc1_body(%arg0: i32, %arg1: memref<1024x16xf32, #tpu.memory_space<vmem>>, %arg2: memref<1024x128xf32, #tpu.memory_space<vmem>>, %arg3: memref<128x128xf32, #tpu.memory_space<vmem>>, %arg4: memref<1024x128xf32, #tpu.memory_space<vmem>>, %arg5: memref<1024x16xf32, #tpu.memory_space<vmem>>) attributes {dimension_semantics = [#tpu.dimension_semantics<arbitrary>], iteration_bounds = array<i64: 10>, scalar_prefetch = 0 : i64, scratch_operands = 0 : i64, tpu.core_type = #tpu.core_type<tc>, window_params = [{transform_indices = @transform_0, window_bounds = array<i64: 1024, 16>}, {transform_indices = @transform_1, window_bounds = array<i64: 1024, 128>}, {pipeline_mode = #tpu.pipeline_mode<synchronous>, transform_indices = @transform_2, window_bounds = array<i64: 128, 128>}, {transform_indices = @transform_3, window_bounds = array<i64: 1024, 128>}, {transform_indices = @transform_4, window_bounds = array<i64: 1024, 16>}]} {
    %get3A = arith.constant 0 : index
    %get3A_0 = arith.constant 0 : index
    %get3A_1 = vector.load %arg1[%get3A, %get3A_0] : memref<1024x16xf32, #tpu.memory_space<vmem>>, vector<1024x1xf32>
    %get3A_2 = vector.shape_cast %get3A_1 : vector<1024x1xf32> to vector<1024xf32>
    %add3A = arith.constant 1.000000e+00 : f32
    %add3A_3 = vector.broadcast %add3A : f32 to vector<1024xf32>
    %add3A_4 = arith.addf %get3A_2, %add3A_3 : vector<1024xf32>
    %rsqrt3A = math.rsqrt %add3A_4 : vector<1024xf32>
    %broadcast_in_dim3A = vector.shape_cast %rsqrt3A : vector<1024xf32> to vector<1024x1xf32>
    %get3A_5 = arith.constant 0 : index
    %get3A_6 = arith.constant 0 : index
    %get3A_7 = vector.load %arg2[%get3A_5, %get3A_6] : memref<1024x128xf32, #tpu.memory_space<vmem>>, vector<1024x128xf32>
    %get3A_8 = arith.constant 0 : index
    %get3A_9 = arith.constant 0 : index
    %get3A_10 = vector.load %arg3[%get3A_8, %get3A_9] : memref<128x128xf32, #tpu.memory_space<vmem>>, vector<128x128xf32>
    %dot_general3A = arith.constant dense<0.000000e+00> : vector<1024x128xf32>
    %dot_general3A_11 = tpu.matmul %get3A_7, %get3A_10, %dot_general3A {dimension_numbers = #tpu.dot_dimension_numbers<[1], [0], [0], [1], [0, 0, 1, 1], [], []>, transpose_lhs_hint = false} : vector<1024x128xf32>, vector<128x128xf32>, vector<1024x128xf32> -> vector<1024x128xf32>
    %mul3A = vector.broadcast %broadcast_in_dim3A : vector<1024x1xf32> to vector<1024x128xf32>
    %mul3A_12 = arith.mulf %mul3A, %dot_general3A_11 : vector<1024x128xf32>
    %swap3A = arith.constant 0 : index
    %swap3A_13 = arith.constant 0 : index
    %swap3A_14 = vector.load %arg4[%swap3A, %swap3A_13] : memref<1024x128xf32, #tpu.memory_space<vmem>>, vector<1024x128xf32>
    tpu.vector_store %arg4[%swap3A, %swap3A_13], %mul3A_12 {strides = array<i32>} : memref<1024x128xf32, #tpu.memory_space<vmem>>, vector<1024x128xf32>,
    %broadcast_in_dim3A_15 = vector.shape_cast %broadcast_in_dim3A : vector<1024x1xf32> to vector<1024x1xf32>
    %broadcast_in_dim3A_16 = vector.broadcast %broadcast_in_dim3A_15 : vector<1024x1xf32> to vector<1024x16xf32>
    %swap3A_17 = arith.constant 0 : index
    %swap3A_18 = arith.constant 0 : index
    %swap3A_19 = vector.load %arg5[%swap3A_17, %swap3A_18] : memref<1024x16xf32, #tpu.memory_space<vmem>>, vector<1024x16xf32>
    tpu.vector_store %arg5[%swap3A_17, %swap3A_18], %broadcast_in_dim3A_16 {strides = array<i32>} : memref<1024x16xf32, #tpu.memory_space<vmem>>, vector<1024x16xf32>,
    return
  }
  func.func @transform_0(%arg0: i32) -> (i32, i32) {
    %c0_i32 = arith.constant 0 : i32
    %c0_i32_0 = arith.constant 0 : i32
    return %arg0, %c0_i32 : i32, i32
  }
  func.func @transform_1(%arg0: i32) -> (i32, i32) {
    %c0_i32 = arith.constant 0 : i32
    %c0_i32_0 = arith.constant 0 : i32
    return %arg0, %c0_i32 : i32, i32
  }
  func.func @transform_2(%arg0: i32) -> (i32, i32) {
    %c0_i32 = arith.constant 0 : i32
    %c0_i32_0 = arith.constant 0 : i32
    %c0_i32_1 = arith.constant 0 : i32
    return %c0_i32, %c0_i32_0 : i32, i32
  }
  func.func @transform_3(%arg0: i32) -> (i32, i32) {
    %c0_i32 = arith.constant 0 : i32
    %c0_i32_0 = arith.constant 0 : i32
    return %arg0, %c0_i32 : i32, i32
  }
  func.func @transform_4(%arg0: i32) -> (i32, i32) {
    %c0_i32 = arith.constant 0 : i32
    %c0_i32_0 = arith.constant 0 : i32
    return %arg0, %c0_i32 : i32, i32
  }
}

module attributes {stable_mosaic.version = 14 : i64} {
  func.func @_tcmid_body(%arg0: i32, %arg1: memref<1024x16xf32, #tpu.memory_space<vmem>>, %arg2: memref<1024x128xf32, #tpu.memory_space<vmem>>, %arg3: memref<1024x128xf32, #tpu.memory_space<vmem>>, %arg4: memref<1x128xf32, #tpu.memory_space<vmem>>, %arg5: memref<128x128xf32, #tpu.memory_space<vmem>>, %arg6: memref<1024x128xf32, #tpu.memory_space<vmem>>) attributes {dimension_semantics = [#tpu.dimension_semantics<arbitrary>], iteration_bounds = array<i64: 10>, scalar_prefetch = 0 : i64, scratch_operands = 0 : i64, tpu.core_type = #tpu.core_type<tc>, window_params = [{transform_indices = @transform_0, window_bounds = array<i64: 1024, 16>}, {transform_indices = @transform_1, window_bounds = array<i64: 1024, 128>}, {transform_indices = @transform_2, window_bounds = array<i64: 1024, 128>}, {pipeline_mode = #tpu.pipeline_mode<synchronous>, transform_indices = @transform_3, window_bounds = array<i64: 1, 128>}, {pipeline_mode = #tpu.pipeline_mode<synchronous>, transform_indices = @transform_4, window_bounds = array<i64: 128, 128>}, {transform_indices = @transform_5, window_bounds = array<i64: 1024, 128>}]} {
    %get3A = arith.constant 0 : index
    %get3A_0 = arith.constant 0 : index
    %get3A_1 = vector.load %arg1[%get3A, %get3A_0] : memref<1024x16xf32, #tpu.memory_space<vmem>>, vector<1024x1xf32>
    %get3A_2 = arith.constant 0 : index
    %get3A_3 = arith.constant 0 : index
    %get3A_4 = vector.load %arg2[%get3A_2, %get3A_3] : memref<1024x128xf32, #tpu.memory_space<vmem>>, vector<1024x128xf32>
    %get3A_5 = arith.constant 0 : index
    %get3A_6 = arith.constant 0 : index
    %get3A_7 = vector.load %arg3[%get3A_5, %get3A_6] : memref<1024x128xf32, #tpu.memory_space<vmem>>, vector<1024x128xf32>
    %add3A = arith.addf %get3A_4, %get3A_7 : vector<1024x128xf32>
    %mul3A = vector.broadcast %get3A_1 : vector<1024x1xf32> to vector<1024x128xf32>
    %mul3A_8 = arith.mulf %mul3A, %add3A : vector<1024x128xf32>
    %get3A_9 = arith.constant 0 : index
    %get3A_10 = arith.constant 0 : index
    %get3A_11 = vector.load %arg4[%get3A_9, %get3A_10] : memref<1x128xf32, #tpu.memory_space<vmem>>, vector<1x128xf32>
    %add3A_12 = vector.broadcast %get3A_11 : vector<1x128xf32> to vector<1024x128xf32>
    %add3A_13 = arith.addf %mul3A_8, %add3A_12 : vector<1024x128xf32>
    %max3A = arith.constant 0.000000e+00 : f32
    %max3A_14 = vector.broadcast %max3A : f32 to vector<1024x128xf32>
    %max3A_15 = arith.maximumf %add3A_13, %max3A_14 : vector<1024x128xf32>
    %get3A_16 = arith.constant 0 : index
    %get3A_17 = arith.constant 0 : index
    %get3A_18 = vector.load %arg5[%get3A_16, %get3A_17] : memref<128x128xf32, #tpu.memory_space<vmem>>, vector<128x128xf32>
    %dot_general3A = arith.constant dense<0.000000e+00> : vector<1024x128xf32>
    %dot_general3A_19 = tpu.matmul %max3A_15, %get3A_18, %dot_general3A {dimension_numbers = #tpu.dot_dimension_numbers<[1], [0], [0], [1], [0, 0, 1, 1], [], []>, transpose_lhs_hint = false} : vector<1024x128xf32>, vector<128x128xf32>, vector<1024x128xf32> -> vector<1024x128xf32>
    %mul3A_20 = vector.broadcast %get3A_1 : vector<1024x1xf32> to vector<1024x128xf32>
    %mul3A_21 = arith.mulf %mul3A_20, %dot_general3A_19 : vector<1024x128xf32>
    %swap3A = arith.constant 0 : index
    %swap3A_22 = arith.constant 0 : index
    %swap3A_23 = vector.load %arg6[%swap3A, %swap3A_22] : memref<1024x128xf32, #tpu.memory_space<vmem>>, vector<1024x128xf32>
    tpu.vector_store %arg6[%swap3A, %swap3A_22], %mul3A_21 {strides = array<i32>} : memref<1024x128xf32, #tpu.memory_space<vmem>>, vector<1024x128xf32>,
    return
  }
  func.func @transform_0(%arg0: i32) -> (i32, i32) {
    %c0_i32 = arith.constant 0 : i32
    %c0_i32_0 = arith.constant 0 : i32
    return %arg0, %c0_i32 : i32, i32
  }
  func.func @transform_1(%arg0: i32) -> (i32, i32) {
    %c0_i32 = arith.constant 0 : i32
    %c0_i32_0 = arith.constant 0 : i32
    return %arg0, %c0_i32 : i32, i32
  }
  func.func @transform_2(%arg0: i32) -> (i32, i32) {
    %c0_i32 = arith.constant 0 : i32
    %c0_i32_0 = arith.constant 0 : i32
    return %arg0, %c0_i32 : i32, i32
  }
  func.func @transform_3(%arg0: i32) -> (i32, i32) {
    %c0_i32 = arith.constant 0 : i32
    %c0_i32_0 = arith.constant 0 : i32
    %c0_i32_1 = arith.constant 0 : i32
    return %c0_i32, %c0_i32_0 : i32, i32
  }
  func.func @transform_4(%arg0: i32) -> (i32, i32) {
    %c0_i32 = arith.constant 0 : i32
    %c0_i32_0 = arith.constant 0 : i32
    %c0_i32_1 = arith.constant 0 : i32
    return %c0_i32, %c0_i32_0 : i32, i32
  }
  func.func @transform_5(%arg0: i32) -> (i32, i32) {
    %c0_i32 = arith.constant 0 : i32
    %c0_i32_0 = arith.constant 0 : i32
    return %arg0, %c0_i32 : i32, i32
  }
}

module attributes {stable_mosaic.version = 14 : i64} {
  func.func @_tcf_body(%arg0: i32, %arg1: memref<1024x16xf32, #tpu.memory_space<vmem>>, %arg2: memref<1024x128xf32, #tpu.memory_space<vmem>>, %arg3: memref<1024x128xf32, #tpu.memory_space<vmem>>, %arg4: memref<1x128xf32, #tpu.memory_space<vmem>>, %arg5: memref<1024x128xf32, #tpu.memory_space<vmem>>) attributes {dimension_semantics = [#tpu.dimension_semantics<arbitrary>], iteration_bounds = array<i64: 10>, scalar_prefetch = 0 : i64, scratch_operands = 0 : i64, tpu.core_type = #tpu.core_type<tc>, window_params = [{transform_indices = @transform_0, window_bounds = array<i64: 1024, 16>}, {transform_indices = @transform_1, window_bounds = array<i64: 1024, 128>}, {transform_indices = @transform_2, window_bounds = array<i64: 1024, 128>}, {pipeline_mode = #tpu.pipeline_mode<synchronous>, transform_indices = @transform_3, window_bounds = array<i64: 1, 128>}, {transform_indices = @transform_4, window_bounds = array<i64: 1024, 128>}]} {
    %get3A = arith.constant 0 : index
    %get3A_0 = arith.constant 0 : index
    %get3A_1 = vector.load %arg1[%get3A, %get3A_0] : memref<1024x16xf32, #tpu.memory_space<vmem>>, vector<1024x1xf32>
    %get3A_2 = arith.constant 0 : index
    %get3A_3 = arith.constant 0 : index
    %get3A_4 = vector.load %arg2[%get3A_2, %get3A_3] : memref<1024x128xf32, #tpu.memory_space<vmem>>, vector<1024x128xf32>
    %get3A_5 = arith.constant 0 : index
    %get3A_6 = arith.constant 0 : index
    %get3A_7 = vector.load %arg3[%get3A_5, %get3A_6] : memref<1024x128xf32, #tpu.memory_space<vmem>>, vector<1024x128xf32>
    %add3A = arith.addf %get3A_4, %get3A_7 : vector<1024x128xf32>
    %mul3A = vector.broadcast %get3A_1 : vector<1024x1xf32> to vector<1024x128xf32>
    %mul3A_8 = arith.mulf %mul3A, %add3A : vector<1024x128xf32>
    %get3A_9 = arith.constant 0 : index
    %get3A_10 = arith.constant 0 : index
    %get3A_11 = vector.load %arg4[%get3A_9, %get3A_10] : memref<1x128xf32, #tpu.memory_space<vmem>>, vector<1x128xf32>
    %add3A_12 = vector.broadcast %get3A_11 : vector<1x128xf32> to vector<1024x128xf32>
    %add3A_13 = arith.addf %mul3A_8, %add3A_12 : vector<1024x128xf32>
    %swap3A = arith.constant 0 : index
    %swap3A_14 = arith.constant 0 : index
    %swap3A_15 = vector.load %arg5[%swap3A, %swap3A_14] : memref<1024x128xf32, #tpu.memory_space<vmem>>, vector<1024x128xf32>
    tpu.vector_store %arg5[%swap3A, %swap3A_14], %add3A_13 {strides = array<i32>} : memref<1024x128xf32, #tpu.memory_space<vmem>>, vector<1024x128xf32>,
    return
  }
  func.func @transform_0(%arg0: i32) -> (i32, i32) {
    %c0_i32 = arith.constant 0 : i32
    %c0_i32_0 = arith.constant 0 : i32
    return %arg0, %c0_i32 : i32, i32
  }
  func.func @transform_1(%arg0: i32) -> (i32, i32) {
    %c0_i32 = arith.constant 0 : i32
    %c0_i32_0 = arith.constant 0 : i32
    return %arg0, %c0_i32 : i32, i32
  }
  func.func @transform_2(%arg0: i32) -> (i32, i32) {
    %c0_i32 = arith.constant 0 : i32
    %c0_i32_0 = arith.constant 0 : i32
    return %arg0, %c0_i32 : i32, i32
  }
  func.func @transform_3(%arg0: i32) -> (i32, i32) {
    %c0_i32 = arith.constant 0 : i32
    %c0_i32_0 = arith.constant 0 : i32
    %c0_i32_1 = arith.constant 0 : i32
    return %c0_i32, %c0_i32_0 : i32, i32
  }
  func.func @transform_4(%arg0: i32) -> (i32, i32) {
    %c0_i32 = arith.constant 0 : i32
    %c0_i32_0 = arith.constant 0 : i32
    return %arg0, %c0_i32 : i32, i32
  }
}

</mosaic_0001>

<sc_bundles>
// kernel: kernel.11.cloned.1.call-start
scs
__scs_entry_jumppad:
0x0: {  	(pc) =	sbr.rel $0x88, $3  }
0x1: {  	(tag) =	ssettag $0x0;
	lr =	simm.s32 $0x1  }
0x2: {  	[smem:$0x3F9B] =	sst lr;
	_ =	strace $0xD0000000  }
0x3: {  	_ = 	snop  }
0x4: {  	_ = 	snop  }
0x5: {  	_ = 	snop  }
0x6: {  	_ = 	snop  }
0x7: {  	_ = 	snop  }
__scs_overlays_trampoline_lowered:
0x8: {  	[smem:$0x3FAA] =	sst s0  }
0x9: {  	[smem:$0x3FAB] =	sst s1  }
0xa: {  	[smem:$0x3FAC] =	sst s2  }
0xb: {  	[smem:$0x3FAD] =	sst s3  }
0xc: {  	[smem:$0x3FAE] =	sst s4  }
0xd: {  	[smem:$0x3FAF] =	sst s5  }
0xe: {  	[smem:$0x3FB0] =	sst s6  }
0xf: {  	[smem:$0x3FB1] =	sst s7  }
0x10: {  	[smem:$0x3FB2] =	sst s8  }
0x11: {  	[smem:$0x3FB3] =	sst s9;
	s0 =	simm.s32 @!p0 $0x0  }
0x12: {  	s1 =	sld [smem:$0x3F99];
	s0 =	simm.s32 @p0 $0x1  }
0x13: {  	[smem:$0x3FB4] =	sst s0;
	s0 =	simm.s32 @!p1 $0x0  }
0x14: {  	s2 =	sld [smem:$0x3F98];
	s0 =	simm.s32 @p1 $0x1  }
0x15: {  	[smem:$0x3FB5] =	sst s0;
	s0 =	simm.s32 @!p2 $0x0  }
0x16: {  	s3 =	sld [smem:$0x3FDB];
	s0 =	simm.s32 @p2 $0x1  }
0x17: {  	s4 =	simm.s32 $0x1BF5;
	[smem:$0x3FB7] =	sst s0  }
0x18: {  	s0 =	sld [smem:$0x3F9A];
	_ =	swait.ge [sflag:s4], $0x0  }
0x19: {  	s7 =	sld [smem:$0x3F9B]  }
0x1a: {  	s8 =	sadd.s32 $0xFFFFE003, lr  }
0x1b: {  	s9 =	sadd.s32 $0xFFFFFEF7, lr;
	s5 =	simm.s32 $0xFFFFFFFF;
	p2 =	slt.u32 s8, $0xFFFFF086  }
0x1c: {  	p1 =	slt.u32 s9, $0xF7A;
	s5 =	simm.s32 @!p2 $0x0  }
0x1d: {  	s5 =	simm.s32 @p1 $0x1;
	p0 =	seq.s32 s7, s2  }
0x1e: {  	s7 =	smul.u32 @!p0 $0xF7A, s2;
	p2 =	seq.s32 @!p0 s5, $0x0  }
0x1f: {  	s9 =	smul.u32 $0xF7A, s1;
	s8 =	simm.s32 @!p0 $0x1BF5;
	p2 =	por !p2, p0  }
0x20: {  	[sflag:s8] =	ssyncset.s32 @!p0 $0xFFFFF086;
	s6 =	sadd.s32 @!p0 s3, s7;
	s7 =	simm.s32 @!p0 $0x108  }
0x21: {  	s3 =	sadd.s32 s3, s9;
	s6 =	sadd.s32 @!p0 $0x88, s6;
	s7 =	simm.s32 @p2 $0x1082  }
0x22: {  	[simem:s7], [sflag:s8] =	dma.local @!p0 [hbm:s6], $0xF7A  }
0x23: {  	s9 =	sor.u32 $0xD0000000, s2;
	s6 =	simm.s32 $0x108;
	_ =	swait.ge @!p0 [sflag:s8], $0x0  }
0x24: {  	s3 =	sadd.s32 $0x88, s3;
	s6 =	simm.s32 @!p1 $0x1082;
	[sflag:s4] =	ssyncset.s32 $0xFFFFF086  }
0x25: {  	[simem:s6], [sflag:s4] =	dma.local [hbm:s3], $0xF7A  }
0x26: {  	[smem:$0x3F9B] =	sst s1;
	(tag) =	ssettag s2;
	_ =	strace s9  }
0x27: {  	s1 =	sld [smem:$0x3FAB]  }
0x28: {  	s2 =	sld [smem:$0x3FAC]  }
0x29: {  	s4 =	sld [smem:$0x3FAE]  }
0x2a: {  	p0 =	seq.s32 s5, $0x0;
	s5 =	sld [smem:$0x3FAF]  }
0x2b: {  	s6 =	sld [smem:$0x3FB0]  }
0x2c: {  	s7 =	sld [smem:$0x3FB1]  }
0x2d: {  	s3 =	simm.s32 $0x108;
	s8 =	sld [smem:$0x3FB2]  }
0x2e: {  	s3 =	simm.s32 @!p0 $0x1082;
	s9 =	sld [smem:$0x3FB3]  }
0x2f: {  	lr =	sadd.s32 s0, s3;
	s0 =	sld [smem:$0x3FAA]  }
0x30: {  	s3 =	sld [smem:$0x3FAD]  }
0x31: {  	[smem:$0x3FB6] =	sst s10  }
0x32: {  	s10 =	sld [smem:$0x3FB4];
	_ =	sdelay $0x3  }
0x33: {  	p0 =	seq.s32 s10, $0x1;
	s10 =	sld [smem:$0x3FB6];
	_ =	sdelay $0x3  }
0x34: {  	[smem:$0x3FB6] =	sst s10  }
0x35: {  	s10 =	sld [smem:$0x3FB5];
	_ =	sdelay $0x3  }
0x36: {  	p1 =	seq.s32 s10, $0x1;
	s10 =	sld [smem:$0x3FB6];
	_ =	sdelay $0x3  }
0x37: {  	[smem:$0x3FB6] =	sst s10  }
0x38: {  	s10 =	sld [smem:$0x3FB7]  }
0x39: {  	_ = 	snop;
	(pc) =	sbr.ind lr, $3  }
0x3a: {  	_ = 	snop  }
0x3b: {  	_ = 	snop  }
0x3c: {  	p2 =	seq.s32 s10, $0x1;
	s10 =	sld [smem:$0x3FB6]  }
0x3d: {  	_ =	shalt  }
0x3e: {  	_ =	shalt  }
0x3f: {  	_ =	shalt  }
0x40: {  	_ =	shalt  }
0x41: {  	_ =	shalt  }
0x42: {  	_ =	shalt  }
0x43: {  	_ =	shalt  }
0x44: {  	_ =	shalt  }
0x45: {  	_ =	shalt  }
0x46: {  	_ =	shalt  }
0x47: {  	_ =	shalt  }
0x48: {  	_ =	shalt  }
0x49: {  	_ =	shalt  }
0x4a: {  	_ =	shalt  }
0x4b: {  	_ =	shalt  }
0x4c: {  	_ =	shalt  }
0x4d: {  	_ =	shalt  }
0x4e: {  	_ =	shalt  }
0x4f: {  	_ =	shalt  }
0x50: {  	_ =	shalt  }
0x51: {  	_ =	shalt  }
0x52: {  	_ =	shalt  }
0x53: {  	_ =	shalt  }
0x54: {  	_ =	shalt  }
0x55: {  	_ =	shalt  }
0x56: {  	_ =	shalt  }
0x57: {  	_ =	shalt  }
0x58: {  	_ =	shalt  }
0x59: {  	_ =	shalt  }
0x5a: {  	_ =	shalt  }
0x5b: {  	_ =	shalt  }
0x5c: {  	_ =	shalt  }
0x5d: {  	_ =	shalt  }
0x5e: {  	_ =	shalt  }
0x5f: {  	_ =	shalt  }
0x60: {  	_ =	shalt  }
0x61: {  	_ =	shalt  }
0x62: {  	_ =	shalt  }
0x63: {  	_ =	shalt  }
0x64: {  	_ =	shalt  }
0x65: {  	_ =	shalt  }
0x66: {  	_ =	shalt  }
0x67: {  	_ =	shalt  }
0x68: {  	_ =	shalt  }
0x69: {  	_ =	shalt  }
0x6a: {  	_ =	shalt  }
0x6b: {  	_ =	shalt  }
0x6c: {  	_ =	shalt  }
0x6d: {  	_ =	shalt  }
0x6e: {  	_ =	shalt  }
0x6f: {  	_ =	shalt  }
0x70: {  	_ =	shalt  }
0x71: {  	_ =	shalt  }
0x72: {  	_ =	shalt  }
0x73: {  	_ =	shalt  }
0x74: {  	_ =	shalt  }
0x75: {  	_ =	shalt  }
0x76: {  	_ =	shalt  }
0x77: {  	_ =	shalt  }
0x78: {  	_ =	shalt  }
0x79: {  	_ =	shalt  }
0x7a: {  	_ =	shalt  }
0x7b: {  	_ =	shalt  }
0x7c: {  	_ =	shalt  }
0x7d: {  	_ =	shalt  }
0x7e: {  	_ =	shalt  }
0x7f: {  	_ =	shalt  }
0x80: {  	_ =	shalt  }
0x81: {  	_ =	shalt  }
0x82: {  	_ =	shalt  }
0x83: {  	_ =	shalt  }
0x84: {  	_ =	shalt  }
0x85: {  	_ =	shalt  }
0x86: {  	_ =	shalt  }
0x87: {  	_ =	shalt  }
.Lfunc_end0:
.L_simem_size_0:
called_computation.1_lowered:
.L_overlay_start_0:
0x88: {  	s2 =	sld [smem:$0x3FD9]  }
0x89: {  	s3 =	sld [smem:$0x3FFE];
	_ =	sdelay $0x1  }
0x8a: {  	s1 =	srdreg.scid  }
0x8b: {  	s0 =	sand.u32 $0x1, s1  }
0x8c: {  	s17 =	sshll.u32 s0, $0xA;
	s2 =	sadd.s32 s3, s2  }
0x8d: {  	s2 =	sadd.s32 s2, s17  }
0x8e: {  	[smem:$0x3FC2] =	sst s2  }
0x8f: {  	_ = 	snop  }
0x90: {  	s2 =	sld [smem:$0x3FD0];
	(tm) =	ssettm $0x1  }
0x91: {  	s18 =	sld [smem:$0x3FFB];
	_ =	sdelay $0x3  }
0x92: {  	_ =	strace s18  }
0x93: {  	s3 =	sld [smem:$0x3FFC];
	_ =	sdelay $0x3  }
0x94: {  	_ =	strace s3  }
0x95: {  	s3 =	sld [smem:$0x3FFD];
	_ =	sdelay $0x3  }
0x96: {  	_ =	strace s3  }
0x97: {  	_ =	strace $0x8FFFFFFF  }
0x98: {  	s19 =	sld [smem:$0x3FDB];
	_ =	sdelay $0x1  }
0x99: {  	s4 =	simm.s32 $_scs_section_size  }
0x9a: {  	s5 =	simm.s32 $_size__tile_overlayer_lowered;
	s6 =	simm.s32 $_tile_overlayer_lowered  }
0x9b: {  	s22 =	simm.s32 $0x1BFF;
	s21 =	sshll.u32 s6, $0x1;
	s3 =	sadd.s32 s4, s19  }
0x9c: {  	s7 =	simm.s32 $0x0;
	s20 =	sshll.u32 s5, $0x1;
	s5 =	sadd.s32 s21, s3  }
0x9d: {  	[timem:s7], [sflag:s22] =	dma.local [hbm:s5], s20  }
0x9e: {  	_ =	swait.ge [sflag:s22], s20  }
0x9f: {  	s4 =	ssub.s32 $0x0, s20;
	[sflag:s22] =	ssyncset.done $0x0  }
0xa0: {  	[sflag:s22] =	ssyncadd.s32 s4;
	_ =	sdelay $0x1  }
0xa1: {  	s23 =	simm.s32 $0x1B8B  }
0xa2: {  	_ =	swait.ge [sflag:s23], $0x1  }
0xa3: {  	[sflag:s23] =	ssyncset.done $0x0  }
0xa4: {  	s25 =	simm.s32 $0x1B8E;
	s24 =	sld [smem:$0x3FFE];
	[sflag:s23] =	ssyncadd.s32 $0xFFFFFFFF  }
0xa5: {  	s26 =	simm.s32 $execute0_lowered;
	[smem:$0x3FD2] =	sst s25  }
0xa6: {  	s5 =	sshll.u32 s26, $0x1;
	_ =	strace $0x80000049;
	[dreg:$0x1] =	wrdreg $0xFFFFFFFF  }
0xa7: {  	s28 =	simm.s32 $_size_execute0_lowered;
	s3 =	sadd.s32 s3, s5;
	[dreg:$0x0] =	wrdreg $0x0  }
0xa8: {  	s5 =	sshll.u32 s28, $0x1;
	[dreg:$0x2] =	wrdreg s3  }
0xa9: {  	[dreg:$0x3] =	wrdreg s5  }
0xaa: {  	[dreg:$0x4] =	wrdreg $0xC0  }
0xab: {  	_ =	task [dreg:s7], $0x5FFFF  }
0xac: {  	[dreg:$0x1] =	wrdreg $0xFFFFFFFF  }
0xad: {  	[dreg:$0x0] =	wrdreg $0x60  }
0xae: {  	[dreg:$0x2] =	wrdreg s2  }
0xaf: {  	[dreg:$0x3] =	wrdreg s24  }
0xb0: {  	[dreg:$0x4] =	wrdreg $0xB0000  }
0xb1: {  	[dreg:$0x5] =	wrdreg $0x9  }
0xb2: {  	_ =	task.clear_ibuf [dreg:s7], $0x6FFFF;
	_ =	strace $0x90000049  }
0xb3: {  	s29 =	simm.s32 $0x9;
	_ =	strace $0x8000004B  }
0xb4: {  	_ =	swait.ge [sflag:s29], $0x1  }
0xb5: {  	[sflag:s29] =	ssyncadd.s32 $0xFFFFFFFF  }
0xb6: {  	_ =	strace $0x9000004B  }
0xb7: {  	_ =	sfence  }
0xb8: {  	s30 =	sld [smem:$0x0];
	_ =	sdelay $0x2  }
0xb9: {  	s31 =	sshll.u32 s1, $0xD;
	s1 =	sshrl.u32 s1, $0x2  }
0xba: {  	s3 =	sand.u32 $0x4000, s31;
	s1 =	sadd.s32 s1, s30  }
0xbb: {  	s0 =	sor.u32 s3, s0;
	s1 =	sshll.u32 s1, $0x11  }
0xbc: {  	s0 =	sor.u32 s1, s0  }
0xbd: {  	s0 =	sadd.s32 $0x8F2B, s0  }
0xbe: {  	[sflag:s0] =	ssyncadd.remote.s32 $0x1  }
0xbf: {  	_ =	sfence.sel $0xFFFF  }
0xc0: {  	[dreg:$0x0] =	wrdreg $0xFFFFFFFF;
	(pc) =	sbr.abs _section_cstart, $3  }
0xc1: {  	[dreg:$0x1] =	wrdreg $0xFFFFFFFF  }
0xc2: {  	_ =	task.clear_ibuf [dreg:s7], $0x2FFFF;
	_ =	strace $0x9FFFFFFF  }
0xc3: {  	(tm) =	ssettm $0x7FFFFFFF  }
tec
execute0_lowered:
.L_overlay_start_1:
0x0: {  	(tag) =	ssettag $0x1  }
0x1: {  	s1 =	rddreg [dreg:$0x0]  }
0x2: {  	s0 =	rddreg [dreg:$0x1]  }
0x3: {  	s2 =	rddreg [dreg:$0x2];
	s4 =	simm.s32 $0x0;
	s10 =	stileid.u32  }
0x4: {  	s3 =	srdreg.scid;
	s28 =	simm.s32 $0x2;
	s29 =	simm.s32 $0x4  }
0x5: {  	s30 =	simm.s32 $0xF80;
	s31 =	simm.s32 $0x2F00;
	s7 =	smul.u32 $0x29000, s10  }
0x6: {  	[smem:$0x7FF] =	sst s4;
	s5 =	sadd.s32 $0x34A00, s0;
	s11 =	smul.u32 $0x140, s10  }
0x7: {  	s6 =	sadd.s32 $0x2A00, s0;
	s0 =	sadd.s32 $0xCA00, s0;
	s17 =	smul.u32 $0x28000, s10  }
0x8: {  	s3 =	sand.u32 $0x1, s3;
	s10 =	smul.u32 $0x5000, s10;
	_ =	strace $0x8000004A  }
0x9: {  	s8 =	ssub.s32 $0x2, s3;
	s3 =	smul.u32 $0x1400, s3;
	s7 =	sshrl.u32 s7, $0x2  }
0xa: {  	s9 =	sshrl.u32 s8, $0x1;
	s13 =	sadd.s32 $0x50, s11;
	s22 =	sadd.s32 $0xA0, s11  }
0xb: {  	s7 =	sadd.s32 s7, s2;
	s8 =	ssub.s32 s8, s9;
	s18 =	sadd.s32 s11, s3  }
0xc: {  	s9 =	sshrl.u32 s17, $0x2;
	s20 =	sadd.s32 s3, s13;
	s21 =	sshll.u32 s13, $0x7  }
0xd: {  	s23 =	sshll.u32 s22, $0x7;
	s24 =	sadd.s32 s3, s22;
	s11 =	sadd.s32 $0xF0, s11  }
0xe: {  	s22 =	simm.s32 $0x1000;
	s16 =	sadd.s32 $0x3C00, s7;
	s12 =	sadd.s32 $0x7800, s7  }
0xf: {  	s9 =	sadd.s32 s9, s2;
	s25 =	sshll.u32 s11, $0x7;
	[dreg:$0x4] =	wrdreg s16  }
0x10: {  	v0 =	vmov s3;
	s11 =	sadd.s32 s3, s11;
	s3 =	simm.s32 $0x0;
	[dreg:$0x5] =	wrdreg s12  }
0x11: {  	s12 =	sshll.u32 s18, $0x4;
	[dreg:$0x6] =	wrdreg s9;
	s9 =	sshll.u32 s20, $0x4  }
0x12: {  	s17 =	sadd.s32 s25, s2;
	s26 =	sshll.u32 s11, $0x4;
	s20 =	simm.s32 $0x3000  }
0x13: {  	s25 =	simm.s32 $0x1;
	s19 =	sadd.s32 s0, s12;
	s12 =	sadd.s32 s21, s2  }
0x14: {  	s9 =	sadd.s32 s0, s9;
	s18 =	sadd.s32 s0, s26;
	[dreg:$0x7] =	wrdreg s19  }
0x15: {  	s21 =	simm.s32 $0x5;
	s26 =	simm.s32 $0x3;
	[dreg:$0x8] =	wrdreg s12  }
0x16: {  	[dreg:$0x9] =	wrdreg s9;
	s9 =	sadd.s32 s23, s2;
	s19 =	smax.u32 s8, $0x1  }
0x17: {  	s23 =	simm.s32 $0x7D;
	[dreg:$0xa] =	wrdreg s9;
	s9 =	sshll.u32 s24, $0x4  }
0x18: {  	v1 =	vimm.f32 $0.0e+00;
	s24 =	simm.s32 $0x7000;
	s16 =	sadd.s32 s0, s9;
	s0 =	simm.s32 $0x2F80  }
.LBB2_1:
0x19: {  	s8 =	simm.s32 $0x0;
	s9 =	simm.s32 $0x200  }
.LBB2_2:
0x1a: {  	p0 =	sne.s32 s9, $0xF800;
	[tilespmem:s8+$0x3070] =	vst v1  }
0x1b: {  	[tilespmem:s8+$0x3000] =	vst v1  }
0x1c: {  	[tilespmem:s8+$0x3010] =	vst v1  }
.Ltmp0:
0x1d: {  	[tilespmem:s8+$0x3020] =	vst v1;
	(pc) =	sbr.rel @p0 .LBB2_2-.Ltmp0, $4  }
0x1e: {  	[tilespmem:s8+$0x3030] =	vst v1  }
0x1f: {  	[tilespmem:s8+$0x3040] =	vst v1  }
0x20: {  	[tilespmem:s8+$0x3050] =	vst v1  }
0x21: {  	[tilespmem:s8+$0x3060] =	vst v1;
	s8 =	sshra.s32 s9, $0x2;
	s9 =	sadd.s32 $0x200, s9  }
0x22: {  	[tilespmem:s8+$0x3070] =	vst v1  }
0x23: {  	[tilespmem:s8+$0x3000] =	vst v1  }
0x24: {  	[tilespmem:s8+$0x3010] =	vst v1  }
0x25: {  	[tilespmem:s8+$0x3020] =	vst v1  }
0x26: {  	[tilespmem:s8+$0x3030] =	vst v1  }
0x27: {  	[tilespmem:s8+$0x3040] =	vst v1  }
0x28: {  	[tilespmem:s8+$0x3050] =	vst v1  }
0x29: {  	[tilespmem:s8+$0x3060] =	vst v1  }
0x2a: {  	[spmem:s7] =	stream.linear.scatter [tilespmem:s20], [sflag:$0x5], $0x3C00, $0x38;
	[tilespmem:$0x15400] =	vst v63  }
0x2b: {  	_ =	swait.ge [sflag:s21], $0x3C00  }
0x2c: {  	[sflag:s21] =	ssyncset.done $0x0  }
0x2d: {  	s14 =	rddreg [dreg:$0x4];
	[sflag:s21] =	ssyncadd.s32 $0xFFFFC400  }
0x2e: {  	[spmem:s14] =	stream.linear.scatter [tilespmem:s20], [sflag:$0x5], $0x3C00, $0x38;
	[tilespmem:$0x15400] =	vst v63  }
0x2f: {  	_ =	swait.ge [sflag:s21], $0x3C00  }
0x30: {  	[sflag:s21] =	ssyncset.done $0x0  }
0x31: {  	s15 =	rddreg [dreg:$0x5];
	[sflag:s21] =	ssyncadd.s32 $0xFFFFC400  }
0x32: {  	[spmem:s15] =	stream.linear.scatter [tilespmem:s20], [sflag:$0x5], $0x2C00, $0x38;
	[tilespmem:$0x15400] =	vst v63  }
0x33: {  	_ =	swait.ge [sflag:s21], $0x2C00  }
0x34: {  	[sflag:s21] =	ssyncset.done $0x0  }
0x35: {  	[sflag:s21] =	ssyncadd.s32 $0xFFFFD400  }
0x36: {  	s8 =	simm.s32 $0x0;
	s9 =	simm.s32 $0x0;
	[bflag:$0x0] =	sbarrier.arrive $0xFFFF  }
.LBB2_4:
0x37: {  	s11 =	sshll.u32 s9, $0xC  }
0x38: {  	s11 =	sadd.s32 s10, s11  }
0x39: {  	s11 =	sshrl.u32 s11, $0x3  }
0x3a: {  	s12 =	sadd.s32 s5, s11  }
0x3b: {  	[tilespmem:s8], [sflag:$0x5] =	stream.linear.gather [hbm4b:s12+s8], $0x1000, $0x38;
	[tilespmem:$0x15400] =	vst v63  }
0x3c: {  	_ =	swait.ge [sflag:s21], $0x1000  }
0x3d: {  	[sflag:s21] =	ssyncset.done $0x0  }
0x3e: {  	s11 =	sadd.s32 s6, s11;
	[sflag:s21] =	ssyncadd.s32 $0xFFFFF000  }
0x3f: {  	[tilespmem:s22], [sflag:$0x5] =	stream.linear.gather [hbm4b:s11+s8], $0x1000, $0x38;
	[tilespmem:$0x15400] =	vst v63  }
0x40: {  	_ =	swait.ge [sflag:s21], $0x1000  }
0x41: {  	[sflag:s21] =	ssyncset.done $0x0  }
0x42: {  	s11 =	simm.s32 $0x0;
	[sflag:s21] =	ssyncadd.s32 $0xFFFFF000  }
0x43: {  	v2 =	vld [tilespmem:s11+$0x1060]  }
0x44: {  	v3 =	vld [tilespmem:s11+$0x106D]  }
0x45: {  	v4 =	vld [tilespmem:s11+$0x1000]  }
0x46: {  	v6 =	vld [tilespmem:s11+$0x1010]  }
0x47: {  	v7 =	vld [tilespmem:s11+$0x1020]  }
0x48: {  	v8 =	vld [tilespmem:s11+$0x1030];
	_ =	sdelay $0x1  }
0x49: {  	v11 =	vld [tilespmem:s11+$0x1050];
	v5 =	vsub.s32 v2, v0;
	v2 =	vand.u32 $0x7F, v2;
	v10 =	vsub.s32 v3, v0  }
0x4a: {  	v9 =	vld [tilespmem:s11+$0x1040];
	v3 =	vand.u32 $0x7F, v3;
	v13 =	vand.u32 $0x7F, v4;
	v15 =	vand.u32 $0x7F, v6  }
0x4b: {  	v16 =	vand.u32 $0x7F, v7;
	vm0 =	vlt.u32 v5, $0x1400;
	v2 =	vor.u32 $0x1400, v2  }
0x4c: {  	v17 =	vand.u32 $0x7F, v8;
	v12 =	vsel vm0, v5, v2;
	vm0 =	vlt.u32 v10, $0x1400  }
0x4d: {  	v2 =	vor.u32 $0x1400, v3;
	v3 =	vsub.s32 v4, v0;
	v5 =	vsub.s32 v6, v0  }
0x4e: {  	v4 =	vsub.s32 v8, v0;
	v6 =	vsub.s32 v11, v0;
	v11 =	vand.u32 $0x7F, v11  }
0x4f: {  	v14 =	vsel vm0, v10, v2;
	v2 =	vsub.s32 v7, v0;
	[tilespmem:s11+$0x2060] =	vst v12;
	v7 =	vsub.s32 v9, v0  }
0x50: {  	s12 =	simm.s32 $0x80;
	v10 =	vand.u32 $0x7F, v9;
	vm1 =	vlt.u32 v3, $0x1400;
	v12 =	vor.u32 $0x1400, v13;
	[tilespmem:s11+$0x206D] =	vst v14  }
0x51: {  	vm2 =	vlt.u32 v5, $0x1400;
	v13 =	vor.u32 $0x1400, v15;
	vm3 =	vlt.u32 v4, $0x1400;
	v9 =	vld [tilespmem:s12+$0x1060]  }
0x52: {  	s13 =	simm.s32 $0x400;
	v15 =	vor.u32 $0x1400, v17;
	vm0 =	vlt.u32 v2, $0x1400;
	v14 =	vor.u32 $0x1400, v16;
	v8 =	vld [tilespmem:s12+$0x106D]  }
.LBB2_5:
0x53: {  	p0 =	sne.s32 s13, $0x3E00;
	v16 =	vld [tilespmem:s12+$0x1000];
	vm4 =	vlt.u32 v7, $0x1400;
	v10 =	vor.u32 $0x1400, v10;
	vm5 =	vlt.u32 v6, $0x1400  }
0x54: {  	v3 =	vsel vm1, v3, v12;
	v5 =	vsel vm2, v5, v13;
	v11 =	vor.u32 $0x1400, v11;
	v17 =	vld [tilespmem:s12+$0x1010]  }
0x55: {  	v2 =	vsel vm0, v2, v14;
	v12 =	vld [tilespmem:s12+$0x1020];
	[tilespmem:s11+$0x2000] =	vst v3;
	v3 =	vsel vm3, v4, v15;
	v4 =	vsel vm4, v7, v10  }
0x56: {  	v6 =	vsel vm5, v6, v11;
	v7 =	vld [tilespmem:s12+$0x1030];
	[tilespmem:s11+$0x2010] =	vst v5  }
0x57: {  	v5 =	vsub.s32 v9, v0;
	v9 =	vand.u32 $0x7F, v9;
	v10 =	vld [tilespmem:s12+$0x1040];
	v11 =	vsub.s32 v8, v0;
	[tilespmem:s11+$0x2020] =	vst v2  }
0x58: {  	vm0 =	vlt.u32 v5, $0x1400;
	v2 =	vor.u32 $0x1400, v9;
	v8 =	vand.u32 $0x7F, v8;
	v13 =	vld [tilespmem:s12+$0x1050];
	[tilespmem:s11+$0x2030] =	vst v3  }
0x59: {  	v2 =	vsel vm0, v5, v2;
	vm0 =	vlt.u32 v11, $0x1400;
	v5 =	vor.u32 $0x1400, v8;
	[tilespmem:s11+$0x2040] =	vst v4  }
0x5a: {  	v3 =	vsub.s32 v16, v0;
	v8 =	vand.u32 $0x7F, v16;
	v4 =	vsel vm0, v11, v5;
	[tilespmem:s12+$0x2060] =	vst v2  }
0x5b: {  	v5 =	vsub.s32 v17, v0;
	v14 =	vand.u32 $0x7F, v17;
	v2 =	vsub.s32 v12, v0;
	[tilespmem:s12+$0x206D] =	vst v4  }
.Ltmp1:
0x5c: {  	v15 =	vand.u32 $0x7F, v12;
	v4 =	vsub.s32 v7, v0;
	v16 =	vand.u32 $0x7F, v7;
	[tilespmem:s11+$0x2050] =	vst v6;
	s11 =	smov.u32 s12;
	(pc) =	sbr.rel @p0 .LBB2_5-.Ltmp1, $4  }
0x5d: {  	v7 =	vsub.s32 v10, v0;
	v10 =	vand.u32 $0x7F, v10;
	v6 =	vsub.s32 v13, v0  }
0x5e: {  	vm1 =	vlt.u32 v3, $0x1400;
	v12 =	vor.u32 $0x1400, v8;
	s12 =	sshra.s32 s13, $0x2;
	v11 =	vand.u32 $0x7F, v13  }
0x5f: {  	vm2 =	vlt.u32 v5, $0x1400;
	vm0 =	vlt.u32 v2, $0x1400;
	v13 =	vor.u32 $0x1400, v14;
	v9 =	vld [tilespmem:s12+$0x1060]  }
0x60: {  	s13 =	sadd.s32 $0x200, s13;
	vm3 =	vlt.u32 v4, $0x1400;
	v14 =	vor.u32 $0x1400, v15;
	v15 =	vor.u32 $0x1400, v16;
	v8 =	vld [tilespmem:s12+$0x106D]  }
0x61: {  	v16 =	vld [tilespmem:s12+$0x1000];
	v3 =	vsel vm1, v3, v12  }
0x62: {  	v17 =	vld [tilespmem:s12+$0x1010];
	vm6 =	vlt.u32 v7, $0x1400;
	v5 =	vsel vm2, v5, v13;
	vm7 =	vlt.u32 v6, $0x1400  }
0x63: {  	v44 =	vld [tilespmem:s12+$0x1020];
	v11 =	vor.u32 $0x1400, v11;
	v2 =	vsel vm0, v2, v14;
	[tilespmem:s11+$0x2000] =	vst v3;
	v3 =	vor.u32 $0x1400, v10  }
0x64: {  	v4 =	vsel vm3, v4, v15;
	v46 =	vsel vm7, v6, v11;
	v3 =	vsel vm6, v7, v3  }
0x65: {  	v48 =	vsub.s32 v9, v0;
	v49 =	vand.u32 $0x7F, v9;
	v50 =	vsub.s32 v8, v0  }
0x66: {  	vm8 =	vlt.u32 v48, $0x1400;
	v9 =	vor.u32 $0x1400, v49;
	v51 =	vand.u32 $0x7F, v8  }
0x67: {  	v45 =	vld [tilespmem:s12+$0x1030];
	[tilespmem:s11+$0x2010] =	vst v5;
	v7 =	vsel vm8, v48, v9;
	vm9 =	vlt.u32 v50, $0x1400;
	v8 =	vor.u32 $0x1400, v51  }
0x68: {  	v47 =	vld [tilespmem:s12+$0x1040];
	[tilespmem:s11+$0x2020] =	vst v2;
	v52 =	vsub.s32 v16, v0;
	v53 =	vand.u32 $0x7F, v16;
	v54 =	vsub.s32 v17, v0  }
0x69: {  	v2 =	vld [tilespmem:s12+$0x1050];
	[tilespmem:s11+$0x2040] =	vst v3;
	v55 =	vand.u32 $0x7F, v17;
	v56 =	vsub.s32 v44, v0;
	v3 =	vand.u32 $0x7F, v44  }
0x6a: {  	[tilespmem:s11+$0x2030] =	vst v4;
	v8 =	vsel vm9, v50, v8;
	vm10 =	vlt.u32 v52, $0x1400;
	v60 =	vor.u32 $0x1400, v53  }
0x6b: {  	[tilespmem:s12+$0x2060] =	vst v7;
	vm11 =	vlt.u32 v54, $0x1400;
	v61 =	vor.u32 $0x1400, v55;
	vm12 =	vlt.u32 v56, $0x1400  }
0x6c: {  	v3 =	vor.u32 $0x1400, v3;
	v57 =	vsub.s32 v45, v0;
	v10 =	vand.u32 $0x7F, v45;
	[tilespmem:s12+$0x206D] =	vst v8  }
0x6d: {  	v8 =	vsel vm10, v52, v60;
	v4 =	vsel vm11, v54, v61;
	v3 =	vsel vm12, v56, v3;
	[tilespmem:s11+$0x2050] =	vst v46  }
0x6e: {  	v58 =	vsub.s32 v47, v0;
	v6 =	vand.u32 $0x7F, v47;
	vm13 =	vlt.u32 v57, $0x1400;
	[tilespmem:s12+$0x2000] =	vst v8  }
0x6f: {  	v62 =	vor.u32 $0x1400, v10;
	v59 =	vsub.s32 v2, v0;
	v2 =	vand.u32 $0x7F, v2;
	[tilespmem:s12+$0x2010] =	vst v4  }
0x70: {  	vm14 =	vlt.u32 v58, $0x1400;
	v63 =	vor.u32 $0x1400, v6;
	v5 =	vsel vm13, v57, v62;
	[tilespmem:s12+$0x2020] =	vst v3  }
0x71: {  	vm15 =	vlt.u32 v59, $0x1400;
	v2 =	vor.u32 $0x1400, v2;
	v3 =	vsel vm14, v58, v63;
	[tilespmem:s12+$0x2030] =	vst v5  }
0x72: {  	v2 =	vsel vm15, v59, v2;
	[tilespmem:s12+$0x2040] =	vst v3  }
0x73: {  	s15 =	simm.s32 $0x0;
	[tilespmem:s12+$0x2050] =	vst v2  }
0x74: {  	[tilespmem:s20], [sflag:$0x1] =	stream.indirect.gather [hbm4b:s1+s23], $0x80, s15, s23, $0xb8;
	[tilespmem:$0x15400] =	vst v63  }
0x75: {  	s12 =	simm.s32 $0x80  }
0x76: {  	[tilespmem:s24], [sflag:$0x2] =	stream.indirect.gather [hbm4b:s1+s23], $0x80, s12, s23, $0xb8;
	[tilespmem:$0x15400] =	vst v63  }
0x77: {  	_ =	swait.ge [sflag:s25], $0x3E80  }
0x78: {  	[sflag:s25] =	ssyncset.done $0x0  }
0x79: {  	s13 =	simm.s32 $0x2000;
	[sflag:s25] =	ssyncadd.s32 $0xFFFFC180  }
0x7a: {  	[spmem:s2] =	stream.indirect.scatter.add.f32 [tilespmem:s20], [sflag:$0x3], $0x80, s13, s23, $0xb8;
	[tilespmem:$0x15400] =	vst v63  }
0x7b: {  	_ =	swait.ge [sflag:s26], $0x3E80  }
0x7c: {  	[sflag:s26] =	ssyncset.done $0x0  }
0x7d: {  	s14 =	simm.s32 $0x100;
	[sflag:s26] =	ssyncadd.s32 $0xFFFFC180  }
0x7e: {  	[tilespmem:s20], [sflag:$0x1] =	stream.indirect.gather [hbm4b:s1+s23], $0x80, s14, s23, $0xb8;
	[tilespmem:$0x15400] =	vst v63  }
0x7f: {  	_ =	swait.ge [sflag:s28], $0x3E80  }
0x80: {  	[sflag:s28] =	ssyncset.done $0x0  }
0x81: {  	s15 =	simm.s32 $0x2080;
	[sflag:s28] =	ssyncadd.s32 $0xFFFFC180  }
0x82: {  	[spmem:s2] =	stream.indirect.scatter.add.f32 [tilespmem:s24], [sflag:$0x4], $0x80, s15, s23, $0xb8;
	[tilespmem:$0x15400] =	vst v63  }
0x83: {  	_ =	swait.ge [sflag:s29], $0x3E80  }
0x84: {  	s11 =	simm.s32 $0x100;
	s12 =	simm.s32 $0x800;
	[sflag:s29] =	ssyncset.done $0x0  }
.LBB2_7:
0x85: {  	s13 =	sadd.s32 $0x80, s11  }
0x86: {  	[sflag:s29] =	ssyncadd.s32 $0xFFFFC180;
	s14 =	smov.u32 s12;
	s15 =	sadd.s32 $0x400, s12  }
0x87: {  	[tilespmem:s24], [sflag:$0x2] =	stream.indirect.gather [hbm4b:s1+s23], $0x80, s13, s23, $0xb8;
	[tilespmem:$0x15400] =	vst v63  }
0x88: {  	p0 =	sne.s32 s12, $0x3800;
	_ =	swait.ge [sflag:s25], $0x3E80  }
0x89: {  	[sflag:s25] =	ssyncset.done $0x0  }
0x8a: {  	s12 =	sadd.s32 $0x2000, s11;
	[sflag:s25] =	ssyncadd.s32 $0xFFFFC180  }
0x8b: {  	[spmem:s2] =	stream.indirect.scatter.add.f32 [tilespmem:s20], [sflag:$0x3], $0x80, s12, s23, $0xb8;
	[tilespmem:$0x15400] =	vst v63  }
0x8c: {  	_ =	swait.ge [sflag:s26], $0x3E80  }
0x8d: {  	[sflag:s26] =	ssyncset.done $0x0  }
0x8e: {  	s12 =	sadd.s32 $0x100, s11;
	[sflag:s26] =	ssyncadd.s32 $0xFFFFC180  }
0x8f: {  	[tilespmem:s20], [sflag:$0x1] =	stream.indirect.gather [hbm4b:s1+s23], $0x80, s12, s23, $0xb8;
	[tilespmem:$0x15400] =	vst v63  }
0x90: {  	_ =	swait.ge [sflag:s28], $0x3E80  }
.Ltmp2:
0x91: {  	[sflag:s28] =	ssyncset.done $0x0;
	(pc) =	sbr.rel @p0 .LBB2_7-.Ltmp2, $4  }
0x92: {  	s11 =	sadd.s32 $0x2080, s11;
	[sflag:s28] =	ssyncadd.s32 $0xFFFFC180  }
0x93: {  	[spmem:s2] =	stream.indirect.scatter.add.f32 [tilespmem:s24], [sflag:$0x4], $0x80, s11, s23, $0xb8;
	[tilespmem:$0x15400] =	vst v63  }
0x94: {  	_ =	swait.ge [sflag:s29], $0x3E80  }
0x95: {  	s12 =	smov.u32 s15;
	s11 =	sshra.s32 s14, $0x2;
	[sflag:s29] =	ssyncset.done $0x0  }
0x96: {  	s12 =	sadd.s32 $0x80, s11;
	[sflag:s29] =	ssyncadd.s32 $0xFFFFC180  }
0x97: {  	[tilespmem:s24], [sflag:$0x2] =	stream.indirect.gather [hbm4b:s1+s23], $0x80, s12, s23, $0xb8;
	[tilespmem:$0x15400] =	vst v63  }
0x98: {  	_ =	swait.ge [sflag:s25], $0x3E80  }
0x99: {  	[sflag:s25] =	ssyncset.done $0x0  }
0x9a: {  	s13 =	sadd.s32 $0x2000, s11;
	[sflag:s25] =	ssyncadd.s32 $0xFFFFC180  }
0x9b: {  	[spmem:s2] =	stream.indirect.scatter.add.f32 [tilespmem:s20], [sflag:$0x3], $0x80, s13, s23, $0xb8;
	[tilespmem:$0x15400] =	vst v63  }
0x9c: {  	_ =	swait.ge [sflag:s26], $0x3E80  }
0x9d: {  	[sflag:s26] =	ssyncset.done $0x0  }
0x9e: {  	s14 =	sadd.s32 $0x100, s11;
	[sflag:s26] =	ssyncadd.s32 $0xFFFFC180  }
0x9f: {  	[tilespmem:s20], [sflag:$0x1] =	stream.indirect.gather [hbm4b:s1+s23], $0x80, s14, s23, $0xb8;
	[tilespmem:$0x15400] =	vst v63  }
0xa0: {  	_ =	swait.ge [sflag:s28], $0x3E80  }
0xa1: {  	[sflag:s28] =	ssyncset.done $0x0  }
0xa2: {  	s15 =	sadd.s32 $0x2080, s11;
	[sflag:s28] =	ssyncadd.s32 $0xFFFFC180  }
0xa3: {  	[spmem:s2] =	stream.indirect.scatter.add.f32 [tilespmem:s24], [sflag:$0x4], $0x80, s15, s23, $0xb8;
	[tilespmem:$0x15400] =	vst v63  }
0xa4: {  	_ =	swait.ge [sflag:s29], $0x3E80  }
0xa5: {  	[sflag:s29] =	ssyncset.done $0x0  }
0xa6: {  	[sflag:s29] =	ssyncadd.s32 $0xFFFFC180  }
0xa7: {  	[tilespmem:s24], [sflag:$0x2] =	stream.indirect.gather [hbm4b:s1+s23], $0x80, s30, s23, $0xb8;
	[tilespmem:$0x15400] =	vst v63  }
0xa8: {  	_ =	swait.ge [sflag:s25], $0x3E80  }
0xa9: {  	[sflag:s25] =	ssyncset.done $0x0  }
0xaa: {  	[sflag:s25] =	ssyncadd.s32 $0xFFFFC180  }
0xab: {  	[spmem:s2] =	stream.indirect.scatter.add.f32 [tilespmem:s20], [sflag:$0x3], $0x80, s31, s23, $0xb8;
	[tilespmem:$0x15400] =	vst v63  }
0xac: {  	_ =	swait.ge [sflag:s28], $0x3E80  }
0xad: {  	[sflag:s28] =	ssyncset.done $0x0  }
0xae: {  	s9 =	sadd.s32 $0x1, s9;
	[sflag:s28] =	ssyncadd.s32 $0xFFFFC180  }
0xaf: {  	[spmem:s2] =	stream.indirect.scatter.add.f32 [tilespmem:s24], [sflag:$0x4], $0x80, s0, s23, $0xb8;
	[tilespmem:$0x15400] =	vst v63  }
0xb0: {  	p0 =	sne.s32 s9, $0x5;
	_ =	swait.ge [sflag:s26], $0x3E80  }
.Ltmp3:
0xb1: {  	[sflag:s26] =	ssyncset.done $0x0;
	(pc) =	sbr.rel @p0 .LBB2_4-.Ltmp3, $4  }
0xb2: {  	[sflag:s26] =	ssyncadd.s32 $0xFFFFC180  }
0xb3: {  	_ =	swait.ge [sflag:s29], $0x3E80  }
0xb4: {  	[sflag:s29] =	ssyncset.done $0x0  }
0xb5: {  	[sflag:s29] =	ssyncadd.s32 $0xFFFFC180  }
0xb6: {  	[bflag:$0x0] =	sbarrier.arrive $0xFFFF  }
0xb7: {  	s8 =	rddreg [dreg:$0x6]  }
0xb8: {  	[tilespmem:s20], [sflag:$0x5] =	stream.linear.gather [spmem:s8], $0x2800, $0x38;
	[tilespmem:$0x15400] =	vst v63  }
0xb9: {  	_ =	swait.ge [sflag:s21], $0x2800  }
0xba: {  	[sflag:s21] =	ssyncset.done $0x0  }
0xbb: {  	s12 =	rddreg [dreg:$0x7];
	[sflag:s21] =	ssyncadd.s32 $0xFFFFD800  }
0xbc: {  	[hbm4b:s12+s4] =	stream.linear.scatter [tilespmem:s20], [sflag:$0x5], $0x2800, $0x38;
	[tilespmem:$0x15400] =	vst v63  }
0xbd: {  	_ =	swait.ge [sflag:s21], $0x2800  }
0xbe: {  	[sflag:s21] =	ssyncset.done $0x0  }
0xbf: {  	s13 =	rddreg [dreg:$0x8];
	[sflag:s21] =	ssyncadd.s32 $0xFFFFD800  }
0xc0: {  	[tilespmem:s20], [sflag:$0x5] =	stream.linear.gather [spmem:s13], $0x2800, $0x38;
	[tilespmem:$0x15400] =	vst v63  }
0xc1: {  	_ =	swait.ge [sflag:s21], $0x2800  }
0xc2: {  	[sflag:s21] =	ssyncset.done $0x0  }
0xc3: {  	s14 =	rddreg [dreg:$0x9];
	[sflag:s21] =	ssyncadd.s32 $0xFFFFD800  }
0xc4: {  	[hbm4b:s14+s4] =	stream.linear.scatter [tilespmem:s20], [sflag:$0x5], $0x2800, $0x38;
	[tilespmem:$0x15400] =	vst v63  }
0xc5: {  	_ =	swait.ge [sflag:s21], $0x2800  }
0xc6: {  	[sflag:s21] =	ssyncset.done $0x0  }
0xc7: {  	s15 =	rddreg [dreg:$0xa];
	[sflag:s21] =	ssyncadd.s32 $0xFFFFD800  }
0xc8: {  	[tilespmem:s20], [sflag:$0x5] =	stream.linear.gather [spmem:s15], $0x2800, $0x38;
	[tilespmem:$0x15400] =	vst v63  }
0xc9: {  	_ =	swait.ge [sflag:s21], $0x2800  }
0xca: {  	[sflag:s21] =	ssyncset.done $0x0  }
0xcb: {  	[sflag:s21] =	ssyncadd.s32 $0xFFFFD800  }
0xcc: {  	[hbm4b:s16+s4] =	stream.linear.scatter [tilespmem:s20], [sflag:$0x5], $0x2800, $0x38;
	[tilespmem:$0x15400] =	vst v63  }
0xcd: {  	_ =	swait.ge [sflag:s21], $0x2800  }
0xce: {  	[sflag:s21] =	ssyncset.done $0x0  }
0xcf: {  	[sflag:s21] =	ssyncadd.s32 $0xFFFFD800  }
0xd0: {  	[tilespmem:s20], [sflag:$0x5] =	stream.linear.gather [spmem:s17], $0x2800, $0x38;
	[tilespmem:$0x15400] =	vst v63  }
0xd1: {  	s3 =	sadd.s32 $0x1, s3;
	_ =	swait.ge [sflag:s21], $0x2800  }
0xd2: {  	p0 =	sne.s32 s3, s19;
	[sflag:s21] =	ssyncset.done $0x0  }
.Ltmp4:
0xd3: {  	[sflag:s21] =	ssyncadd.s32 $0xFFFFD800;
	(pc) =	sbr.rel @p0 .LBB2_1-.Ltmp4, $4  }
0xd4: {  	[hbm4b:s18+s4] =	stream.linear.scatter [tilespmem:s20], [sflag:$0x5], $0x2800, $0x38;
	[tilespmem:$0x15400] =	vst v63  }
0xd5: {  	_ =	swait.ge [sflag:s21], $0x2800  }
0xd6: {  	[sflag:s21] =	ssyncset.done $0x0  }
0xd7: {  	[sflag:s21] =	ssyncadd.s32 $0xFFFFD800  }
0xd8: {  	_ =	sfence.sel $0x180000  }
0xd9: {  	[bflag:$0x0] =	sbarrier.arrive $0xFFFF  }
0xda: {  	_ =	strace $0x9000004A  }
0xdb: {  	s0 =	stileid.u32;
	[bflag:$0x2] =	sbarrier.arrive $0xFFFF  }
0xdc: {  	p0 =	sne.s32 s0, $0x0;
	s0 =	rddreg [dreg:$0x3]  }
0xdd: {  	s0 =	sadd.s32 @!p0 $0x100000, s0  }
0xde: {  	[sflag:s0] =	ssyncadd.tile.s32 @!p0 $0x1;
	_ =	shalt  }
.Lfunc_end2:
_tile_overlayer_lowered:
.L_overlay_start_2:
0xdf: {  	(tag) =	ssettag $0x2  }
0xe0: {  	s0 =	rddreg [dreg:$0x0];
	s2 =	stileid.u32  }
0xe1: {  	s1 =	rddreg [dreg:$0x1];
	p0 =	sne.s32 s2, $0x0  }
0xe2: {  	s3 =	rddreg [dreg:$0x2];
	[bflag:$0x3] =	sbarrier.arrive $0xFFFF;
	s2 =	simm.s32 @!p0 $0x1C05  }
0xe3: {  	[timem:s3], [sflag:s2] =	dma.local @!p0 [hbm:s0], s1  }
0xe4: {  	s0 =	simm.s32 @!p0 $0x5  }
0xe5: {  	_ =	swait.ge @!p0 [sflag:s0], s1  }
0xe6: {  	s1 =	ssub.s32 @!p0 $0x0, s1;
	[sflag:s0] =	ssyncset.done @!p0 $0x0  }
0xe7: {  	[sflag:s0] =	ssyncadd.s32 @!p0 s1  }
0xe8: {  	[bflag:$0x3] =	sbarrier.arrive $0xFFFF  }
0xe9: {  	_ =	shalt  }

// kernel: kernel.14.cloned.1.call-start
scs
__scs_entry_jumppad:
0x0: {  	(pc) =	sbr.rel $0x88, $3  }
0x1: {  	(tag) =	ssettag $0x0;
	lr =	simm.s32 $0x1  }
0x2: {  	[smem:$0x3F9B] =	sst lr;
	_ =	strace $0xD0000000  }
0x3: {  	_ = 	snop  }
0x4: {  	_ = 	snop  }
0x5: {  	_ = 	snop  }
0x6: {  	_ = 	snop  }
0x7: {  	_ = 	snop  }
__scs_overlays_trampoline_lowered:
0x8: {  	[smem:$0x3FAA] =	sst s0  }
0x9: {  	[smem:$0x3FAB] =	sst s1  }
0xa: {  	[smem:$0x3FAC] =	sst s2  }
0xb: {  	[smem:$0x3FAD] =	sst s3  }
0xc: {  	[smem:$0x3FAE] =	sst s4  }
0xd: {  	[smem:$0x3FAF] =	sst s5  }
0xe: {  	[smem:$0x3FB0] =	sst s6  }
0xf: {  	[smem:$0x3FB1] =	sst s7  }
0x10: {  	[smem:$0x3FB2] =	sst s8  }
0x11: {  	[smem:$0x3FB3] =	sst s9;
	s0 =	simm.s32 @!p0 $0x0  }
0x12: {  	s1 =	sld [smem:$0x3F99];
	s0 =	simm.s32 @p0 $0x1  }
0x13: {  	[smem:$0x3FB4] =	sst s0;
	s0 =	simm.s32 @!p1 $0x0  }
0x14: {  	s2 =	sld [smem:$0x3F98];
	s0 =	simm.s32 @p1 $0x1  }
0x15: {  	[smem:$0x3FB5] =	sst s0;
	s0 =	simm.s32 @!p2 $0x0  }
0x16: {  	s3 =	sld [smem:$0x3FDB];
	s0 =	simm.s32 @p2 $0x1  }
0x17: {  	s4 =	simm.s32 $0x1BF5;
	[smem:$0x3FB7] =	sst s0  }
0x18: {  	s0 =	sld [smem:$0x3F9A];
	_ =	swait.ge [sflag:s4], $0x0  }
0x19: {  	s7 =	sld [smem:$0x3F9B]  }
0x1a: {  	s8 =	sadd.s32 $0xFFFFE003, lr  }
0x1b: {  	s9 =	sadd.s32 $0xFFFFFEF7, lr;
	s5 =	simm.s32 $0xFFFFFFFF;
	p2 =	slt.u32 s8, $0xFFFFF086  }
0x1c: {  	p1 =	slt.u32 s9, $0xF7A;
	s5 =	simm.s32 @!p2 $0x0  }
0x1d: {  	s5 =	simm.s32 @p1 $0x1;
	p0 =	seq.s32 s7, s2  }
0x1e: {  	s7 =	smul.u32 @!p0 $0xF7A, s2;
	p2 =	seq.s32 @!p0 s5, $0x0  }
0x1f: {  	s9 =	smul.u32 $0xF7A, s1;
	s8 =	simm.s32 @!p0 $0x1BF5;
	p2 =	por !p2, p0  }
0x20: {  	[sflag:s8] =	ssyncset.s32 @!p0 $0xFFFFF086;
	s6 =	sadd.s32 @!p0 s3, s7;
	s7 =	simm.s32 @!p0 $0x108  }
0x21: {  	s3 =	sadd.s32 s3, s9;
	s6 =	sadd.s32 @!p0 $0x88, s6;
	s7 =	simm.s32 @p2 $0x1082  }
0x22: {  	[simem:s7], [sflag:s8] =	dma.local @!p0 [hbm:s6], $0xF7A  }
0x23: {  	s9 =	sor.u32 $0xD0000000, s2;
	s6 =	simm.s32 $0x108;
	_ =	swait.ge @!p0 [sflag:s8], $0x0  }
0x24: {  	s3 =	sadd.s32 $0x88, s3;
	s6 =	simm.s32 @!p1 $0x1082;
	[sflag:s4] =	ssyncset.s32 $0xFFFFF086  }
0x25: {  	[simem:s6], [sflag:s4] =	dma.local [hbm:s3], $0xF7A  }
0x26: {  	[smem:$0x3F9B] =	sst s1;
	(tag) =	ssettag s2;
	_ =	strace s9  }
0x27: {  	s1 =	sld [smem:$0x3FAB]  }
0x28: {  	s2 =	sld [smem:$0x3FAC]  }
0x29: {  	s4 =	sld [smem:$0x3FAE]  }
0x2a: {  	p0 =	seq.s32 s5, $0x0;
	s5 =	sld [smem:$0x3FAF]  }
0x2b: {  	s6 =	sld [smem:$0x3FB0]  }
0x2c: {  	s7 =	sld [smem:$0x3FB1]  }
0x2d: {  	s3 =	simm.s32 $0x108;
	s8 =	sld [smem:$0x3FB2]  }
0x2e: {  	s3 =	simm.s32 @!p0 $0x1082;
	s9 =	sld [smem:$0x3FB3]  }
0x2f: {  	lr =	sadd.s32 s0, s3;
	s0 =	sld [smem:$0x3FAA]  }
0x30: {  	s3 =	sld [smem:$0x3FAD]  }
0x31: {  	[smem:$0x3FB6] =	sst s10  }
0x32: {  	s10 =	sld [smem:$0x3FB4];
	_ =	sdelay $0x3  }
0x33: {  	p0 =	seq.s32 s10, $0x1;
	s10 =	sld [smem:$0x3FB6];
	_ =	sdelay $0x3  }
0x34: {  	[smem:$0x3FB6] =	sst s10  }
0x35: {  	s10 =	sld [smem:$0x3FB5];
	_ =	sdelay $0x3  }
0x36: {  	p1 =	seq.s32 s10, $0x1;
	s10 =	sld [smem:$0x3FB6];
	_ =	sdelay $0x3  }
0x37: {  	[smem:$0x3FB6] =	sst s10  }
0x38: {  	s10 =	sld [smem:$0x3FB7]  }
0x39: {  	_ = 	snop;
	(pc) =	sbr.ind lr, $3  }
0x3a: {  	_ = 	snop  }
0x3b: {  	_ = 	snop  }
0x3c: {  	p2 =	seq.s32 s10, $0x1;
	s10 =	sld [smem:$0x3FB6]  }
0x3d: {  	_ =	shalt  }
0x3e: {  	_ =	shalt  }
0x3f: {  	_ =	shalt  }
0x40: {  	_ =	shalt  }
0x41: {  	_ =	shalt  }
0x42: {  	_ =	shalt  }
0x43: {  	_ =	shalt  }
0x44: {  	_ =	shalt  }
0x45: {  	_ =	shalt  }
0x46: {  	_ =	shalt  }
0x47: {  	_ =	shalt  }
0x48: {  	_ =	shalt  }
0x49: {  	_ =	shalt  }
0x4a: {  	_ =	shalt  }
0x4b: {  	_ =	shalt  }
0x4c: {  	_ =	shalt  }
0x4d: {  	_ =	shalt  }
0x4e: {  	_ =	shalt  }
0x4f: {  	_ =	shalt  }
0x50: {  	_ =	shalt  }
0x51: {  	_ =	shalt  }
0x52: {  	_ =	shalt  }
0x53: {  	_ =	shalt  }
0x54: {  	_ =	shalt  }
0x55: {  	_ =	shalt  }
0x56: {  	_ =	shalt  }
0x57: {  	_ =	shalt  }
0x58: {  	_ =	shalt  }
0x59: {  	_ =	shalt  }
0x5a: {  	_ =	shalt  }
0x5b: {  	_ =	shalt  }
0x5c: {  	_ =	shalt  }
0x5d: {  	_ =	shalt  }
0x5e: {  	_ =	shalt  }
0x5f: {  	_ =	shalt  }
0x60: {  	_ =	shalt  }
0x61: {  	_ =	shalt  }
0x62: {  	_ =	shalt  }
0x63: {  	_ =	shalt  }
0x64: {  	_ =	shalt  }
0x65: {  	_ =	shalt  }
0x66: {  	_ =	shalt  }
0x67: {  	_ =	shalt  }
0x68: {  	_ =	shalt  }
0x69: {  	_ =	shalt  }
0x6a: {  	_ =	shalt  }
0x6b: {  	_ =	shalt  }
0x6c: {  	_ =	shalt  }
0x6d: {  	_ =	shalt  }
0x6e: {  	_ =	shalt  }
0x6f: {  	_ =	shalt  }
0x70: {  	_ =	shalt  }
0x71: {  	_ =	shalt  }
0x72: {  	_ =	shalt  }
0x73: {  	_ =	shalt  }
0x74: {  	_ =	shalt  }
0x75: {  	_ =	shalt  }
0x76: {  	_ =	shalt  }
0x77: {  	_ =	shalt  }
0x78: {  	_ =	shalt  }
0x79: {  	_ =	shalt  }
0x7a: {  	_ =	shalt  }
0x7b: {  	_ =	shalt  }
0x7c: {  	_ =	shalt  }
0x7d: {  	_ =	shalt  }
0x7e: {  	_ =	shalt  }
0x7f: {  	_ =	shalt  }
0x80: {  	_ =	shalt  }
0x81: {  	_ =	shalt  }
0x82: {  	_ =	shalt  }
0x83: {  	_ =	shalt  }
0x84: {  	_ =	shalt  }
0x85: {  	_ =	shalt  }
0x86: {  	_ =	shalt  }
0x87: {  	_ =	shalt  }
.Lfunc_end0:
.L_simem_size_0:
called_computation.2_lowered:
.L_overlay_start_0:
0x88: {  	s2 =	sld [smem:$0x3FD9]  }
0x89: {  	s3 =	sld [smem:$0x3FFE];
	_ =	sdelay $0x1  }
0x8a: {  	s1 =	srdreg.scid  }
0x8b: {  	s0 =	sand.u32 $0x1, s1  }
0x8c: {  	s17 =	sshll.u32 s0, $0xA;
	s2 =	sadd.s32 s3, s2  }
0x8d: {  	s2 =	sadd.s32 s2, s17  }
0x8e: {  	[smem:$0x3FC2] =	sst s2  }
0x8f: {  	_ = 	snop  }
0x90: {  	s2 =	sld [smem:$0x3FD0];
	(tm) =	ssettm $0x1  }
0x91: {  	s18 =	sld [smem:$0x3FFB];
	_ =	sdelay $0x3  }
0x92: {  	_ =	strace s18  }
0x93: {  	s3 =	sld [smem:$0x3FFC];
	_ =	sdelay $0x3  }
0x94: {  	_ =	strace s3  }
0x95: {  	s3 =	sld [smem:$0x3FFD];
	_ =	sdelay $0x3  }
0x96: {  	_ =	strace s3  }
0x97: {  	_ =	strace $0x8FFFFFFF  }
0x98: {  	s19 =	sld [smem:$0x3FDB];
	_ =	sdelay $0x1  }
0x99: {  	s4 =	simm.s32 $_scs_section_size  }
0x9a: {  	s5 =	simm.s32 $_size__tile_overlayer_lowered;
	s6 =	simm.s32 $_tile_overlayer_lowered  }
0x9b: {  	s22 =	simm.s32 $0x1BFF;
	s21 =	sshll.u32 s6, $0x1;
	s3 =	sadd.s32 s4, s19  }
0x9c: {  	s7 =	simm.s32 $0x0;
	s20 =	sshll.u32 s5, $0x1;
	s5 =	sadd.s32 s21, s3  }
0x9d: {  	[timem:s7], [sflag:s22] =	dma.local [hbm:s5], s20  }
0x9e: {  	_ =	swait.ge [sflag:s22], s20  }
0x9f: {  	s4 =	ssub.s32 $0x0, s20;
	[sflag:s22] =	ssyncset.done $0x0  }
0xa0: {  	[sflag:s22] =	ssyncadd.s32 s4;
	_ =	sdelay $0x1  }
0xa1: {  	s23 =	simm.s32 $0x1B8B  }
0xa2: {  	_ =	swait.ge [sflag:s23], $0x1  }
0xa3: {  	[sflag:s23] =	ssyncset.done $0x0  }
0xa4: {  	s25 =	simm.s32 $0x1B8E;
	s24 =	sld [smem:$0x3FFE];
	[sflag:s23] =	ssyncadd.s32 $0xFFFFFFFF  }
0xa5: {  	s26 =	simm.s32 $execute0_lowered;
	[smem:$0x3FD2] =	sst s25  }
0xa6: {  	s5 =	sshll.u32 s26, $0x1;
	_ =	strace $0x8000004C;
	[dreg:$0x1] =	wrdreg $0xFFFFFFFF  }
0xa7: {  	s28 =	simm.s32 $_size_execute0_lowered;
	s3 =	sadd.s32 s3, s5;
	[dreg:$0x0] =	wrdreg $0x0  }
0xa8: {  	s5 =	sshll.u32 s28, $0x1;
	[dreg:$0x2] =	wrdreg s3  }
0xa9: {  	[dreg:$0x3] =	wrdreg s5  }
0xaa: {  	[dreg:$0x4] =	wrdreg $0xC0  }
0xab: {  	_ =	task [dreg:s7], $0x5FFFF  }
0xac: {  	[dreg:$0x1] =	wrdreg $0xFFFFFFFF  }
0xad: {  	[dreg:$0x0] =	wrdreg $0x60  }
0xae: {  	[dreg:$0x2] =	wrdreg s2  }
0xaf: {  	[dreg:$0x3] =	wrdreg s24  }
0xb0: {  	[dreg:$0x4] =	wrdreg $0xB0000  }
0xb1: {  	[dreg:$0x5] =	wrdreg $0x9  }
0xb2: {  	_ =	task.clear_ibuf [dreg:s7], $0x6FFFF;
	_ =	strace $0x9000004C  }
0xb3: {  	s29 =	simm.s32 $0x9;
	_ =	strace $0x8000004E  }
0xb4: {  	_ =	swait.ge [sflag:s29], $0x1  }
0xb5: {  	[sflag:s29] =	ssyncadd.s32 $0xFFFFFFFF  }
0xb6: {  	_ =	strace $0x9000004E  }
0xb7: {  	_ =	sfence  }
0xb8: {  	s30 =	sld [smem:$0x0];
	_ =	sdelay $0x2  }
0xb9: {  	s31 =	sshll.u32 s1, $0xD;
	s1 =	sshrl.u32 s1, $0x2  }
0xba: {  	s3 =	sand.u32 $0x4000, s31;
	s1 =	sadd.s32 s1, s30  }
0xbb: {  	s0 =	sor.u32 s3, s0;
	s1 =	sshll.u32 s1, $0x11  }
0xbc: {  	s0 =	sor.u32 s1, s0  }
0xbd: {  	s0 =	sadd.s32 $0x8F2B, s0  }
0xbe: {  	[sflag:s0] =	ssyncadd.remote.s32 $0x1  }
0xbf: {  	_ =	sfence.sel $0xFFFF  }
0xc0: {  	[dreg:$0x0] =	wrdreg $0xFFFFFFFF;
	(pc) =	sbr.abs _section_cstart, $3  }
0xc1: {  	[dreg:$0x1] =	wrdreg $0xFFFFFFFF  }
0xc2: {  	_ =	task.clear_ibuf [dreg:s7], $0x2FFFF;
	_ =	strace $0x9FFFFFFF  }
0xc3: {  	(tm) =	ssettm $0x7FFFFFFF  }
tec
execute0_lowered:
.L_overlay_start_1:
0x0: {  	(tag) =	ssettag $0x1  }
0x1: {  	s1 =	rddreg [dreg:$0x0]  }
0x2: {  	s0 =	rddreg [dreg:$0x1]  }
0x3: {  	s2 =	rddreg [dreg:$0x2];
	s4 =	simm.s32 $0x0;
	s10 =	stileid.u32  }
0x4: {  	s3 =	srdreg.scid;
	s28 =	simm.s32 $0x2;
	s29 =	simm.s32 $0x4  }
0x5: {  	s30 =	simm.s32 $0xF80;
	s31 =	simm.s32 $0x2F00;
	s7 =	smul.u32 $0x29000, s10  }
0x6: {  	[smem:$0x7FF] =	sst s4;
	s5 =	sadd.s32 $0x34A00, s0;
	s11 =	smul.u32 $0x140, s10  }
0x7: {  	s6 =	sadd.s32 $0x2A00, s0;
	s0 =	sadd.s32 $0xCA00, s0;
	s17 =	smul.u32 $0x28000, s10  }
0x8: {  	s3 =	sand.u32 $0x1, s3;
	s10 =	smul.u32 $0x5000, s10;
	_ =	strace $0x8000004D  }
0x9: {  	s8 =	ssub.s32 $0x2, s3;
	s3 =	smul.u32 $0x1400, s3;
	s7 =	sshrl.u32 s7, $0x2  }
0xa: {  	s9 =	sshrl.u32 s8, $0x1;
	s13 =	sadd.s32 $0x50, s11;
	s22 =	sadd.s32 $0xA0, s11  }
0xb: {  	s7 =	sadd.s32 s7, s2;
	s8 =	ssub.s32 s8, s9;
	s18 =	sadd.s32 s11, s3  }
0xc: {  	s9 =	sshrl.u32 s17, $0x2;
	s20 =	sadd.s32 s3, s13;
	s21 =	sshll.u32 s13, $0x7  }
0xd: {  	s23 =	sshll.u32 s22, $0x7;
	s24 =	sadd.s32 s3, s22;
	s11 =	sadd.s32 $0xF0, s11  }
0xe: {  	s22 =	simm.s32 $0x1000;
	s16 =	sadd.s32 $0x3C00, s7;
	s12 =	sadd.s32 $0x7800, s7  }
0xf: {  	s9 =	sadd.s32 s9, s2;
	s25 =	sshll.u32 s11, $0x7;
	[dreg:$0x4] =	wrdreg s16  }
0x10: {  	v0 =	vmov s3;
	s11 =	sadd.s32 s3, s11;
	s3 =	simm.s32 $0x0;
	[dreg:$0x5] =	wrdreg s12  }
0x11: {  	s12 =	sshll.u32 s18, $0x4;
	[dreg:$0x6] =	wrdreg s9;
	s9 =	sshll.u32 s20, $0x4  }
0x12: {  	s17 =	sadd.s32 s25, s2;
	s26 =	sshll.u32 s11, $0x4;
	s20 =	simm.s32 $0x3000  }
0x13: {  	s25 =	simm.s32 $0x1;
	s19 =	sadd.s32 s0, s12;
	s12 =	sadd.s32 s21, s2  }
0x14: {  	s9 =	sadd.s32 s0, s9;
	s18 =	sadd.s32 s0, s26;
	[dreg:$0x7] =	wrdreg s19  }
0x15: {  	s21 =	simm.s32 $0x5;
	s26 =	simm.s32 $0x3;
	[dreg:$0x8] =	wrdreg s12  }
0x16: {  	[dreg:$0x9] =	wrdreg s9;
	s9 =	sadd.s32 s23, s2;
	s19 =	smax.u32 s8, $0x1  }
0x17: {  	s23 =	simm.s32 $0x7D;
	[dreg:$0xa] =	wrdreg s9;
	s9 =	sshll.u32 s24, $0x4  }
0x18: {  	v1 =	vimm.f32 $0.0e+00;
	s24 =	simm.s32 $0x7000;
	s16 =	sadd.s32 s0, s9;
	s0 =	simm.s32 $0x2F80  }
.LBB2_1:
0x19: {  	s8 =	simm.s32 $0x0;
	s9 =	simm.s32 $0x200  }
.LBB2_2:
0x1a: {  	p0 =	sne.s32 s9, $0xF800;
	[tilespmem:s8+$0x3070] =	vst v1  }
0x1b: {  	[tilespmem:s8+$0x3000] =	vst v1  }
0x1c: {  	[tilespmem:s8+$0x3010] =	vst v1  }
.Ltmp0:
0x1d: {  	[tilespmem:s8+$0x3020] =	vst v1;
	(pc) =	sbr.rel @p0 .LBB2_2-.Ltmp0, $4  }
0x1e: {  	[tilespmem:s8+$0x3030] =	vst v1  }
0x1f: {  	[tilespmem:s8+$0x3040] =	vst v1  }
0x20: {  	[tilespmem:s8+$0x3050] =	vst v1  }
0x21: {  	[tilespmem:s8+$0x3060] =	vst v1;
	s8 =	sshra.s32 s9, $0x2;
	s9 =	sadd.s32 $0x200, s9  }
0x22: {  	[tilespmem:s8+$0x3070] =	vst v1  }
0x23: {  	[tilespmem:s8+$0x3000] =	vst v1  }
0x24: {  	[tilespmem:s8+$0x3010] =	vst v1  }
0x25: {  	[tilespmem:s8+$0x3020] =	vst v1  }
0x26: {  	[tilespmem:s8+$0x3030] =	vst v1  }
0x27: {  	[tilespmem:s8+$0x3040] =	vst v1  }
0x28: {  	[tilespmem:s8+$0x3050] =	vst v1  }
0x29: {  	[tilespmem:s8+$0x3060] =	vst v1  }
0x2a: {  	[spmem:s7] =	stream.linear.scatter [tilespmem:s20], [sflag:$0x5], $0x3C00, $0x38;
	[tilespmem:$0x15400] =	vst v63  }
0x2b: {  	_ =	swait.ge [sflag:s21], $0x3C00  }
0x2c: {  	[sflag:s21] =	ssyncset.done $0x0  }
0x2d: {  	s14 =	rddreg [dreg:$0x4];
	[sflag:s21] =	ssyncadd.s32 $0xFFFFC400  }
0x2e: {  	[spmem:s14] =	stream.linear.scatter [tilespmem:s20], [sflag:$0x5], $0x3C00, $0x38;
	[tilespmem:$0x15400] =	vst v63  }
0x2f: {  	_ =	swait.ge [sflag:s21], $0x3C00  }
0x30: {  	[sflag:s21] =	ssyncset.done $0x0  }
0x31: {  	s15 =	rddreg [dreg:$0x5];
	[sflag:s21] =	ssyncadd.s32 $0xFFFFC400  }
0x32: {  	[spmem:s15] =	stream.linear.scatter [tilespmem:s20], [sflag:$0x5], $0x2C00, $0x38;
	[tilespmem:$0x15400] =	vst v63  }
0x33: {  	_ =	swait.ge [sflag:s21], $0x2C00  }
0x34: {  	[sflag:s21] =	ssyncset.done $0x0  }
0x35: {  	[sflag:s21] =	ssyncadd.s32 $0xFFFFD400  }
0x36: {  	s8 =	simm.s32 $0x0;
	s9 =	simm.s32 $0x0;
	[bflag:$0x0] =	sbarrier.arrive $0xFFFF  }
.LBB2_4:
0x37: {  	s11 =	sshll.u32 s9, $0xC  }
0x38: {  	s11 =	sadd.s32 s10, s11  }
0x39: {  	s11 =	sshrl.u32 s11, $0x3  }
0x3a: {  	s12 =	sadd.s32 s5, s11  }
0x3b: {  	[tilespmem:s8], [sflag:$0x5] =	stream.linear.gather [hbm4b:s12+s8], $0x1000, $0x38;
	[tilespmem:$0x15400] =	vst v63  }
0x3c: {  	_ =	swait.ge [sflag:s21], $0x1000  }
0x3d: {  	[sflag:s21] =	ssyncset.done $0x0  }
0x3e: {  	s11 =	sadd.s32 s6, s11;
	[sflag:s21] =	ssyncadd.s32 $0xFFFFF000  }
0x3f: {  	[tilespmem:s22], [sflag:$0x5] =	stream.linear.gather [hbm4b:s11+s8], $0x1000, $0x38;
	[tilespmem:$0x15400] =	vst v63  }
0x40: {  	_ =	swait.ge [sflag:s21], $0x1000  }
0x41: {  	[sflag:s21] =	ssyncset.done $0x0  }
0x42: {  	s11 =	simm.s32 $0x0;
	[sflag:s21] =	ssyncadd.s32 $0xFFFFF000  }
0x43: {  	v2 =	vld [tilespmem:s11+$0x1060]  }
0x44: {  	v3 =	vld [tilespmem:s11+$0x106D]  }
0x45: {  	v4 =	vld [tilespmem:s11+$0x1000]  }
0x46: {  	v6 =	vld [tilespmem:s11+$0x1010]  }
0x47: {  	v7 =	vld [tilespmem:s11+$0x1020]  }
0x48: {  	v8 =	vld [tilespmem:s11+$0x1030];
	_ =	sdelay $0x1  }
0x49: {  	v11 =	vld [tilespmem:s11+$0x1050];
	v5 =	vsub.s32 v2, v0;
	v2 =	vand.u32 $0x7F, v2;
	v10 =	vsub.s32 v3, v0  }
0x4a: {  	v9 =	vld [tilespmem:s11+$0x1040];
	v3 =	vand.u32 $0x7F, v3;
	v13 =	vand.u32 $0x7F, v4;
	v15 =	vand.u32 $0x7F, v6  }
0x4b: {  	v16 =	vand.u32 $0x7F, v7;
	vm0 =	vlt.u32 v5, $0x1400;
	v2 =	vor.u32 $0x1400, v2  }
0x4c: {  	v17 =	vand.u32 $0x7F, v8;
	v12 =	vsel vm0, v5, v2;
	vm0 =	vlt.u32 v10, $0x1400  }
0x4d: {  	v2 =	vor.u32 $0x1400, v3;
	v3 =	vsub.s32 v4, v0;
	v5 =	vsub.s32 v6, v0  }
0x4e: {  	v4 =	vsub.s32 v8, v0;
	v6 =	vsub.s32 v11, v0;
	v11 =	vand.u32 $0x7F, v11  }
0x4f: {  	v14 =	vsel vm0, v10, v2;
	v2 =	vsub.s32 v7, v0;
	[tilespmem:s11+$0x2060] =	vst v12;
	v7 =	vsub.s32 v9, v0  }
0x50: {  	s12 =	simm.s32 $0x80;
	v10 =	vand.u32 $0x7F, v9;
	vm1 =	vlt.u32 v3, $0x1400;
	v12 =	vor.u32 $0x1400, v13;
	[tilespmem:s11+$0x206D] =	vst v14  }
0x51: {  	vm2 =	vlt.u32 v5, $0x1400;
	v13 =	vor.u32 $0x1400, v15;
	vm3 =	vlt.u32 v4, $0x1400;
	v9 =	vld [tilespmem:s12+$0x1060]  }
0x52: {  	s13 =	simm.s32 $0x400;
	v15 =	vor.u32 $0x1400, v17;
	vm0 =	vlt.u32 v2, $0x1400;
	v14 =	vor.u32 $0x1400, v16;
	v8 =	vld [tilespmem:s12+$0x106D]  }
.LBB2_5:
0x53: {  	p0 =	sne.s32 s13, $0x3E00;
	v16 =	vld [tilespmem:s12+$0x1000];
	vm4 =	vlt.u32 v7, $0x1400;
	v10 =	vor.u32 $0x1400, v10;
	vm5 =	vlt.u32 v6, $0x1400  }
0x54: {  	v3 =	vsel vm1, v3, v12;
	v5 =	vsel vm2, v5, v13;
	v11 =	vor.u32 $0x1400, v11;
	v17 =	vld [tilespmem:s12+$0x1010]  }
0x55: {  	v2 =	vsel vm0, v2, v14;
	v12 =	vld [tilespmem:s12+$0x1020];
	[tilespmem:s11+$0x2000] =	vst v3;
	v3 =	vsel vm3, v4, v15;
	v4 =	vsel vm4, v7, v10  }
0x56: {  	v6 =	vsel vm5, v6, v11;
	v7 =	vld [tilespmem:s12+$0x1030];
	[tilespmem:s11+$0x2010] =	vst v5  }
0x57: {  	v5 =	vsub.s32 v9, v0;
	v9 =	vand.u32 $0x7F, v9;
	v10 =	vld [tilespmem:s12+$0x1040];
	v11 =	vsub.s32 v8, v0;
	[tilespmem:s11+$0x2020] =	vst v2  }
0x58: {  	vm0 =	vlt.u32 v5, $0x1400;
	v2 =	vor.u32 $0x1400, v9;
	v8 =	vand.u32 $0x7F, v8;
	v13 =	vld [tilespmem:s12+$0x1050];
	[tilespmem:s11+$0x2030] =	vst v3  }
0x59: {  	v2 =	vsel vm0, v5, v2;
	vm0 =	vlt.u32 v11, $0x1400;
	v5 =	vor.u32 $0x1400, v8;
	[tilespmem:s11+$0x2040] =	vst v4  }
0x5a: {  	v3 =	vsub.s32 v16, v0;
	v8 =	vand.u32 $0x7F, v16;
	v4 =	vsel vm0, v11, v5;
	[tilespmem:s12+$0x2060] =	vst v2  }
0x5b: {  	v5 =	vsub.s32 v17, v0;
	v14 =	vand.u32 $0x7F, v17;
	v2 =	vsub.s32 v12, v0;
	[tilespmem:s12+$0x206D] =	vst v4  }
.Ltmp1:
0x5c: {  	v15 =	vand.u32 $0x7F, v12;
	v4 =	vsub.s32 v7, v0;
	v16 =	vand.u32 $0x7F, v7;
	[tilespmem:s11+$0x2050] =	vst v6;
	s11 =	smov.u32 s12;
	(pc) =	sbr.rel @p0 .LBB2_5-.Ltmp1, $4  }
0x5d: {  	v7 =	vsub.s32 v10, v0;
	v10 =	vand.u32 $0x7F, v10;
	v6 =	vsub.s32 v13, v0  }
0x5e: {  	vm1 =	vlt.u32 v3, $0x1400;
	v12 =	vor.u32 $0x1400, v8;
	s12 =	sshra.s32 s13, $0x2;
	v11 =	vand.u32 $0x7F, v13  }
0x5f: {  	vm2 =	vlt.u32 v5, $0x1400;
	vm0 =	vlt.u32 v2, $0x1400;
	v13 =	vor.u32 $0x1400, v14;
	v9 =	vld [tilespmem:s12+$0x1060]  }
0x60: {  	s13 =	sadd.s32 $0x200, s13;
	vm3 =	vlt.u32 v4, $0x1400;
	v14 =	vor.u32 $0x1400, v15;
	v15 =	vor.u32 $0x1400, v16;
	v8 =	vld [tilespmem:s12+$0x106D]  }
0x61: {  	v16 =	vld [tilespmem:s12+$0x1000];
	v3 =	vsel vm1, v3, v12  }
0x62: {  	v17 =	vld [tilespmem:s12+$0x1010];
	vm6 =	vlt.u32 v7, $0x1400;
	v5 =	vsel vm2, v5, v13;
	vm7 =	vlt.u32 v6, $0x1400  }
0x63: {  	v44 =	vld [tilespmem:s12+$0x1020];
	v11 =	vor.u32 $0x1400, v11;
	v2 =	vsel vm0, v2, v14;
	[tilespmem:s11+$0x2000] =	vst v3;
	v3 =	vor.u32 $0x1400, v10  }
0x64: {  	v4 =	vsel vm3, v4, v15;
	v46 =	vsel vm7, v6, v11;
	v3 =	vsel vm6, v7, v3  }
0x65: {  	v48 =	vsub.s32 v9, v0;
	v49 =	vand.u32 $0x7F, v9;
	v50 =	vsub.s32 v8, v0  }
0x66: {  	vm8 =	vlt.u32 v48, $0x1400;
	v9 =	vor.u32 $0x1400, v49;
	v51 =	vand.u32 $0x7F, v8  }
0x67: {  	v45 =	vld [tilespmem:s12+$0x1030];
	[tilespmem:s11+$0x2010] =	vst v5;
	v7 =	vsel vm8, v48, v9;
	vm9 =	vlt.u32 v50, $0x1400;
	v8 =	vor.u32 $0x1400, v51  }
0x68: {  	v47 =	vld [tilespmem:s12+$0x1040];
	[tilespmem:s11+$0x2020] =	vst v2;
	v52 =	vsub.s32 v16, v0;
	v53 =	vand.u32 $0x7F, v16;
	v54 =	vsub.s32 v17, v0  }
0x69: {  	v2 =	vld [tilespmem:s12+$0x1050];
	[tilespmem:s11+$0x2040] =	vst v3;
	v55 =	vand.u32 $0x7F, v17;
	v56 =	vsub.s32 v44, v0;
	v3 =	vand.u32 $0x7F, v44  }
0x6a: {  	[tilespmem:s11+$0x2030] =	vst v4;
	v8 =	vsel vm9, v50, v8;
	vm10 =	vlt.u32 v52, $0x1400;
	v60 =	vor.u32 $0x1400, v53  }
0x6b: {  	[tilespmem:s12+$0x2060] =	vst v7;
	vm11 =	vlt.u32 v54, $0x1400;
	v61 =	vor.u32 $0x1400, v55;
	vm12 =	vlt.u32 v56, $0x1400  }
0x6c: {  	v3 =	vor.u32 $0x1400, v3;
	v57 =	vsub.s32 v45, v0;
	v10 =	vand.u32 $0x7F, v45;
	[tilespmem:s12+$0x206D] =	vst v8  }
0x6d: {  	v8 =	vsel vm10, v52, v60;
	v4 =	vsel vm11, v54, v61;
	v3 =	vsel vm12, v56, v3;
	[tilespmem:s11+$0x2050] =	vst v46  }
0x6e: {  	v58 =	vsub.s32 v47, v0;
	v6 =	vand.u32 $0x7F, v47;
	vm13 =	vlt.u32 v57, $0x1400;
	[tilespmem:s12+$0x2000] =	vst v8  }
0x6f: {  	v62 =	vor.u32 $0x1400, v10;
	v59 =	vsub.s32 v2, v0;
	v2 =	vand.u32 $0x7F, v2;
	[tilespmem:s12+$0x2010] =	vst v4  }
0x70: {  	vm14 =	vlt.u32 v58, $0x1400;
	v63 =	vor.u32 $0x1400, v6;
	v5 =	vsel vm13, v57, v62;
	[tilespmem:s12+$0x2020] =	vst v3  }
0x71: {  	vm15 =	vlt.u32 v59, $0x1400;
	v2 =	vor.u32 $0x1400, v2;
	v3 =	vsel vm14, v58, v63;
	[tilespmem:s12+$0x2030] =	vst v5  }
0x72: {  	v2 =	vsel vm15, v59, v2;
	[tilespmem:s12+$0x2040] =	vst v3  }
0x73: {  	s15 =	simm.s32 $0x0;
	[tilespmem:s12+$0x2050] =	vst v2  }
0x74: {  	[tilespmem:s20], [sflag:$0x1] =	stream.indirect.gather [hbm4b:s1+s23], $0x80, s15, s23, $0xb8;
	[tilespmem:$0x15400] =	vst v63  }
0x75: {  	s12 =	simm.s32 $0x80  }
0x76: {  	[tilespmem:s24], [sflag:$0x2] =	stream.indirect.gather [hbm4b:s1+s23], $0x80, s12, s23, $0xb8;
	[tilespmem:$0x15400] =	vst v63  }
0x77: {  	_ =	swait.ge [sflag:s25], $0x3E80  }
0x78: {  	[sflag:s25] =	ssyncset.done $0x0  }
0x79: {  	s13 =	simm.s32 $0x2000;
	[sflag:s25] =	ssyncadd.s32 $0xFFFFC180  }
0x7a: {  	[spmem:s2] =	stream.indirect.scatter.add.f32 [tilespmem:s20], [sflag:$0x3], $0x80, s13, s23, $0xb8;
	[tilespmem:$0x15400] =	vst v63  }
0x7b: {  	_ =	swait.ge [sflag:s26], $0x3E80  }
0x7c: {  	[sflag:s26] =	ssyncset.done $0x0  }
0x7d: {  	s14 =	simm.s32 $0x100;
	[sflag:s26] =	ssyncadd.s32 $0xFFFFC180  }
0x7e: {  	[tilespmem:s20], [sflag:$0x1] =	stream.indirect.gather [hbm4b:s1+s23], $0x80, s14, s23, $0xb8;
	[tilespmem:$0x15400] =	vst v63  }
0x7f: {  	_ =	swait.ge [sflag:s28], $0x3E80  }
0x80: {  	[sflag:s28] =	ssyncset.done $0x0  }
0x81: {  	s15 =	simm.s32 $0x2080;
	[sflag:s28] =	ssyncadd.s32 $0xFFFFC180  }
0x82: {  	[spmem:s2] =	stream.indirect.scatter.add.f32 [tilespmem:s24], [sflag:$0x4], $0x80, s15, s23, $0xb8;
	[tilespmem:$0x15400] =	vst v63  }
0x83: {  	_ =	swait.ge [sflag:s29], $0x3E80  }
0x84: {  	s11 =	simm.s32 $0x100;
	s12 =	simm.s32 $0x800;
	[sflag:s29] =	ssyncset.done $0x0  }
.LBB2_7:
0x85: {  	s13 =	sadd.s32 $0x80, s11  }
0x86: {  	[sflag:s29] =	ssyncadd.s32 $0xFFFFC180;
	s14 =	smov.u32 s12;
	s15 =	sadd.s32 $0x400, s12  }
0x87: {  	[tilespmem:s24], [sflag:$0x2] =	stream.indirect.gather [hbm4b:s1+s23], $0x80, s13, s23, $0xb8;
	[tilespmem:$0x15400] =	vst v63  }
0x88: {  	p0 =	sne.s32 s12, $0x3800;
	_ =	swait.ge [sflag:s25], $0x3E80  }
0x89: {  	[sflag:s25] =	ssyncset.done $0x0  }
0x8a: {  	s12 =	sadd.s32 $0x2000, s11;
	[sflag:s25] =	ssyncadd.s32 $0xFFFFC180  }
0x8b: {  	[spmem:s2] =	stream.indirect.scatter.add.f32 [tilespmem:s20], [sflag:$0x3], $0x80, s12, s23, $0xb8;
	[tilespmem:$0x15400] =	vst v63  }
0x8c: {  	_ =	swait.ge [sflag:s26], $0x3E80  }
0x8d: {  	[sflag:s26] =	ssyncset.done $0x0  }
0x8e: {  	s12 =	sadd.s32 $0x100, s11;
	[sflag:s26] =	ssyncadd.s32 $0xFFFFC180  }
0x8f: {  	[tilespmem:s20], [sflag:$0x1] =	stream.indirect.gather [hbm4b:s1+s23], $0x80, s12, s23, $0xb8;
	[tilespmem:$0x15400] =	vst v63  }
0x90: {  	_ =	swait.ge [sflag:s28], $0x3E80  }
.Ltmp2:
0x91: {  	[sflag:s28] =	ssyncset.done $0x0;
	(pc) =	sbr.rel @p0 .LBB2_7-.Ltmp2, $4  }
0x92: {  	s11 =	sadd.s32 $0x2080, s11;
	[sflag:s28] =	ssyncadd.s32 $0xFFFFC180  }
0x93: {  	[spmem:s2] =	stream.indirect.scatter.add.f32 [tilespmem:s24], [sflag:$0x4], $0x80, s11, s23, $0xb8;
	[tilespmem:$0x15400] =	vst v63  }
0x94: {  	_ =	swait.ge [sflag:s29], $0x3E80  }
0x95: {  	s12 =	smov.u32 s15;
	s11 =	sshra.s32 s14, $0x2;
	[sflag:s29] =	ssyncset.done $0x0  }
0x96: {  	s12 =	sadd.s32 $0x80, s11;
	[sflag:s29] =	ssyncadd.s32 $0xFFFFC180  }
0x97: {  	[tilespmem:s24], [sflag:$0x2] =	stream.indirect.gather [hbm4b:s1+s23], $0x80, s12, s23, $0xb8;
	[tilespmem:$0x15400] =	vst v63  }
0x98: {  	_ =	swait.ge [sflag:s25], $0x3E80  }
0x99: {  	[sflag:s25] =	ssyncset.done $0x0  }
0x9a: {  	s13 =	sadd.s32 $0x2000, s11;
	[sflag:s25] =	ssyncadd.s32 $0xFFFFC180  }
0x9b: {  	[spmem:s2] =	stream.indirect.scatter.add.f32 [tilespmem:s20], [sflag:$0x3], $0x80, s13, s23, $0xb8;
	[tilespmem:$0x15400] =	vst v63  }
0x9c: {  	_ =	swait.ge [sflag:s26], $0x3E80  }
0x9d: {  	[sflag:s26] =	ssyncset.done $0x0  }
0x9e: {  	s14 =	sadd.s32 $0x100, s11;
	[sflag:s26] =	ssyncadd.s32 $0xFFFFC180  }
0x9f: {  	[tilespmem:s20], [sflag:$0x1] =	stream.indirect.gather [hbm4b:s1+s23], $0x80, s14, s23, $0xb8;
	[tilespmem:$0x15400] =	vst v63  }
0xa0: {  	_ =	swait.ge [sflag:s28], $0x3E80  }
0xa1: {  	[sflag:s28] =	ssyncset.done $0x0  }
0xa2: {  	s15 =	sadd.s32 $0x2080, s11;
	[sflag:s28] =	ssyncadd.s32 $0xFFFFC180  }
0xa3: {  	[spmem:s2] =	stream.indirect.scatter.add.f32 [tilespmem:s24], [sflag:$0x4], $0x80, s15, s23, $0xb8;
	[tilespmem:$0x15400] =	vst v63  }
0xa4: {  	_ =	swait.ge [sflag:s29], $0x3E80  }
0xa5: {  	[sflag:s29] =	ssyncset.done $0x0  }
0xa6: {  	[sflag:s29] =	ssyncadd.s32 $0xFFFFC180  }
0xa7: {  	[tilespmem:s24], [sflag:$0x2] =	stream.indirect.gather [hbm4b:s1+s23], $0x80, s30, s23, $0xb8;
	[tilespmem:$0x15400] =	vst v63  }
0xa8: {  	_ =	swait.ge [sflag:s25], $0x3E80  }
0xa9: {  	[sflag:s25] =	ssyncset.done $0x0  }
0xaa: {  	[sflag:s25] =	ssyncadd.s32 $0xFFFFC180  }
0xab: {  	[spmem:s2] =	stream.indirect.scatter.add.f32 [tilespmem:s20], [sflag:$0x3], $0x80, s31, s23, $0xb8;
	[tilespmem:$0x15400] =	vst v63  }
0xac: {  	_ =	swait.ge [sflag:s28], $0x3E80  }
0xad: {  	[sflag:s28] =	ssyncset.done $0x0  }
0xae: {  	s9 =	sadd.s32 $0x1, s9;
	[sflag:s28] =	ssyncadd.s32 $0xFFFFC180  }
0xaf: {  	[spmem:s2] =	stream.indirect.scatter.add.f32 [tilespmem:s24], [sflag:$0x4], $0x80, s0, s23, $0xb8;
	[tilespmem:$0x15400] =	vst v63  }
0xb0: {  	p0 =	sne.s32 s9, $0x5;
	_ =	swait.ge [sflag:s26], $0x3E80  }
.Ltmp3:
0xb1: {  	[sflag:s26] =	ssyncset.done $0x0;
	(pc) =	sbr.rel @p0 .LBB2_4-.Ltmp3, $4  }
0xb2: {  	[sflag:s26] =	ssyncadd.s32 $0xFFFFC180  }
0xb3: {  	_ =	swait.ge [sflag:s29], $0x3E80  }
0xb4: {  	[sflag:s29] =	ssyncset.done $0x0  }
0xb5: {  	[sflag:s29] =	ssyncadd.s32 $0xFFFFC180  }
0xb6: {  	[bflag:$0x0] =	sbarrier.arrive $0xFFFF  }
0xb7: {  	s8 =	rddreg [dreg:$0x6]  }
0xb8: {  	[tilespmem:s20], [sflag:$0x5] =	stream.linear.gather [spmem:s8], $0x2800, $0x38;
	[tilespmem:$0x15400] =	vst v63  }
0xb9: {  	_ =	swait.ge [sflag:s21], $0x2800  }
0xba: {  	[sflag:s21] =	ssyncset.done $0x0  }
0xbb: {  	s12 =	rddreg [dreg:$0x7];
	[sflag:s21] =	ssyncadd.s32 $0xFFFFD800  }
0xbc: {  	[hbm4b:s12+s4] =	stream.linear.scatter [tilespmem:s20], [sflag:$0x5], $0x2800, $0x38;
	[tilespmem:$0x15400] =	vst v63  }
0xbd: {  	_ =	swait.ge [sflag:s21], $0x2800  }
0xbe: {  	[sflag:s21] =	ssyncset.done $0x0  }
0xbf: {  	s13 =	rddreg [dreg:$0x8];
	[sflag:s21] =	ssyncadd.s32 $0xFFFFD800  }
0xc0: {  	[tilespmem:s20], [sflag:$0x5] =	stream.linear.gather [spmem:s13], $0x2800, $0x38;
	[tilespmem:$0x15400] =	vst v63  }
0xc1: {  	_ =	swait.ge [sflag:s21], $0x2800  }
0xc2: {  	[sflag:s21] =	ssyncset.done $0x0  }
0xc3: {  	s14 =	rddreg [dreg:$0x9];
	[sflag:s21] =	ssyncadd.s32 $0xFFFFD800  }
0xc4: {  	[hbm4b:s14+s4] =	stream.linear.scatter [tilespmem:s20], [sflag:$0x5], $0x2800, $0x38;
	[tilespmem:$0x15400] =	vst v63  }
0xc5: {  	_ =	swait.ge [sflag:s21], $0x2800  }
0xc6: {  	[sflag:s21] =	ssyncset.done $0x0  }
0xc7: {  	s15 =	rddreg [dreg:$0xa];
	[sflag:s21] =	ssyncadd.s32 $0xFFFFD800  }
0xc8: {  	[tilespmem:s20], [sflag:$0x5] =	stream.linear.gather [spmem:s15], $0x2800, $0x38;
	[tilespmem:$0x15400] =	vst v63  }
0xc9: {  	_ =	swait.ge [sflag:s21], $0x2800  }
0xca: {  	[sflag:s21] =	ssyncset.done $0x0  }
0xcb: {  	[sflag:s21] =	ssyncadd.s32 $0xFFFFD800  }
0xcc: {  	[hbm4b:s16+s4] =	stream.linear.scatter [tilespmem:s20], [sflag:$0x5], $0x2800, $0x38;
	[tilespmem:$0x15400] =	vst v63  }
0xcd: {  	_ =	swait.ge [sflag:s21], $0x2800  }
0xce: {  	[sflag:s21] =	ssyncset.done $0x0  }
0xcf: {  	[sflag:s21] =	ssyncadd.s32 $0xFFFFD800  }
0xd0: {  	[tilespmem:s20], [sflag:$0x5] =	stream.linear.gather [spmem:s17], $0x2800, $0x38;
	[tilespmem:$0x15400] =	vst v63  }
0xd1: {  	s3 =	sadd.s32 $0x1, s3;
	_ =	swait.ge [sflag:s21], $0x2800  }
0xd2: {  	p0 =	sne.s32 s3, s19;
	[sflag:s21] =	ssyncset.done $0x0  }
.Ltmp4:
0xd3: {  	[sflag:s21] =	ssyncadd.s32 $0xFFFFD800;
	(pc) =	sbr.rel @p0 .LBB2_1-.Ltmp4, $4  }
0xd4: {  	[hbm4b:s18+s4] =	stream.linear.scatter [tilespmem:s20], [sflag:$0x5], $0x2800, $0x38;
	[tilespmem:$0x15400] =	vst v63  }
0xd5: {  	_ =	swait.ge [sflag:s21], $0x2800  }
0xd6: {  	[sflag:s21] =	ssyncset.done $0x0  }
0xd7: {  	[sflag:s21] =	ssyncadd.s32 $0xFFFFD800  }
0xd8: {  	_ =	sfence.sel $0x180000  }
0xd9: {  	[bflag:$0x0] =	sbarrier.arrive $0xFFFF  }
0xda: {  	_ =	strace $0x9000004D  }
0xdb: {  	s0 =	stileid.u32;
	[bflag:$0x2] =	sbarrier.arrive $0xFFFF  }
0xdc: {  	p0 =	sne.s32 s0, $0x0;
	s0 =	rddreg [dreg:$0x3]  }
0xdd: {  	s0 =	sadd.s32 @!p0 $0x100000, s0  }
0xde: {  	[sflag:s0] =	ssyncadd.tile.s32 @!p0 $0x1;
	_ =	shalt  }
.Lfunc_end2:
_tile_overlayer_lowered:
.L_overlay_start_2:
0xdf: {  	(tag) =	ssettag $0x2  }
0xe0: {  	s0 =	rddreg [dreg:$0x0];
	s2 =	stileid.u32  }
0xe1: {  	s1 =	rddreg [dreg:$0x1];
	p0 =	sne.s32 s2, $0x0  }
0xe2: {  	s3 =	rddreg [dreg:$0x2];
	[bflag:$0x3] =	sbarrier.arrive $0xFFFF;
	s2 =	simm.s32 @!p0 $0x1C05  }
0xe3: {  	[timem:s3], [sflag:s2] =	dma.local @!p0 [hbm:s0], s1  }
0xe4: {  	s0 =	simm.s32 @!p0 $0x5  }
0xe5: {  	_ =	swait.ge @!p0 [sflag:s0], s1  }
0xe6: {  	s1 =	ssub.s32 @!p0 $0x0, s1;
	[sflag:s0] =	ssyncset.done @!p0 $0x0  }
0xe7: {  	[sflag:s0] =	ssyncadd.s32 @!p0 s1  }
0xe8: {  	[bflag:$0x3] =	sbarrier.arrive $0xFFFF  }
0xe9: {  	_ =	shalt  }

// kernel: kernel.8.cloned.1.call-start
scs
__scs_entry_jumppad:
0x0: {  	(pc) =	sbr.rel $0x88, $3  }
0x1: {  	(tag) =	ssettag $0x0;
	lr =	simm.s32 $0x1  }
0x2: {  	[smem:$0x3F9B] =	sst lr;
	_ =	strace $0xD0000000  }
0x3: {  	_ = 	snop  }
0x4: {  	_ = 	snop  }
0x5: {  	_ = 	snop  }
0x6: {  	_ = 	snop  }
0x7: {  	_ = 	snop  }
__scs_overlays_trampoline_lowered:
0x8: {  	[smem:$0x3FAA] =	sst s0  }
0x9: {  	[smem:$0x3FAB] =	sst s1  }
0xa: {  	[smem:$0x3FAC] =	sst s2  }
0xb: {  	[smem:$0x3FAD] =	sst s3  }
0xc: {  	[smem:$0x3FAE] =	sst s4  }
0xd: {  	[smem:$0x3FAF] =	sst s5  }
0xe: {  	[smem:$0x3FB0] =	sst s6  }
0xf: {  	[smem:$0x3FB1] =	sst s7  }
0x10: {  	[smem:$0x3FB2] =	sst s8  }
0x11: {  	[smem:$0x3FB3] =	sst s9;
	s0 =	simm.s32 @!p0 $0x0  }
0x12: {  	s1 =	sld [smem:$0x3F99];
	s0 =	simm.s32 @p0 $0x1  }
0x13: {  	[smem:$0x3FB4] =	sst s0;
	s0 =	simm.s32 @!p1 $0x0  }
0x14: {  	s2 =	sld [smem:$0x3F98];
	s0 =	simm.s32 @p1 $0x1  }
0x15: {  	[smem:$0x3FB5] =	sst s0;
	s0 =	simm.s32 @!p2 $0x0  }
0x16: {  	s3 =	sld [smem:$0x3FDB];
	s0 =	simm.s32 @p2 $0x1  }
0x17: {  	s4 =	simm.s32 $0x1BF5;
	[smem:$0x3FB7] =	sst s0  }
0x18: {  	s0 =	sld [smem:$0x3F9A];
	_ =	swait.ge [sflag:s4], $0x0  }
0x19: {  	s7 =	sld [smem:$0x3F9B]  }
0x1a: {  	s8 =	sadd.s32 $0xFFFFE003, lr  }
0x1b: {  	s9 =	sadd.s32 $0xFFFFFEF7, lr;
	s5 =	simm.s32 $0xFFFFFFFF;
	p2 =	slt.u32 s8, $0xFFFFF086  }
0x1c: {  	p1 =	slt.u32 s9, $0xF7A;
	s5 =	simm.s32 @!p2 $0x0  }
0x1d: {  	s5 =	simm.s32 @p1 $0x1;
	p0 =	seq.s32 s7, s2  }
0x1e: {  	s7 =	smul.u32 @!p0 $0xF7A, s2;
	p2 =	seq.s32 @!p0 s5, $0x0  }
0x1f: {  	s9 =	smul.u32 $0xF7A, s1;
	s8 =	simm.s32 @!p0 $0x1BF5;
	p2 =	por !p2, p0  }
0x20: {  	[sflag:s8] =	ssyncset.s32 @!p0 $0xFFFFF086;
	s6 =	sadd.s32 @!p0 s3, s7;
	s7 =	simm.s32 @!p0 $0x108  }
0x21: {  	s3 =	sadd.s32 s3, s9;
	s6 =	sadd.s32 @!p0 $0x88, s6;
	s7 =	simm.s32 @p2 $0x1082  }
0x22: {  	[simem:s7], [sflag:s8] =	dma.local @!p0 [hbm:s6], $0xF7A  }
0x23: {  	s9 =	sor.u32 $0xD0000000, s2;
	s6 =	simm.s32 $0x108;
	_ =	swait.ge @!p0 [sflag:s8], $0x0  }
0x24: {  	s3 =	sadd.s32 $0x88, s3;
	s6 =	simm.s32 @!p1 $0x1082;
	[sflag:s4] =	ssyncset.s32 $0xFFFFF086  }
0x25: {  	[simem:s6], [sflag:s4] =	dma.local [hbm:s3], $0xF7A  }
0x26: {  	[smem:$0x3F9B] =	sst s1;
	(tag) =	ssettag s2;
	_ =	strace s9  }
0x27: {  	s1 =	sld [smem:$0x3FAB]  }
0x28: {  	s2 =	sld [smem:$0x3FAC]  }
0x29: {  	s4 =	sld [smem:$0x3FAE]  }
0x2a: {  	p0 =	seq.s32 s5, $0x0;
	s5 =	sld [smem:$0x3FAF]  }
0x2b: {  	s6 =	sld [smem:$0x3FB0]  }
0x2c: {  	s7 =	sld [smem:$0x3FB1]  }
0x2d: {  	s3 =	simm.s32 $0x108;
	s8 =	sld [smem:$0x3FB2]  }
0x2e: {  	s3 =	simm.s32 @!p0 $0x1082;
	s9 =	sld [smem:$0x3FB3]  }
0x2f: {  	lr =	sadd.s32 s0, s3;
	s0 =	sld [smem:$0x3FAA]  }
0x30: {  	s3 =	sld [smem:$0x3FAD]  }
0x31: {  	[smem:$0x3FB6] =	sst s10  }
0x32: {  	s10 =	sld [smem:$0x3FB4];
	_ =	sdelay $0x3  }
0x33: {  	p0 =	seq.s32 s10, $0x1;
	s10 =	sld [smem:$0x3FB6];
	_ =	sdelay $0x3  }
0x34: {  	[smem:$0x3FB6] =	sst s10  }
0x35: {  	s10 =	sld [smem:$0x3FB5];
	_ =	sdelay $0x3  }
0x36: {  	p1 =	seq.s32 s10, $0x1;
	s10 =	sld [smem:$0x3FB6];
	_ =	sdelay $0x3  }
0x37: {  	[smem:$0x3FB6] =	sst s10  }
0x38: {  	s10 =	sld [smem:$0x3FB7]  }
0x39: {  	_ = 	snop;
	(pc) =	sbr.ind lr, $3  }
0x3a: {  	_ = 	snop  }
0x3b: {  	_ = 	snop  }
0x3c: {  	p2 =	seq.s32 s10, $0x1;
	s10 =	sld [smem:$0x3FB6]  }
0x3d: {  	_ =	shalt  }
0x3e: {  	_ =	shalt  }
0x3f: {  	_ =	shalt  }
0x40: {  	_ =	shalt  }
0x41: {  	_ =	shalt  }
0x42: {  	_ =	shalt  }
0x43: {  	_ =	shalt  }
0x44: {  	_ =	shalt  }
0x45: {  	_ =	shalt  }
0x46: {  	_ =	shalt  }
0x47: {  	_ =	shalt  }
0x48: {  	_ =	shalt  }
0x49: {  	_ =	shalt  }
0x4a: {  	_ =	shalt  }
0x4b: {  	_ =	shalt  }
0x4c: {  	_ =	shalt  }
0x4d: {  	_ =	shalt  }
0x4e: {  	_ =	shalt  }
0x4f: {  	_ =	shalt  }
0x50: {  	_ =	shalt  }
0x51: {  	_ =	shalt  }
0x52: {  	_ =	shalt  }
0x53: {  	_ =	shalt  }
0x54: {  	_ =	shalt  }
0x55: {  	_ =	shalt  }
0x56: {  	_ =	shalt  }
0x57: {  	_ =	shalt  }
0x58: {  	_ =	shalt  }
0x59: {  	_ =	shalt  }
0x5a: {  	_ =	shalt  }
0x5b: {  	_ =	shalt  }
0x5c: {  	_ =	shalt  }
0x5d: {  	_ =	shalt  }
0x5e: {  	_ =	shalt  }
0x5f: {  	_ =	shalt  }
0x60: {  	_ =	shalt  }
0x61: {  	_ =	shalt  }
0x62: {  	_ =	shalt  }
0x63: {  	_ =	shalt  }
0x64: {  	_ =	shalt  }
0x65: {  	_ =	shalt  }
0x66: {  	_ =	shalt  }
0x67: {  	_ =	shalt  }
0x68: {  	_ =	shalt  }
0x69: {  	_ =	shalt  }
0x6a: {  	_ =	shalt  }
0x6b: {  	_ =	shalt  }
0x6c: {  	_ =	shalt  }
0x6d: {  	_ =	shalt  }
0x6e: {  	_ =	shalt  }
0x6f: {  	_ =	shalt  }
0x70: {  	_ =	shalt  }
0x71: {  	_ =	shalt  }
0x72: {  	_ =	shalt  }
0x73: {  	_ =	shalt  }
0x74: {  	_ =	shalt  }
0x75: {  	_ =	shalt  }
0x76: {  	_ =	shalt  }
0x77: {  	_ =	shalt  }
0x78: {  	_ =	shalt  }
0x79: {  	_ =	shalt  }
0x7a: {  	_ =	shalt  }
0x7b: {  	_ =	shalt  }
0x7c: {  	_ =	shalt  }
0x7d: {  	_ =	shalt  }
0x7e: {  	_ =	shalt  }
0x7f: {  	_ =	shalt  }
0x80: {  	_ =	shalt  }
0x81: {  	_ =	shalt  }
0x82: {  	_ =	shalt  }
0x83: {  	_ =	shalt  }
0x84: {  	_ =	shalt  }
0x85: {  	_ =	shalt  }
0x86: {  	_ =	shalt  }
0x87: {  	_ =	shalt  }
.Lfunc_end0:
.L_simem_size_0:
called_computation_lowered:
.L_overlay_start_0:
0x88: {  	s2 =	sld [smem:$0x3FD9]  }
0x89: {  	s3 =	sld [smem:$0x3FFE];
	_ =	sdelay $0x1  }
0x8a: {  	s1 =	srdreg.scid  }
0x8b: {  	s0 =	sand.u32 $0x1, s1  }
0x8c: {  	s16 =	sshll.u32 s0, $0xA;
	s2 =	sadd.s32 s3, s2  }
0x8d: {  	s2 =	sadd.s32 s2, s16  }
0x8e: {  	[smem:$0x3FC2] =	sst s2  }
0x8f: {  	_ = 	snop  }
0x90: {  	(tm) =	ssettm $0x1  }
0x91: {  	s17 =	sld [smem:$0x3FFB];
	_ =	sdelay $0x3  }
0x92: {  	_ =	strace s17  }
0x93: {  	s2 =	sld [smem:$0x3FFC];
	_ =	sdelay $0x3  }
0x94: {  	_ =	strace s2  }
0x95: {  	s2 =	sld [smem:$0x3FFD];
	_ =	sdelay $0x3  }
0x96: {  	_ =	strace s2  }
0x97: {  	_ =	strace $0x8FFFFFFF  }
0x98: {  	s18 =	sld [smem:$0x3FDB];
	_ =	sdelay $0x1  }
0x99: {  	s19 =	simm.s32 $_scs_section_size  }
0x9a: {  	s4 =	simm.s32 $_size__tile_overlayer_lowered;
	s5 =	simm.s32 $_tile_overlayer_lowered  }
0x9b: {  	s22 =	simm.s32 $0x1BFF;
	s21 =	sshll.u32 s5, $0x1;
	s2 =	sadd.s32 s19, s18  }
0x9c: {  	s6 =	simm.s32 $0x0;
	s20 =	sshll.u32 s4, $0x1;
	s4 =	sadd.s32 s21, s2  }
0x9d: {  	[timem:s6], [sflag:s22] =	dma.local [hbm:s4], s20  }
0x9e: {  	_ =	swait.ge [sflag:s22], s20  }
0x9f: {  	s3 =	ssub.s32 $0x0, s20;
	[sflag:s22] =	ssyncset.done $0x0  }
0xa0: {  	[sflag:s22] =	ssyncadd.s32 s3;
	_ =	sdelay $0x1  }
0xa1: {  	s23 =	simm.s32 $0x1B8B  }
0xa2: {  	_ =	swait.ge [sflag:s23], $0x1  }
0xa3: {  	[sflag:s23] =	ssyncset.done $0x0  }
0xa4: {  	s25 =	simm.s32 $0x1B8E;
	s24 =	sld [smem:$0x3FFE];
	[sflag:s23] =	ssyncadd.s32 $0xFFFFFFFF  }
0xa5: {  	s26 =	simm.s32 $execute0_lowered;
	[smem:$0x3FD2] =	sst s25  }
0xa6: {  	s4 =	sshll.u32 s26, $0x1;
	_ =	strace $0x80000046;
	[dreg:$0x1] =	wrdreg $0xFFFFFFFF  }
0xa7: {  	s28 =	simm.s32 $_size_execute0_lowered;
	s2 =	sadd.s32 s2, s4;
	[dreg:$0x0] =	wrdreg $0x0  }
0xa8: {  	s4 =	sshll.u32 s28, $0x1;
	[dreg:$0x2] =	wrdreg s2  }
0xa9: {  	[dreg:$0x3] =	wrdreg s4  }
0xaa: {  	[dreg:$0x4] =	wrdreg $0xC0  }
0xab: {  	_ =	task [dreg:s6], $0x5FFFF  }
0xac: {  	[dreg:$0x1] =	wrdreg $0xFFFFFFFF  }
0xad: {  	[dreg:$0x0] =	wrdreg $0x60  }
0xae: {  	[dreg:$0x2] =	wrdreg s24  }
0xaf: {  	[dreg:$0x3] =	wrdreg $0xA0000  }
0xb0: {  	[dreg:$0x4] =	wrdreg $0x9  }
0xb1: {  	_ =	task.clear_ibuf [dreg:s6], $0x5FFFF;
	_ =	strace $0x90000046  }
0xb2: {  	s29 =	simm.s32 $0x9;
	_ =	strace $0x80000048  }
0xb3: {  	_ =	swait.ge [sflag:s29], $0x1  }
0xb4: {  	[sflag:s29] =	ssyncadd.s32 $0xFFFFFFFF  }
0xb5: {  	_ =	strace $0x90000048  }
0xb6: {  	_ =	sfence  }
0xb7: {  	s30 =	sld [smem:$0x0];
	_ =	sdelay $0x2  }
0xb8: {  	s31 =	sshll.u32 s1, $0xD;
	s1 =	sshrl.u32 s1, $0x2  }
0xb9: {  	s3 =	sand.u32 $0x4000, s31;
	s1 =	sadd.s32 s1, s30  }
0xba: {  	s0 =	sor.u32 s3, s0;
	s1 =	sshll.u32 s1, $0x11  }
0xbb: {  	s0 =	sor.u32 s1, s0  }
0xbc: {  	s0 =	sadd.s32 $0x8F2B, s0  }
0xbd: {  	[sflag:s0] =	ssyncadd.remote.s32 $0x1  }
0xbe: {  	_ =	sfence.sel $0xFFFF  }
0xbf: {  	[dreg:$0x0] =	wrdreg $0xFFFFFFFF;
	(pc) =	sbr.abs _section_cstart, $3  }
0xc0: {  	[dreg:$0x1] =	wrdreg $0xFFFFFFFF  }
0xc1: {  	_ =	task.clear_ibuf [dreg:s6], $0x2FFFF;
	_ =	strace $0x9FFFFFFF  }
0xc2: {  	(tm) =	ssettm $0x7FFFFFFF  }
0xc3: {  	_ =	shalt  }
tec
execute0_lowered:
.L_overlay_start_1:
0x0: {  	(tag) =	ssettag $0x1  }
0x1: {  	s5 =	rddreg [dreg:$0x0]  }
0x2: {  	s1 =	rddreg [dreg:$0x1]  }
0x3: {  	s0 =	rddreg [dreg:$0x2];
	s3 =	simm.s32 $0x0;
	s2 =	stileid.u32  }
0x4: {  	s6 =	srdreg.scid;
	s20 =	simm.s32 $0x7D;
	s7 =	smul.u32 $0x29000, s2  }
0x5: {  	s22 =	simm.s32 $0x1;
	s23 =	simm.s32 $0x0;
	s13 =	smul.u32 $0x140, s2  }
0x6: {  	[smem:$0x7FF] =	sst s3;
	s4 =	sadd.s32 $0x2A00, s5;
	s9 =	smul.u32 $0x28000, s2  }
0x7: {  	s6 =	sand.u32 $0x1, s6;
	s16 =	sadd.s32 $0xCA00, s5;
	s8 =	smul.u32 $0x5000, s2  }
0x8: {  	_ =	strace $0x80000047;
	s29 =	ssub.s32 $0x2, s6;
	s21 =	smul.u32 $0x1400, s6  }
0x9: {  	s30 =	sshrl.u32 s29, $0x1;
	s7 =	sshrl.u32 s7, $0x2;
	s9 =	sshrl.u32 s9, $0x2  }
0xa: {  	s11 =	sadd.s32 $0x50, s13;
	s14 =	sadd.s32 $0xA0, s13;
	s18 =	sadd.s32 $0xF0, s13  }
0xb: {  	s17 =	ssub.s32 s29, s30;
	s5 =	sadd.s32 s7, s1;
	s10 =	sadd.s32 s13, s21  }
0xc: {  	s9 =	sadd.s32 s9, s1;
	s12 =	sadd.s32 s21, s11;
	s11 =	sshll.u32 s11, $0x7  }
0xd: {  	s15 =	sshll.u32 s14, $0x7;
	s14 =	sadd.s32 s21, s14;
	s31 =	sadd.s32 s21, s18  }
0xe: {  	s18 =	sshll.u32 s18, $0x7;
	v0 =	vmov s21;
	s21 =	simm.s32 $0x2000;
	s6 =	sadd.s32 $0x3C00, s5  }
0xf: {  	s7 =	sadd.s32 $0x7800, s5;
	s10 =	sshll.u32 s10, $0x4;
	s12 =	sshll.u32 s12, $0x4  }
0x10: {  	s11 =	sadd.s32 s11, s1;
	s13 =	sadd.s32 s15, s1;
	s14 =	sshll.u32 s14, $0x4  }
0x11: {  	s19 =	sshll.u32 s31, $0x4;
	s15 =	sadd.s32 s18, s1;
	s17 =	smax.u32 s17, $0x1  }
0x12: {  	s18 =	simm.s32 $0x6000;
	s10 =	sadd.s32 s16, s10;
	s12 =	sadd.s32 s16, s12  }
0x13: {  	v1 =	vimm.f32 $1.000000000e+00;
	v2 =	vimm.f32 $0.0e+00;
	s14 =	sadd.s32 s16, s14;
	s16 =	sadd.s32 s16, s19;
	s19 =	simm.s32 $0x2  }
.LBB2_1:
0x14: {  	s24 =	simm.s32 $0x0  }
.LBB2_2:
0x15: {  	p0 =	sne.s32 s24, $0xF800  }
.Ltmp0:
0x16: {  	_ = 	snop;
	(pc) =	sbr.rel @p0 .LBB2_2-.Ltmp0, $3  }
0x17: {  	_ =	sdelay $0x1  }
0x18: {  	s25 =	sshra.s32 s24, $0x2  }
0x19: {  	s24 =	sadd.s32 $0x200, s24;
	[tilespmem:s25+$0x2000] =	vst v1  }
0x1a: {  	s24 =	simm.s32 $0x200;
	s25 =	simm.s32 $0x0  }
.LBB2_4:
0x1b: {  	p0 =	sne.s32 s24, $0xF800;
	[tilespmem:s25+$0x6000] =	vst v2;
	s25 =	smov.u32 s24;
	s24 =	sadd.s32 $0x200, s24  }
.Ltmp1:
0x1c: {  	(pc) =	sbr.rel @p0 .LBB2_4-.Ltmp1, $2  }
0x1d: {  	_ =	sdelay $0x2  }
0x1e: {  	s25 =	sshra.s32 s25, $0x2  }
0x1f: {  	[tilespmem:s25+$0x6000] =	vst v2  }
0x20: {  	[spmem:s5] =	stream.linear.scatter [tilespmem:s18], [sflag:$0x2], $0x3C00, $0x38;
	[tilespmem:$0xB480] =	vst v63  }
0x21: {  	_ =	swait.ge [sflag:s19], $0x3C00  }
0x22: {  	[sflag:s19] =	ssyncset.done $0x0  }
0x23: {  	[sflag:s19] =	ssyncadd.s32 $0xFFFFC400  }
0x24: {  	[spmem:s6] =	stream.linear.scatter [tilespmem:s18], [sflag:$0x2], $0x3C00, $0x38;
	[tilespmem:$0xB480] =	vst v63  }
0x25: {  	_ =	swait.ge [sflag:s19], $0x3C00  }
0x26: {  	[sflag:s19] =	ssyncset.done $0x0  }
0x27: {  	[sflag:s19] =	ssyncadd.s32 $0xFFFFC400  }
0x28: {  	[spmem:s7] =	stream.linear.scatter [tilespmem:s18], [sflag:$0x2], $0x2C00, $0x38;
	[tilespmem:$0xB480] =	vst v63  }
0x29: {  	_ =	swait.ge [sflag:s19], $0x2C00  }
0x2a: {  	[sflag:s19] =	ssyncset.done $0x0  }
0x2b: {  	[sflag:s19] =	ssyncadd.s32 $0xFFFFD400  }
0x2c: {  	s24 =	simm.s32 $0x0;
	s25 =	simm.s32 $0x0;
	[bflag:$0x0] =	sbarrier.arrive $0xFFFF  }
.LBB2_6:
0x2d: {  	s26 =	sshll.u32 s25, $0xC  }
0x2e: {  	s26 =	sadd.s32 s8, s26  }
0x2f: {  	s26 =	sshrl.u32 s26, $0x3  }
0x30: {  	s26 =	sadd.s32 s4, s26  }
0x31: {  	[tilespmem:s24], [sflag:$0x2] =	stream.linear.gather [hbm4b:s26+s24], $0x1000, $0x38;
	[tilespmem:$0xB480] =	vst v63  }
0x32: {  	_ =	swait.ge [sflag:s19], $0x1000  }
0x33: {  	[sflag:s19] =	ssyncset.done $0x0  }
0x34: {  	s26 =	simm.s32 $0x0;
	[sflag:s19] =	ssyncadd.s32 $0xFFFFF000  }
0x35: {  	v3 =	vld [tilespmem:s26+$0x60]  }
0x36: {  	v4 =	vld [tilespmem:s26+$0x6D]  }
0x37: {  	v5 =	vld [tilespmem:s26+$0x0]  }
0x38: {  	v7 =	vld [tilespmem:s26+$0x10]  }
0x39: {  	v8 =	vld [tilespmem:s26+$0x20]  }
0x3a: {  	v9 =	vld [tilespmem:s26+$0x30];
	_ =	sdelay $0x1  }
0x3b: {  	v12 =	vld [tilespmem:s26+$0x50];
	v6 =	vsub.s32 v3, v0;
	v3 =	vand.u32 $0x7F, v3;
	v11 =	vsub.s32 v4, v0  }
0x3c: {  	v10 =	vld [tilespmem:s26+$0x40];
	v4 =	vand.u32 $0x7F, v4;
	v14 =	vand.u32 $0x7F, v5;
	v16 =	vand.u32 $0x7F, v7  }
0x3d: {  	v17 =	vand.u32 $0x7F, v8;
	vm0 =	vlt.u32 v6, $0x1400;
	v3 =	vor.u32 $0x1400, v3  }
0x3e: {  	v18 =	vand.u32 $0x7F, v9;
	v13 =	vsel vm0, v6, v3;
	vm0 =	vlt.u32 v11, $0x1400  }
0x3f: {  	v3 =	vor.u32 $0x1400, v4;
	v4 =	vsub.s32 v5, v0;
	v6 =	vsub.s32 v7, v0  }
0x40: {  	v5 =	vsub.s32 v9, v0;
	v7 =	vsub.s32 v12, v0;
	v12 =	vand.u32 $0x7F, v12  }
0x41: {  	v15 =	vsel vm0, v11, v3;
	v3 =	vsub.s32 v8, v0;
	[tilespmem:s26+$0x1060] =	vst v13;
	v8 =	vsub.s32 v10, v0  }
0x42: {  	s28 =	simm.s32 $0x80;
	v11 =	vand.u32 $0x7F, v10;
	vm1 =	vlt.u32 v4, $0x1400;
	v13 =	vor.u32 $0x1400, v14;
	[tilespmem:s26+$0x106D] =	vst v15  }
0x43: {  	vm2 =	vlt.u32 v6, $0x1400;
	v14 =	vor.u32 $0x1400, v16;
	vm3 =	vlt.u32 v5, $0x1400;
	v10 =	vld [tilespmem:s28+$0x60]  }
0x44: {  	s29 =	simm.s32 $0x400;
	v16 =	vor.u32 $0x1400, v18;
	vm0 =	vlt.u32 v3, $0x1400;
	v15 =	vor.u32 $0x1400, v17;
	v9 =	vld [tilespmem:s28+$0x6D]  }
.LBB2_7:
0x45: {  	p0 =	sne.s32 s29, $0x3E00;
	v17 =	vld [tilespmem:s28+$0x0];
	vm4 =	vlt.u32 v8, $0x1400;
	v11 =	vor.u32 $0x1400, v11;
	vm5 =	vlt.u32 v7, $0x1400  }
0x46: {  	v4 =	vsel vm1, v4, v13;
	v6 =	vsel vm2, v6, v14;
	v12 =	vor.u32 $0x1400, v12;
	v18 =	vld [tilespmem:s28+$0x10]  }
0x47: {  	v3 =	vsel vm0, v3, v15;
	v13 =	vld [tilespmem:s28+$0x20];
	[tilespmem:s26+$0x1000] =	vst v4;
	v4 =	vsel vm3, v5, v16;
	v5 =	vsel vm4, v8, v11  }
0x48: {  	v7 =	vsel vm5, v7, v12;
	v8 =	vld [tilespmem:s28+$0x30];
	[tilespmem:s26+$0x1010] =	vst v6  }
0x49: {  	v6 =	vsub.s32 v10, v0;
	v10 =	vand.u32 $0x7F, v10;
	v11 =	vld [tilespmem:s28+$0x40];
	v12 =	vsub.s32 v9, v0;
	[tilespmem:s26+$0x1020] =	vst v3  }
0x4a: {  	vm0 =	vlt.u32 v6, $0x1400;
	v3 =	vor.u32 $0x1400, v10;
	v9 =	vand.u32 $0x7F, v9;
	v14 =	vld [tilespmem:s28+$0x50];
	[tilespmem:s26+$0x1030] =	vst v4  }
0x4b: {  	v3 =	vsel vm0, v6, v3;
	vm0 =	vlt.u32 v12, $0x1400;
	v6 =	vor.u32 $0x1400, v9;
	[tilespmem:s26+$0x1040] =	vst v5  }
0x4c: {  	v4 =	vsub.s32 v17, v0;
	v9 =	vand.u32 $0x7F, v17;
	v5 =	vsel vm0, v12, v6;
	[tilespmem:s28+$0x1060] =	vst v3  }
0x4d: {  	v6 =	vsub.s32 v18, v0;
	v15 =	vand.u32 $0x7F, v18;
	v3 =	vsub.s32 v13, v0;
	[tilespmem:s28+$0x106D] =	vst v5  }
.Ltmp2:
0x4e: {  	v16 =	vand.u32 $0x7F, v13;
	v5 =	vsub.s32 v8, v0;
	v17 =	vand.u32 $0x7F, v8;
	[tilespmem:s26+$0x1050] =	vst v7;
	s26 =	smov.u32 s28;
	(pc) =	sbr.rel @p0 .LBB2_7-.Ltmp2, $4  }
0x4f: {  	v8 =	vsub.s32 v11, v0;
	v11 =	vand.u32 $0x7F, v11;
	v7 =	vsub.s32 v14, v0  }
0x50: {  	vm1 =	vlt.u32 v4, $0x1400;
	v13 =	vor.u32 $0x1400, v9;
	s28 =	sshra.s32 s29, $0x2;
	v12 =	vand.u32 $0x7F, v14  }
0x51: {  	vm2 =	vlt.u32 v6, $0x1400;
	vm0 =	vlt.u32 v3, $0x1400;
	v14 =	vor.u32 $0x1400, v15;
	v10 =	vld [tilespmem:s28+$0x60]  }
0x52: {  	s29 =	sadd.s32 $0x200, s29;
	vm3 =	vlt.u32 v5, $0x1400;
	v15 =	vor.u32 $0x1400, v16;
	v16 =	vor.u32 $0x1400, v17;
	v9 =	vld [tilespmem:s28+$0x6D]  }
0x53: {  	v4 =	vsel vm1, v4, v13  }
0x54: {  	v17 =	vld [tilespmem:s28+$0x0];
	vm6 =	vlt.u32 v8, $0x1400;
	v42 =	vor.u32 $0x1400, v11;
	v6 =	vsel vm2, v6, v14  }
0x55: {  	v18 =	vld [tilespmem:s28+$0x10];
	vm7 =	vlt.u32 v7, $0x1400;
	v12 =	vor.u32 $0x1400, v12;
	v3 =	vsel vm0, v3, v15  }
0x56: {  	v41 =	vld [tilespmem:s28+$0x20];
	v5 =	vsel vm3, v5, v16;
	[tilespmem:s26+$0x1000] =	vst v4;
	v4 =	vsel vm6, v8, v42;
	v44 =	vsel vm7, v7, v12  }
0x57: {  	v46 =	vsub.s32 v10, v0;
	v47 =	vand.u32 $0x7F, v10;
	v48 =	vsub.s32 v9, v0  }
0x58: {  	vm8 =	vlt.u32 v46, $0x1400;
	v10 =	vor.u32 $0x1400, v47;
	v49 =	vand.u32 $0x7F, v9  }
0x59: {  	v43 =	vld [tilespmem:s28+$0x30];
	[tilespmem:s26+$0x1010] =	vst v6;
	v8 =	vsel vm8, v46, v10;
	vm9 =	vlt.u32 v48, $0x1400;
	v9 =	vor.u32 $0x1400, v49  }
0x5a: {  	v45 =	vld [tilespmem:s28+$0x40];
	[tilespmem:s26+$0x1020] =	vst v3;
	v50 =	vsub.s32 v17, v0;
	v51 =	vand.u32 $0x7F, v17;
	v52 =	vsub.s32 v18, v0  }
0x5b: {  	v3 =	vld [tilespmem:s28+$0x50];
	[tilespmem:s26+$0x1030] =	vst v5;
	v53 =	vand.u32 $0x7F, v18;
	v54 =	vsub.s32 v41, v0;
	v55 =	vand.u32 $0x7F, v41  }
0x5c: {  	[tilespmem:s26+$0x1040] =	vst v4;
	v9 =	vsel vm9, v48, v9;
	vm10 =	vlt.u32 v50, $0x1400;
	v59 =	vor.u32 $0x1400, v51  }
0x5d: {  	[tilespmem:s28+$0x1060] =	vst v8;
	vm11 =	vlt.u32 v52, $0x1400;
	v60 =	vor.u32 $0x1400, v53;
	vm12 =	vlt.u32 v54, $0x1400  }
0x5e: {  	v4 =	vor.u32 $0x1400, v55;
	v56 =	vsub.s32 v43, v0;
	v11 =	vand.u32 $0x7F, v43;
	[tilespmem:s28+$0x106D] =	vst v9  }
0x5f: {  	v9 =	vsel vm10, v50, v59;
	v5 =	vsel vm11, v52, v60;
	v4 =	vsel vm12, v54, v4;
	[tilespmem:s26+$0x1050] =	vst v44  }
0x60: {  	v57 =	vsub.s32 v45, v0;
	v7 =	vand.u32 $0x7F, v45;
	vm13 =	vlt.u32 v56, $0x1400;
	[tilespmem:s28+$0x1000] =	vst v9  }
0x61: {  	v61 =	vor.u32 $0x1400, v11;
	v58 =	vsub.s32 v3, v0;
	v3 =	vand.u32 $0x7F, v3;
	[tilespmem:s28+$0x1010] =	vst v5  }
0x62: {  	vm14 =	vlt.u32 v57, $0x1400;
	v62 =	vor.u32 $0x1400, v7;
	v6 =	vsel vm13, v56, v61;
	[tilespmem:s28+$0x1020] =	vst v4  }
0x63: {  	vm15 =	vlt.u32 v58, $0x1400;
	v3 =	vor.u32 $0x1400, v3;
	v63 =	vsel vm14, v57, v62;
	[tilespmem:s28+$0x1030] =	vst v6  }
0x64: {  	p0 =	por $0x1, $0x1;
	v3 =	vsel vm15, v58, v3;
	[tilespmem:s28+$0x1040] =	vst v63  }
0x65: {  	s29 =	simm.s32 @!p0 $0x1;
	s26 =	simm.s32 $0x1000;
	[tilespmem:s28+$0x1050] =	vst v3  }
0x66: {  	[spmem:s1] =	stream.indirect.scatter.add.f32 [tilespmem:s21], [sflag:$0x1], $0x10, s26, s20, $0xb8;
	[tilespmem:$0xB480] =	vst v63  }
0x67: {  	_ =	swait.ge @!p0 [sflag:s29], $0x7D0  }
0x68: {  	s28 =	simm.s32 $0x1;
	[sflag:s29] =	ssyncset.done @!p0 $0x0  }
.LBB2_9:
0x69: {  	[sflag:s29] =	ssyncadd.s32 @!p0 $0xFFFFF830  }
0x6a: {  	s26 =	sadd.s32 $0x80, s26;
	s29 =	smov.u32 s28;
	s28 =	sadd.s32 $0x1, s28  }
0x6b: {  	p1 =	sne.s32 s28, $0x20  }
0x6c: {  	[spmem:s1] =	stream.indirect.scatter.add.f32 [tilespmem:s21], [sflag:$0x1], $0x10, s26, s20, $0xb8;
	[tilespmem:$0xB480] =	vst v63  }
.Ltmp3:
0x6d: {  	_ = 	snop;
	(pc) =	sbr.rel @p1 .LBB2_9-.Ltmp3, $4  }
0x6e: {  	p0 =	slt.u32 s29, $0x8  }
0x6f: {  	s29 =	simm.s32 @!p0 $0x1  }
0x70: {  	_ =	swait.ge @!p0 [sflag:s29], $0x7D0  }
0x71: {  	[sflag:s29] =	ssyncset.done @!p0 $0x0  }
0x72: {  	[sflag:s29] =	ssyncadd.s32 @!p0 $0xFFFFF830  }
0x73: {  	_ =	swait.ge [sflag:s22], $0x7D0  }
0x74: {  	[sflag:s22] =	ssyncset.done $0x0  }
0x75: {  	[sflag:s22] =	ssyncadd.s32 $0xFFFFF830  }
0x76: {  	_ =	swait.ge [sflag:s22], $0x7D0  }
0x77: {  	[sflag:s22] =	ssyncset.done $0x0  }
0x78: {  	[sflag:s22] =	ssyncadd.s32 $0xFFFFF830  }
0x79: {  	_ =	swait.ge [sflag:s22], $0x7D0  }
0x7a: {  	[sflag:s22] =	ssyncset.done $0x0  }
0x7b: {  	[sflag:s22] =	ssyncadd.s32 $0xFFFFF830  }
0x7c: {  	_ =	swait.ge [sflag:s22], $0x7D0  }
0x7d: {  	[sflag:s22] =	ssyncset.done $0x0  }
0x7e: {  	[sflag:s22] =	ssyncadd.s32 $0xFFFFF830  }
0x7f: {  	_ =	swait.ge [sflag:s22], $0x7D0  }
0x80: {  	[sflag:s22] =	ssyncset.done $0x0  }
0x81: {  	[sflag:s22] =	ssyncadd.s32 $0xFFFFF830  }
0x82: {  	_ =	swait.ge [sflag:s22], $0x7D0  }
0x83: {  	[sflag:s22] =	ssyncset.done $0x0  }
0x84: {  	s25 =	sadd.s32 $0x1, s25;
	[sflag:s22] =	ssyncadd.s32 $0xFFFFF830  }
0x85: {  	p0 =	sne.s32 s25, $0x5;
	_ =	swait.ge [sflag:s22], $0x7D0  }
.Ltmp4:
0x86: {  	[sflag:s22] =	ssyncset.done $0x0;
	(pc) =	sbr.rel @p0 .LBB2_6-.Ltmp4, $4  }
0x87: {  	[sflag:s22] =	ssyncadd.s32 $0xFFFFF830  }
0x88: {  	_ =	swait.ge [sflag:s22], $0x7D0  }
0x89: {  	[sflag:s22] =	ssyncset.done $0x0  }
0x8a: {  	[sflag:s22] =	ssyncadd.s32 $0xFFFFF830  }
0x8b: {  	[bflag:$0x0] =	sbarrier.arrive $0xFFFF  }
0x8c: {  	[tilespmem:s18], [sflag:$0x2] =	stream.linear.gather [spmem:s9], $0x2800, $0x38;
	[tilespmem:$0xB480] =	vst v63  }
0x8d: {  	_ =	swait.ge [sflag:s19], $0x2800  }
0x8e: {  	[sflag:s19] =	ssyncset.done $0x0  }
0x8f: {  	[sflag:s19] =	ssyncadd.s32 $0xFFFFD800  }
0x90: {  	[hbm4b:s10+s3] =	stream.linear.scatter [tilespmem:s18], [sflag:$0x2], $0x2800, $0x38;
	[tilespmem:$0xB480] =	vst v63  }
0x91: {  	_ =	swait.ge [sflag:s19], $0x2800  }
0x92: {  	[sflag:s19] =	ssyncset.done $0x0  }
0x93: {  	[sflag:s19] =	ssyncadd.s32 $0xFFFFD800  }
0x94: {  	[tilespmem:s18], [sflag:$0x2] =	stream.linear.gather [spmem:s11], $0x2800, $0x38;
	[tilespmem:$0xB480] =	vst v63  }
0x95: {  	_ =	swait.ge [sflag:s19], $0x2800  }
0x96: {  	[sflag:s19] =	ssyncset.done $0x0  }
0x97: {  	[sflag:s19] =	ssyncadd.s32 $0xFFFFD800  }
0x98: {  	[hbm4b:s12+s3] =	stream.linear.scatter [tilespmem:s18], [sflag:$0x2], $0x2800, $0x38;
	[tilespmem:$0xB480] =	vst v63  }
0x99: {  	_ =	swait.ge [sflag:s19], $0x2800  }
0x9a: {  	[sflag:s19] =	ssyncset.done $0x0  }
0x9b: {  	[sflag:s19] =	ssyncadd.s32 $0xFFFFD800  }
0x9c: {  	[tilespmem:s18], [sflag:$0x2] =	stream.linear.gather [spmem:s13], $0x2800, $0x38;
	[tilespmem:$0xB480] =	vst v63  }
0x9d: {  	_ =	swait.ge [sflag:s19], $0x2800  }
0x9e: {  	[sflag:s19] =	ssyncset.done $0x0  }
0x9f: {  	[sflag:s19] =	ssyncadd.s32 $0xFFFFD800  }
0xa0: {  	[hbm4b:s14+s3] =	stream.linear.scatter [tilespmem:s18], [sflag:$0x2], $0x2800, $0x38;
	[tilespmem:$0xB480] =	vst v63  }
0xa1: {  	_ =	swait.ge [sflag:s19], $0x2800  }
0xa2: {  	[sflag:s19] =	ssyncset.done $0x0  }
0xa3: {  	[sflag:s19] =	ssyncadd.s32 $0xFFFFD800  }
0xa4: {  	[tilespmem:s18], [sflag:$0x2] =	stream.linear.gather [spmem:s15], $0x2800, $0x38;
	[tilespmem:$0xB480] =	vst v63  }
0xa5: {  	s23 =	sadd.s32 $0x1, s23;
	_ =	swait.ge [sflag:s19], $0x2800  }
0xa6: {  	p0 =	sne.s32 s23, s17;
	[sflag:s19] =	ssyncset.done $0x0  }
.Ltmp5:
0xa7: {  	[sflag:s19] =	ssyncadd.s32 $0xFFFFD800;
	(pc) =	sbr.rel @p0 .LBB2_1-.Ltmp5, $4  }
0xa8: {  	[hbm4b:s16+s3] =	stream.linear.scatter [tilespmem:s18], [sflag:$0x2], $0x2800, $0x38;
	[tilespmem:$0xB480] =	vst v63  }
0xa9: {  	_ =	swait.ge [sflag:s19], $0x2800  }
0xaa: {  	[sflag:s19] =	ssyncset.done $0x0  }
0xab: {  	[sflag:s19] =	ssyncadd.s32 $0xFFFFD800  }
0xac: {  	_ =	sfence.sel $0x180000  }
0xad: {  	[bflag:$0x0] =	sbarrier.arrive $0xFFFF  }
0xae: {  	p0 =	sne.s32 s2, $0x0;
	_ =	strace $0x90000047  }
0xaf: {  	s0 =	sadd.s32 @!p0 $0x100000, s0;
	[bflag:$0x2] =	sbarrier.arrive $0xFFFF  }
0xb0: {  	[sflag:s0] =	ssyncadd.tile.s32 @!p0 $0x1;
	_ =	shalt  }
.Lfunc_end2:
_tile_overlayer_lowered:
.L_overlay_start_2:
0xb1: {  	(tag) =	ssettag $0x2  }
0xb2: {  	s0 =	rddreg [dreg:$0x0];
	s2 =	stileid.u32  }
0xb3: {  	s1 =	rddreg [dreg:$0x1];
	p0 =	sne.s32 s2, $0x0  }
0xb4: {  	s3 =	rddreg [dreg:$0x2];
	[bflag:$0x3] =	sbarrier.arrive $0xFFFF;
	s2 =	simm.s32 @!p0 $0x1C02  }
0xb5: {  	[timem:s3], [sflag:s2] =	dma.local @!p0 [hbm:s0], s1  }
0xb6: {  	s0 =	simm.s32 @!p0 $0x2  }
0xb7: {  	_ =	swait.ge @!p0 [sflag:s0], s1  }
0xb8: {  	s1 =	ssub.s32 @!p0 $0x0, s1;
	[sflag:s0] =	ssyncset.done @!p0 $0x0  }
0xb9: {  	[sflag:s0] =	ssyncadd.s32 @!p0 s1  }
0xba: {  	[bflag:$0x3] =	sbarrier.arrive $0xFFFF  }
0xbb: {  	_ =	shalt  }

</sc_bundles>
